<compile_context>
chip_gen: v7x
topology: tpu7x:2x2x1
jax: 0.10.2.dev20260603
libtpu: 0.0.44.dev20260713+nightly
codegen_flags: <defaults>
</compile_context>

<pallas_src>
import functools

import jax
import jax.numpy as jnp
from jax import lax
from jax.experimental import pallas as pl
from jax.experimental.pallas import tpu as pltpu
from jax.experimental.pallas import tpu_sc as plsc

N_NODES = 10000
N_EDGES = 320000
D = 128
MUL = 32
NBASIS = 8
HID = 64
SCAL_OUT = 96
AVG_NEIGH = 32.0

NC = 2
NS = 16
CHUNK = 80
SUB = 5
OC = SUB * CHUNK
OC_N = N_EDGES // (NC * NS) // OC
CHUNK_S = 40
ROWS_S = N_EDGES // CHUNK_S
S_CHUNKS = N_EDGES // NS // CHUNK_S
N_PAD = 10240
NODES_PER_TILE = N_PAD // NS
HALF = 176


def _swish(x):
    return x * (1.0 / (1.0 + jnp.exp(-x)))


def _node_kernel(nf_ref, sp_ref, wup_ref, wskip_ref, h_ref, self_ref):
    nf = nf_ref[...]
    sp = sp_ref[...]
    h_ref[...] = jnp.dot(nf, wup_ref[...], preferred_element_type=jnp.float32)
    acc = jnp.zeros((nf.shape[0], SCAL_OUT), jnp.float32)
    for s in range(5):
        mask = (sp == s).astype(jnp.float32)
        acc = acc + jnp.dot(nf * mask, wskip_ref[s],
                            preferred_element_type=jnp.float32)
    self_ref[...] = acc


def _gather_body(h_hbm, snd_hbm, m_hbm, idx_v, rows_v,
                 isem0, isem1, gsem, wsem0, wsem1):
    c = lax.axis_index("c")
    s = lax.axis_index("s")
    wid = s * NC + c
    base = wid * OC_N
    isems = (isem0, isem1)
    wsems = (wsem0, wsem1)

    def issue_idx(g, slot):
        pltpu.async_copy(snd_hbm.at[base + g], idx_v.at[slot], isems[slot])

    def drain_idx(g, slot):
        pltpu.make_async_copy(snd_hbm.at[base + g], idx_v.at[slot],
                              isems[slot]).wait()

    def gather(slot):
        for j in range(SUB):
            pltpu.async_copy(h_hbm.at[idx_v.at[slot, j]],
                             rows_v.at[slot, pl.ds(j * CHUNK, CHUNK)], gsem)
        for j in range(SUB):
            pltpu.make_async_copy(h_hbm.at[idx_v.at[slot, j]],
                                  rows_v.at[slot, pl.ds(j * CHUNK, CHUNK)],
                                  gsem).wait()

    def wb(g, slot):
        pltpu.async_copy(rows_v.at[slot],
                         m_hbm.at[pl.ds((base + g) * OC, OC)], wsems[slot])

    def drain_wb(g, slot):
        pltpu.make_async_copy(rows_v.at[slot],
                              m_hbm.at[pl.ds((base + g) * OC, OC)],
                              wsems[slot]).wait()

    issue_idx(0, 0)
    issue_idx(1, 1)

    def pair_body(gp, carry):
        g0 = 2 * gp

        @pl.when(gp > 0)
        def _():
            drain_wb(g0 - 2, 0)
        drain_idx(g0, 0)
        gather(0)
        issue_idx(g0 + 2, 0)
        wb(g0, 0)

        g1 = g0 + 1

        @pl.when(gp > 0)
        def _():
            drain_wb(g1 - 2, 1)
        drain_idx(g1, 1)
        gather(1)

        @pl.when(g1 + 2 < OC_N)
        def _():
            issue_idx(g1 + 2, 1)
        wb(g1, 1)
        return carry

    lax.fori_loop(0, OC_N // 2, pair_body, 0)
    g = OC_N - 1
    drain_wb(g - 2, 0)
    drain_idx(g, 0)
    gather(0)
    wb(g, 0)
    drain_wb(g - 1, 1)
    drain_wb(g, 0)


def _edge_kernel(vec_ref, m_ref, w1_ref, w2_ref, w3_ref,
                 wd0_ref, wd12_ref, s_ref, cy_ref, by_ref, ua_ref, ub_ref):
    v = vec_ref[...]
    x = v[:, 0:1]
    y = v[:, 1:2]
    z = v[:, 2:3]
    len2 = x * x + y * y + z * z
    zmask = len2 == 0.0
    inv_safe = jnp.where(zmask, 1.0, lax.rsqrt(len2))
    length = len2 * inv_safe

    u3 = v * inv_safe
    u3r = jnp.concatenate([u3[:, 1:3], u3[:, 0:1]], axis=1)
    p9 = jnp.concatenate([u3, u3 * u3, u3 * u3r], axis=1)
    yb = jnp.dot(p9, cy_ref[...],
                 preferred_element_type=jnp.float32) + by_ref[...]

    Be = v.shape[0]
    k = lax.broadcasted_iota(jnp.int32, (Be, NBASIS), 1).astype(jnp.float32) + 1.0
    kx = k * length
    n_i = (kx + 0.5).astype(jnp.int32)
    r = (kx - n_i.astype(jnp.float32)) * jnp.pi
    r2 = r * r
    poly = r * (1.0 + r2 * (-0.16666667 + r2 * (8.3333333e-3
                + r2 * (-1.98412698e-4 + r2 * 2.75573192e-6))))
    sgn = jnp.where((n_i & 1) == 0, 1.0, -1.0)
    bes = (1.4142135623730951 * sgn * poly) * inv_safe
    l6 = len2 * len2 * len2
    l7 = l6 * length
    l8 = l7 * length
    env = 1.0 - 28.0 * l6 + 48.0 * l7 - 21.0 * l8
    env = jnp.where(length < 1.0, env, 0.0)
    rad = jnp.where(zmask, 0.0, bes * env)

    hm = _swish(jnp.dot(rad, w1_ref[...], preferred_element_type=jnp.float32))
    hm = _swish(jnp.dot(hm, w2_ref[...], preferred_element_type=jnp.float32))
    mix = jnp.dot(hm, w3_ref[...], preferred_element_type=jnp.float32)

    m = m_ref[...]
    q0 = jnp.dot(m * mix[:, 0:D], wd0_ref[...],
                 preferred_element_type=jnp.float32)
    a12 = jnp.concatenate([m * mix[:, D:2 * D], m * mix[:, 2 * D:3 * D]],
                          axis=1)
    q12 = jnp.dot(a12, wd12_ref[...],
                  preferred_element_type=jnp.float32)
    qq = jnp.dot(q12, s_ref[...],
                 preferred_element_type=jnp.float32)
    u = jnp.concatenate([q0, qq * yb], axis=1)
    ua_ref[...] = u[:, :HALF]
    ub_ref[...] = u[:, HALF:]


def _scatter_body(ua_hbm, ub_hbm, recv_hbm, z_hbm, outa_hbm, outb_hbm,
                  idx_v, u_v, acc, sem_a, sem_b):
    c = lax.axis_index("c")
    sid = lax.axis_index("s")
    sems = (sem_a, sem_b)

    def run(u_hbm, out_hbm):
        pltpu.sync_copy(z_hbm, acc.at[pl.ds(sid * NODES_PER_TILE,
                                            NODES_PER_TILE)])
        plsc.subcore_barrier()
        base = sid * S_CHUNKS

        def issue(g, slot):
            r = base + g
            pltpu.async_copy(recv_hbm.at[r], idx_v.at[slot], sems[slot])
            pltpu.async_copy(u_hbm.at[pl.ds(r * CHUNK_S, CHUNK_S)],
                             u_v.at[slot], sems[slot])

        def drain(g, slot):
            r = base + g
            pltpu.make_async_copy(recv_hbm.at[r], idx_v.at[slot],
                                  sems[slot]).wait()
            pltpu.make_async_copy(u_hbm.at[pl.ds(r * CHUNK_S, CHUNK_S)],
                                  u_v.at[slot], sems[slot]).wait()

        def scat(slot):
            pltpu.sync_copy(u_v.at[slot], acc.at[idx_v.at[slot]], add=True)

        issue(0, 0)

        def pair_body(gp, carry):
            g0 = 2 * gp
            issue(g0 + 1, 1)
            drain(g0, 0)
            scat(0)

            @pl.when(g0 + 2 < S_CHUNKS)
            def _():
                issue(g0 + 2, 0)
            drain(g0 + 1, 1)
            scat(1)
            return carry

        lax.fori_loop(0, S_CHUNKS // 2, pair_body, 0)
        plsc.subcore_barrier()
        sl = pl.ds(sid * NODES_PER_TILE, NODES_PER_TILE)
        pltpu.sync_copy(acc.at[sl], out_hbm.at[sl])

    @pl.when(c == 0)
    def _():
        run(ua_hbm, outa_hbm)

    @pl.when(c == 1)
    def _():
        run(ub_hbm, outb_hbm)


def _out_kernel(aa_ref, ab_ref, self_ref, out_ref):
    inv = 1.0 / jnp.sqrt(AVG_NEIGH)
    aa = aa_ref[...]
    ab = ab_ref[...]
    s_pre = aa[:, :SCAL_OUT] * inv + self_ref[...]
    feat = s_pre[:, :MUL]
    gv = _swish(s_pre[:, MUL:2 * MUL])
    gt = _swish(s_pre[:, 2 * MUL:3 * MUL])
    acc_rest = jnp.concatenate([aa[:, SCAL_OUT:], ab], axis=1) * inv
    v_im = acc_rest[:, :96] * jnp.concatenate([gv, gv, gv], axis=1)
    t_im = acc_rest[:, 96:] * jnp.concatenate([gt, gt, gt, gt, gt], axis=1)
    out_ref[...] = jnp.concatenate([_swish(feat), v_im, t_im], axis=1)


def kernel(vectors, node_feats, node_specie, senders, receivers,
           W_skip, W_up, W_mlp1, W_mlp2, W_mlp3, W_down0, W_down1, W_down2):
    n = node_feats.shape[0]
    f32 = jnp.float32

    Bn = 1000
    h, self_conn = pl.pallas_call(
        _node_kernel,
        grid=(n // Bn,),
        in_specs=[
            pl.BlockSpec((Bn, D), lambda i: (i, 0)),
            pl.BlockSpec((Bn, 1), lambda i: (i, 0)),
            pl.BlockSpec((D, D), lambda i: (0, 0)),
            pl.BlockSpec((5, D, SCAL_OUT), lambda i: (0, 0, 0)),
        ],
        out_specs=[
            pl.BlockSpec((Bn, D), lambda i: (i, 0)),
            pl.BlockSpec((Bn, SCAL_OUT), lambda i: (i, 0)),
        ],
        out_shape=[
            jax.ShapeDtypeStruct((n, D), f32),
            jax.ShapeDtypeStruct((n, SCAL_OUT), f32),
        ],
    )(node_feats, node_specie.astype(jnp.int32).reshape(n, 1), W_up, W_skip)

    snd3d = senders.astype(jnp.int32).reshape(N_EDGES // OC, SUB, CHUNK)
    mesh = plsc.VectorSubcoreMesh(core_axis_name="c", subcore_axis_name="s")
    sc_params = pltpu.CompilerParams(use_tc_tiling_on_sc=False)
    m = pl.kernel(
        _gather_body,
        out_type=jax.ShapeDtypeStruct((N_EDGES, D), f32),
        mesh=mesh,
        scratch_types=[
            pltpu.VMEM((2, SUB, CHUNK), jnp.int32),
            pltpu.VMEM((2, OC, D), f32),
            pltpu.SemaphoreType.DMA,
            pltpu.SemaphoreType.DMA,
            pltpu.SemaphoreType.DMA,
            pltpu.SemaphoreType.DMA,
            pltpu.SemaphoreType.DMA,
        ],
    )(h, snd3d)

    s3 = 1.7320508075688772
    s15 = 3.872983346207417
    s5h = 1.118033988749895
    C9 = jnp.zeros((9, 8), f32)
    C9 = C9.at[0, 0].set(s3).at[1, 1].set(s3).at[2, 2].set(s3)
    C9 = C9.at[6, 3].set(s15)
    C9 = C9.at[7, 4].set(s15)
    C9 = C9.at[5, 5].set(3.0 * s5h)
    C9 = C9.at[8, 6].set(s15)
    C9 = C9.at[3, 7].set(0.5 * s15).at[4, 7].set(-0.5 * s15)
    b8 = jnp.zeros((1, 8), f32).at[0, 5].set(-s5h)
    R = jnp.kron(jnp.eye(8, dtype=f32), jnp.ones((1, MUL), f32))
    CY = C9 @ R
    bY = b8 @ R
    I32 = jnp.eye(MUL, dtype=f32)
    S = jnp.concatenate([
        jnp.concatenate([jnp.tile(I32, (1, 3)), jnp.zeros((MUL, 160), f32)], 1),
        jnp.concatenate([jnp.zeros((MUL, 96), f32), jnp.tile(I32, (1, 5))], 1),
    ], axis=0)
    Wd12 = jnp.concatenate([
        jnp.concatenate([W_down1, jnp.zeros((D, MUL), f32)], 1),
        jnp.concatenate([jnp.zeros((D, MUL), f32), W_down2], 1),
    ], axis=0)

    Be = 2000
    ua, ub = pl.pallas_call(
        _edge_kernel,
        grid=(N_EDGES // Be,),
        in_specs=[
            pl.BlockSpec((Be, 3), lambda i: (i, 0)),
            pl.BlockSpec((Be, D), lambda i: (i, 0)),
            pl.BlockSpec((NBASIS, HID), lambda i: (0, 0)),
            pl.BlockSpec((HID, HID), lambda i: (0, 0)),
            pl.BlockSpec((HID, 3 * D), lambda i: (0, 0)),
            pl.BlockSpec((D, SCAL_OUT), lambda i: (0, 0)),
            pl.BlockSpec((2 * D, HID), lambda i: (0, 0)),
            pl.BlockSpec((HID, 2 * D), lambda i: (0, 0)),
            pl.BlockSpec((9, 2 * D), lambda i: (0, 0)),
            pl.BlockSpec((1, 2 * D), lambda i: (0, 0)),
        ],
        out_specs=[
            pl.BlockSpec((Be, HALF), lambda i: (i, 0)),
            pl.BlockSpec((Be, HALF), lambda i: (i, 0)),
        ],
        out_shape=[
            jax.ShapeDtypeStruct((N_EDGES, HALF), f32),
            jax.ShapeDtypeStruct((N_EDGES, HALF), f32),
        ],
    )(vectors, m, W_mlp1, W_mlp2, W_mlp3, W_down0, Wd12, S, CY, bY)

    rcv2d = receivers.astype(jnp.int32).reshape(ROWS_S, CHUNK_S)
    zrows = jnp.zeros((NODES_PER_TILE, HALF), f32)
    acc_a, acc_b = pl.kernel(
        _scatter_body,
        out_type=[
            jax.ShapeDtypeStruct((N_PAD, HALF), f32),
            jax.ShapeDtypeStruct((N_PAD, HALF), f32),
        ],
        mesh=mesh,
        compiler_params=sc_params,
        scratch_types=[
            pltpu.VMEM((2, CHUNK_S), jnp.int32),
            pltpu.VMEM((2, CHUNK_S, HALF), f32),
            pltpu.VMEM_SHARED((N_PAD, HALF), f32),
            pltpu.SemaphoreType.DMA,
            pltpu.SemaphoreType.DMA,
        ],
    )(ua, ub, rcv2d, zrows)

    out288 = pl.pallas_call(
        _out_kernel,
        grid=(n // Bn,),
        in_specs=[
            pl.BlockSpec((Bn, HALF), lambda i: (i, 0)),
            pl.BlockSpec((Bn, HALF), lambda i: (i, 0)),
            pl.BlockSpec((Bn, SCAL_OUT), lambda i: (i, 0)),
        ],
        out_specs=pl.BlockSpec((Bn, 288), lambda i: (i, 0)),
        out_shape=jax.ShapeDtypeStruct((n, 288), f32),
    )(acc_a, acc_b, self_conn)

    out_s = out288[:, :MUL]
    out_v = out288[:, MUL:MUL + 96].reshape(n, 3, MUL).transpose(0, 2, 1)
    out_t = out288[:, MUL + 96:].reshape(n, 5, MUL).transpose(0, 2, 1)
    return jnp.concatenate(
        [out_s, out_v.reshape(n, 96), out_t.reshape(n, 160)], axis=1)

# --- scband reference (transcript-rebuilt; emitter-appended) ---
"""Pipeline reference for scband-nequiplayer-35098472743024 (READ-ONLY COPY).

The authoritative reference and input builder live on the scoring server;
editing this copy changes nothing except your own understanding.
"""

import jax, jax.numpy as jnp
import numpy as np

N_NODES = 10000
N_EDGES = 320000
D = 128
MUL = 32
NUM_SPECIES = 5
NBASIS = 8
HID = 64
AVG_NEIGH = 32.0
SCAL_OUT = MUL + 2 * MUL  # 32 feature scalars + 64 gate scalars


def _sh(u):
    # component-normalized real spherical harmonics l=1,2 of unit vectors
    x, y, z = u[:, 0], u[:, 1], u[:, 2]
    y1 = jnp.sqrt(3.0) * u
    y2 = jnp.stack([
        jnp.sqrt(15.0) * x * y,
        jnp.sqrt(15.0) * y * z,
        (jnp.sqrt(5.0) / 2.0) * (3.0 * z ** 2 - 1.0),
        jnp.sqrt(15.0) * x * z,
        (jnp.sqrt(15.0) / 2.0) * (x ** 2 - y ** 2),
    ], axis=1)
    return y1, y2


def _bessel(x, n=NBASIS, x_max=1.0):
    xs = jnp.where(x == 0.0, 1.0, x)[:, None]
    k = jnp.arange(1, n + 1, dtype=x.dtype)[None, :]
    return jnp.sqrt(2.0 / x_max) * jnp.sin(k * jnp.pi * xs / x_max) / xs


def _envelope(x, p=6):
    u = (1.0
         - ((p + 1.0) * (p + 2.0) / 2.0) * x ** p
         + p * (p + 2.0) * x ** (p + 1)
         - (p * (p + 1.0) / 2.0) * x ** (p + 2))
    return jnp.where(x < 1.0, u, 0.0)


def reference(vectors, node_feats, node_specie, senders, receivers,
              W_skip, W_up, W_mlp1, W_mlp2, W_mlp3, W_down0, W_down1, W_down2):
    n = node_feats.shape[0]
    lengths = jnp.linalg.norm(vectors, axis=1)
    safe_len = jnp.where(lengths == 0.0, 1.0, lengths)
    u = vectors / safe_len[:, None]
    y1, y2 = _sh(u)

    # self connection: species-indexed linear (128x0e -> 96x0e; no scalar->l>0 path)
    self_conn = jnp.einsum('nd,ndo->no', node_feats, W_skip[node_specie])

    # linear up
    h = node_feats @ W_up

    # gather messages by sender
    m = h[senders]  # [E, D]

    # tensor product with SH (exact for scalar-only input irreps; 3o filtered out)
    msg0 = m                                   # [E, D]    0e
    msg1 = m[:, :, None] * y1[:, None, :]      # [E, D, 3] 1o
    msg2 = m[:, :, None] * y2[:, None, :]      # [E, D, 5] 2e

    # radial MLP on bessel(lengths) * envelope(lengths)
    radial = _bessel(lengths) * _envelope(lengths)[:, None]
    radial = jnp.where(lengths[:, None] == 0.0, 0.0, radial)
    hm = jax.nn.swish(radial @ W_mlp1)
    hm = jax.nn.swish(hm @ W_mlp2)
    mix = hm @ W_mlp3  # [E, 3*D]

    msg0 = msg0 * mix[:, :D]
    msg1 = msg1 * mix[:, D:2 * D, None]
    msg2 = msg2 * mix[:, 2 * D:3 * D, None]

    # scatter-add to receivers
    inv = 1.0 / jnp.sqrt(AVG_NEIGH)
    n0 = jnp.zeros((n, D), msg0.dtype).at[receivers].add(msg0) * inv
    n1 = jnp.zeros((n, D, 3), msg1.dtype).at[receivers].add(msg1) * inv
    n2 = jnp.zeros((n, D, 5), msg2.dtype).at[receivers].add(msg2) * inv

    # linear down per irrep + skip
    s = n0 @ W_down0 + self_conn                        # [N, 96]
    v = jnp.einsum('ndi,do->noi', n1, W_down1)          # [N, 32, 3]
    t = jnp.einsum('ndi,do->noi', n2, W_down2)          # [N, 32, 5]

    # gate
    feat_s = s[:, :MUL]
    gates = s[:, MUL:]
    out_s = jax.nn.swish(feat_s)
    out_v = v * jax.nn.swish(gates[:, :MUL])[:, :, None]
    out_t = t * jax.nn.swish(gates[:, MUL:])[:, :, None]
    return jnp.concatenate([out_s, out_v.reshape(n, -1), out_t.reshape(n, -1)], axis=1)


def setup_inputs(seed: int = 0) -> dict:
    key = jax.random.key(seed)
    ks = jax.random.split(key, 13)
    vectors = jax.random.uniform(ks[0], (N_EDGES, 3), jnp.float32) - 0.5
    node_feats = jax.random.normal(ks[1], (N_NODES, D), jnp.float32)
    node_specie = jax.random.randint(ks[2], (N_NODES,), 0, NUM_SPECIES)
    senders = jax.random.randint(ks[3], (N_EDGES,), 0, N_NODES)
    receivers = jax.random.randint(ks[4], (N_EDGES,), 0, N_NODES)
    W_skip = jax.random.normal(ks[5], (NUM_SPECIES, D, SCAL_OUT), jnp.float32) / np.sqrt(D)
    W_up = jax.random.normal(ks[6], (D, D), jnp.float32) / np.sqrt(D)
    W_mlp1 = jax.random.normal(ks[7], (NBASIS, HID), jnp.float32) / np.sqrt(NBASIS)
    W_mlp2 = jax.random.normal(ks[8], (HID, HID), jnp.float32) / np.sqrt(HID)
    W_mlp3 = jax.random.normal(ks[9], (HID, 3 * D), jnp.float32) / np.sqrt(HID)
    W_down0 = jax.random.normal(ks[10], (D, SCAL_OUT), jnp.float32) / np.sqrt(D)
    W_down1 = jax.random.normal(ks[11], (D, MUL), jnp.float32) / np.sqrt(D)
    W_down2 = jax.random.normal(ks[12], (D, MUL), jnp.float32) / np.sqrt(D)
    return dict(vectors=vectors, node_feats=node_feats, node_specie=node_specie,
                senders=senders, receivers=receivers, W_skip=W_skip, W_up=W_up,
                W_mlp1=W_mlp1, W_mlp2=W_mlp2, W_mlp3=W_mlp3,
                W_down0=W_down0, W_down1=W_down1, W_down2=W_down2)

if __name__ == "__main__":
    import jax
    _d = setup_inputs()
    print(jax.jit(kernel)(*tuple(_d.values())))

</pallas_src>

<mosaic_0001>
#map = affine_map<(d0, d1) -> (0, 0)>
module attributes {stable_mosaic.version = 14 : i64} {
  func.func @_scatter_body(%arg0: i32, %arg1: i32, %arg2: memref<320000x176xf32, #tpu.memory_space<hbm>>, %arg3: memref<320000x176xf32, #tpu.memory_space<hbm>>, %arg4: memref<8000x40xi32, #tpu.memory_space<hbm>>, %arg5: memref<640x176xf32, #tpu.memory_space<hbm>>, %arg6: memref<10240x176xf32, #tpu.memory_space<hbm>>, %arg7: memref<10240x176xf32, #tpu.memory_space<hbm>>, %arg8: memref<2x40xi32, #tpu.memory_space<vmem>>, %arg9: memref<2x40x176xf32, #tpu.memory_space<vmem>>, %arg10: memref<10240x176xf32, #tpu.memory_space<vmem_shared>>, %arg11: memref<!tpu.dma_semaphore, #tpu.memory_space<semaphore_mem>>, %arg12: memref<!tpu.dma_semaphore, #tpu.memory_space<semaphore_mem>>) attributes {dimension_semantics = [#tpu.dimension_semantics<core_parallel>, #tpu.dimension_semantics<subcore_parallel>], iteration_bounds = array<i64: 2, 16>, scalar_prefetch = 0 : i64, scratch_operands = 5 : i64, tpu.core_type = #tpu.core_type<sc_vector_subcore>, window_params = [{transform_indices = #map}, {transform_indices = #map}, {transform_indices = #map}, {transform_indices = #map}, {transform_indices = #map}, {transform_indices = #map}]} {
    %eq3A = arith.constant 0 : i32
    %eq3A_0 = arith.cmpi eq, %arg0, %eq3A : i32
    %convert_element_type3A = arith.extui %eq3A_0 : i1 to i32
    %cond3A = arith.constant 0 : i32
    %cond3A_1 = arith.cmpi ne, %convert_element_type3A, %cond3A : i32
    scf.if %cond3A_1 {
      %mul3A = arith.constant 640 : i32
      %mul3A_7 = arith.muli %arg1, %mul3A : i32
      "tpu.region"() ({
        %run_scoped3A = tpu.sem_alloc : memref<!tpu.dma_semaphore, #tpu.memory_space<semaphore_mem>>
        %dma_start3A_46 = arith.constant 0 : i32
        %dma_start3A_47 = tpu.memref_slice %arg10[%mul3A_7, %dma_start3A_46] : memref<10240x176xf32, #tpu.memory_space<vmem_shared>> -> memref<640x176xf32, #tpu.memory_space<vmem_shared>>
        tpu.enqueue_dma source(%arg5 : memref<640x176xf32, #tpu.memory_space<hbm>>) target(%dma_start3A_47 : memref<640x176xf32, #tpu.memory_space<vmem_shared>>) target_semaphore(%run_scoped3A : memref<!tpu.dma_semaphore, #tpu.memory_space<semaphore_mem>>)
        %dma_wait3A = arith.constant 0 : i32
        %dma_wait3A_48 = tpu.memref_slice %arg10[%mul3A_7, %dma_wait3A] : memref<10240x176xf32, #tpu.memory_space<vmem_shared>> -> memref<640x176xf32, #tpu.memory_space<vmem_shared>>
        tpu.wait_dma2 semaphore(%run_scoped3A : memref<!tpu.dma_semaphore, #tpu.memory_space<semaphore_mem>>) src(%arg5 : memref<640x176xf32, #tpu.memory_space<hbm>>) dst(%dma_wait3A_48 : memref<640x176xf32, #tpu.memory_space<vmem_shared>>)
        tpu.yield
      }) : () -> ()
      %barrier3A = arith.constant 0 : index
      tpu.barrier barrier_id(%barrier3A)
      %mul3A_8 = arith.constant 500 : i32
      %mul3A_9 = arith.muli %arg1, %mul3A_8 : i32
      %add3A = arith.constant 0 : i32
      %add3A_10 = arith.addi %mul3A_9, %add3A : i32
      %dma_start3A = arith.constant 0 : i32
      %dma_start3A_11 = arith.constant 0 : i32
      %dma_start3A_12 = tpu.memref_slice %arg8[%dma_start3A, %dma_start3A_11] : memref<2x40xi32, #tpu.memory_space<vmem>> -> memref<1x40xi32, #tpu.memory_space<vmem>>
      %dma_start3A_13 = tpu.memref_squeeze %dma_start3A_12 : memref<1x40xi32, #tpu.memory_space<vmem>> -> memref<40xi32, #tpu.memory_space<vmem>>
      %dma_start3A_14 = arith.constant 0 : i32
      %dma_start3A_15 = tpu.memref_slice %arg4[%add3A_10, %dma_start3A_14] : memref<8000x40xi32, #tpu.memory_space<hbm>> -> memref<1x40xi32, #tpu.memory_space<hbm>>
      %dma_start3A_16 = tpu.memref_squeeze %dma_start3A_15 : memref<1x40xi32, #tpu.memory_space<hbm>> -> memref<40xi32, #tpu.memory_space<hbm>>
      %dma_start3A_17 = arith.constant 0 : i32
      %dma_start3A_18 = tpu.memref_slice %arg8[%dma_start3A, %dma_start3A_17] : memref<2x40xi32, #tpu.memory_space<vmem>> -> memref<1x40xi32, #tpu.memory_space<vmem>>
      %dma_start3A_19 = tpu.memref_squeeze %dma_start3A_18 : memref<1x40xi32, #tpu.memory_space<vmem>> -> memref<40xi32, #tpu.memory_space<vmem>>
      %dma_start3A_20 = arith.constant 0 : i32
      %dma_start3A_21 = tpu.memref_slice %arg4[%add3A_10, %dma_start3A_20] : memref<8000x40xi32, #tpu.memory_space<hbm>> -> memref<1x40xi32, #tpu.memory_space<hbm>>
      %dma_start3A_22 = tpu.memref_squeeze %dma_start3A_21 : memref<1x40xi32, #tpu.memory_space<hbm>> -> memref<40xi32, #tpu.memory_space<hbm>>
      tpu.enqueue_dma source(%dma_start3A_22 : memref<40xi32, #tpu.memory_space<hbm>>) target(%dma_start3A_19 : memref<40xi32, #tpu.memory_space<vmem>>) target_semaphore(%arg11 : memref<!tpu.dma_semaphore, #tpu.memory_space<semaphore_mem>>)
      %mul3A_23 = arith.constant 40 : i32
      %mul3A_24 = arith.muli %add3A_10, %mul3A_23 : i32
      %dma_start3A_25 = arith.constant 0 : i32
      %dma_start3A_26 = arith.constant 0 : i32
      %dma_start3A_27 = arith.constant 0 : i32
      %dma_start3A_28 = tpu.memref_slice %arg9[%dma_start3A_25, %dma_start3A_26, %dma_start3A_27] : memref<2x40x176xf32, #tpu.memory_space<vmem>> -> memref<1x40x176xf32, #tpu.memory_space<vmem>>
      %dma_start3A_29 = tpu.memref_squeeze %dma_start3A_28 : memref<1x40x176xf32, #tpu.memory_space<vmem>> -> memref<40x176xf32, #tpu.memory_space<vmem>>
      %dma_start3A_30 = arith.constant 0 : i32
      %dma_start3A_31 = tpu.memref_slice %arg2[%mul3A_24, %dma_start3A_30] : memref<320000x176xf32, #tpu.memory_space<hbm>> -> memref<40x176xf32, #tpu.memory_space<hbm>>
      %dma_start3A_32 = arith.constant 0 : i32
      %dma_start3A_33 = arith.constant 0 : i32
      %dma_start3A_34 = tpu.memref_slice %arg9[%dma_start3A_25, %dma_start3A_32, %dma_start3A_33] : memref<2x40x176xf32, #tpu.memory_space<vmem>> -> memref<1x40x176xf32, #tpu.memory_space<vmem>>
      %dma_start3A_35 = tpu.memref_squeeze %dma_start3A_34 : memref<1x40x176xf32, #tpu.memory_space<vmem>> -> memref<40x176xf32, #tpu.memory_space<vmem>>
      %dma_start3A_36 = arith.constant 0 : i32
      %dma_start3A_37 = tpu.memref_slice %arg2[%mul3A_24, %dma_start3A_36] : memref<320000x176xf32, #tpu.memory_space<hbm>> -> memref<40x176xf32, #tpu.memory_space<hbm>>
      tpu.enqueue_dma source(%dma_start3A_37 : memref<40x176xf32, #tpu.memory_space<hbm>>) target(%dma_start3A_35 : memref<40x176xf32, #tpu.memory_space<vmem>>) target_semaphore(%arg11 : memref<!tpu.dma_semaphore, #tpu.memory_space<semaphore_mem>>)
      %scan3A = arith.constant 0 : i32
      %scan3A_38 = arith.constant 0 : i32
      %scan3A_39 = arith.constant 250 : i32
      %scan3A_40 = arith.addi %scan3A_38, %scan3A_39 : i32
      %scan3A_41 = arith.constant 1 : i32
      scf.for %scan3A_46 = %scan3A_38 to %scan3A_40 step %scan3A_41  : i32 {
        %mul3A_47 = arith.constant 2 : i32
        %mul3A_48 = arith.muli %mul3A_47, %scan3A_46 : i32
        %add3A_49 = arith.constant 1 : i32
        %add3A_50 = arith.addi %mul3A_48, %add3A_49 : i32
        %add3A_51 = arith.addi %mul3A_9, %add3A_50 : i32
        %dma_start3A_52 = arith.constant 1 : i32
        %dma_start3A_53 = arith.constant 0 : i32
        %dma_start3A_54 = tpu.memref_slice %arg8[%dma_start3A_52, %dma_start3A_53] : memref<2x40xi32, #tpu.memory_space<vmem>> -> memref<1x40xi32, #tpu.memory_space<vmem>>
        %dma_start3A_55 = tpu.memref_squeeze %dma_start3A_54 : memref<1x40xi32, #tpu.memory_space<vmem>> -> memref<40xi32, #tpu.memory_space<vmem>>
        %dma_start3A_56 = arith.constant 0 : i32
        %dma_start3A_57 = tpu.memref_slice %arg4[%add3A_51, %dma_start3A_56] : memref<8000x40xi32, #tpu.memory_space<hbm>> -> memref<1x40xi32, #tpu.memory_space<hbm>>
        %dma_start3A_58 = tpu.memref_squeeze %dma_start3A_57 : memref<1x40xi32, #tpu.memory_space<hbm>> -> memref<40xi32, #tpu.memory_space<hbm>>
        %dma_start3A_59 = arith.constant 0 : i32
        %dma_start3A_60 = tpu.memref_slice %arg8[%dma_start3A_52, %dma_start3A_59] : memref<2x40xi32, #tpu.memory_space<vmem>> -> memref<1x40xi32, #tpu.memory_space<vmem>>
        %dma_start3A_61 = tpu.memref_squeeze %dma_start3A_60 : memref<1x40xi32, #tpu.memory_space<vmem>> -> memref<40xi32, #tpu.memory_space<vmem>>
        %dma_start3A_62 = arith.constant 0 : i32
        %dma_start3A_63 = tpu.memref_slice %arg4[%add3A_51, %dma_start3A_62] : memref<8000x40xi32, #tpu.memory_space<hbm>> -> memref<1x40xi32, #tpu.memory_space<hbm>>
        %dma_start3A_64 = tpu.memref_squeeze %dma_start3A_63 : memref<1x40xi32, #tpu.memory_space<hbm>> -> memref<40xi32, #tpu.memory_space<hbm>>
        tpu.enqueue_dma source(%dma_start3A_64 : memref<40xi32, #tpu.memory_space<hbm>>) target(%dma_start3A_61 : memref<40xi32, #tpu.memory_space<vmem>>) target_semaphore(%arg12 : memref<!tpu.dma_semaphore, #tpu.memory_space<semaphore_mem>>)
        %mul3A_65 = arith.constant 40 : i32
        %mul3A_66 = arith.muli %add3A_51, %mul3A_65 : i32
        %dma_start3A_67 = arith.constant 1 : i32
        %dma_start3A_68 = arith.constant 0 : i32
        %dma_start3A_69 = arith.constant 0 : i32
        %dma_start3A_70 = tpu.memref_slice %arg9[%dma_start3A_67, %dma_start3A_68, %dma_start3A_69] : memref<2x40x176xf32, #tpu.memory_space<vmem>> -> memref<1x40x176xf32, #tpu.memory_space<vmem>>
        %dma_start3A_71 = tpu.memref_squeeze %dma_start3A_70 : memref<1x40x176xf32, #tpu.memory_space<vmem>> -> memref<40x176xf32, #tpu.memory_space<vmem>>
        %dma_start3A_72 = arith.constant 0 : i32
        %dma_start3A_73 = tpu.memref_slice %arg2[%mul3A_66, %dma_start3A_72] : memref<320000x176xf32, #tpu.memory_space<hbm>> -> memref<40x176xf32, #tpu.memory_space<hbm>>
        %dma_start3A_74 = arith.constant 0 : i32
        %dma_start3A_75 = arith.constant 0 : i32
        %dma_start3A_76 = tpu.memref_slice %arg9[%dma_start3A_67, %dma_start3A_74, %dma_start3A_75] : memref<2x40x176xf32, #tpu.memory_space<vmem>> -> memref<1x40x176xf32, #tpu.memory_space<vmem>>
        %dma_start3A_77 = tpu.memref_squeeze %dma_start3A_76 : memref<1x40x176xf32, #tpu.memory_space<vmem>> -> memref<40x176xf32, #tpu.memory_space<vmem>>
        %dma_start3A_78 = arith.constant 0 : i32
        %dma_start3A_79 = tpu.memref_slice %arg2[%mul3A_66, %dma_start3A_78] : memref<320000x176xf32, #tpu.memory_space<hbm>> -> memref<40x176xf32, #tpu.memory_space<hbm>>
        tpu.enqueue_dma source(%dma_start3A_79 : memref<40x176xf32, #tpu.memory_space<hbm>>) target(%dma_start3A_77 : memref<40x176xf32, #tpu.memory_space<vmem>>) target_semaphore(%arg12 : memref<!tpu.dma_semaphore, #tpu.memory_space<semaphore_mem>>)
        %add3A_80 = arith.addi %mul3A_9, %mul3A_48 : i32
        %dma_wait3A = arith.constant 0 : i32
        %dma_wait3A_81 = arith.constant 0 : i32
        %dma_wait3A_82 = tpu.memref_slice %arg8[%dma_wait3A, %dma_wait3A_81] : memref<2x40xi32, #tpu.memory_space<vmem>> -> memref<1x40xi32, #tpu.memory_space<vmem>>
        %dma_wait3A_83 = tpu.memref_squeeze %dma_wait3A_82 : memref<1x40xi32, #tpu.memory_space<vmem>> -> memref<40xi32, #tpu.memory_space<vmem>>
        %dma_wait3A_84 = arith.constant 0 : i32
        %dma_wait3A_85 = tpu.memref_slice %arg4[%add3A_80, %dma_wait3A_84] : memref<8000x40xi32, #tpu.memory_space<hbm>> -> memref<1x40xi32, #tpu.memory_space<hbm>>
        %dma_wait3A_86 = tpu.memref_squeeze %dma_wait3A_85 : memref<1x40xi32, #tpu.memory_space<hbm>> -> memref<40xi32, #tpu.memory_space<hbm>>
        %dma_wait3A_87 = arith.constant 0 : i32
        %dma_wait3A_88 = tpu.memref_slice %arg8[%dma_wait3A, %dma_wait3A_87] : memref<2x40xi32, #tpu.memory_space<vmem>> -> memref<1x40xi32, #tpu.memory_space<vmem>>
        %dma_wait3A_89 = tpu.memref_squeeze %dma_wait3A_88 : memref<1x40xi32, #tpu.memory_space<vmem>> -> memref<40xi32, #tpu.memory_space<vmem>>
        %dma_wait3A_90 = arith.constant 0 : i32
        %dma_wait3A_91 = tpu.memref_slice %arg4[%add3A_80, %dma_wait3A_90] : memref<8000x40xi32, #tpu.memory_space<hbm>> -> memref<1x40xi32, #tpu.memory_space<hbm>>
        %dma_wait3A_92 = tpu.memref_squeeze %dma_wait3A_91 : memref<1x40xi32, #tpu.memory_space<hbm>> -> memref<40xi32, #tpu.memory_space<hbm>>
        tpu.wait_dma2 semaphore(%arg11 : memref<!tpu.dma_semaphore, #tpu.memory_space<semaphore_mem>>) src(%dma_wait3A_92 : memref<40xi32, #tpu.memory_space<hbm>>) dst(%dma_wait3A_89 : memref<40xi32, #tpu.memory_space<vmem>>)
        %mul3A_93 = arith.constant 40 : i32
        %mul3A_94 = arith.muli %add3A_80, %mul3A_93 : i32
        %dma_wait3A_95 = arith.constant 0 : i32
        %dma_wait3A_96 = arith.constant 0 : i32
        %dma_wait3A_97 = arith.constant 0 : i32
        %dma_wait3A_98 = tpu.memref_slice %arg9[%dma_wait3A_95, %dma_wait3A_96, %dma_wait3A_97] : memref<2x40x176xf32, #tpu.memory_space<vmem>> -> memref<1x40x176xf32, #tpu.memory_space<vmem>>
        %dma_wait3A_99 = tpu.memref_squeeze %dma_wait3A_98 : memref<1x40x176xf32, #tpu.memory_space<vmem>> -> memref<40x176xf32, #tpu.memory_space<vmem>>
        %dma_wait3A_100 = arith.constant 0 : i32
        %dma_wait3A_101 = tpu.memref_slice %arg2[%mul3A_94, %dma_wait3A_100] : memref<320000x176xf32, #tpu.memory_space<hbm>> -> memref<40x176xf32, #tpu.memory_space<hbm>>
        %dma_wait3A_102 = arith.constant 0 : i32
        %dma_wait3A_103 = arith.constant 0 : i32
        %dma_wait3A_104 = tpu.memref_slice %arg9[%dma_wait3A_95, %dma_wait3A_102, %dma_wait3A_103] : memref<2x40x176xf32, #tpu.memory_space<vmem>> -> memref<1x40x176xf32, #tpu.memory_space<vmem>>
        %dma_wait3A_105 = tpu.memref_squeeze %dma_wait3A_104 : memref<1x40x176xf32, #tpu.memory_space<vmem>> -> memref<40x176xf32, #tpu.memory_space<vmem>>
        %dma_wait3A_106 = arith.constant 0 : i32
        %dma_wait3A_107 = tpu.memref_slice %arg2[%mul3A_94, %dma_wait3A_106] : memref<320000x176xf32, #tpu.memory_space<hbm>> -> memref<40x176xf32, #tpu.memory_space<hbm>>
        tpu.wait_dma2 semaphore(%arg11 : memref<!tpu.dma_semaphore, #tpu.memory_space<semaphore_mem>>) src(%dma_wait3A_107 : memref<40x176xf32, #tpu.memory_space<hbm>>) dst(%dma_wait3A_105 : memref<40x176xf32, #tpu.memory_space<vmem>>)
        %run_scoped3A = arith.constant 0 : i32
        %run_scoped3A_108 = arith.constant 0 : i32
        "tpu.region"() ({
          %run_scoped3A_148 = tpu.sem_alloc : memref<!tpu.dma_semaphore, #tpu.memory_space<semaphore_mem>>
          %dma_start3A_149 = arith.constant 0 : i32
          %dma_start3A_150 = arith.constant 0 : i32
          %dma_start3A_151 = tpu.memref_slice %arg9[%run_scoped3A, %dma_start3A_149, %dma_start3A_150] : memref<2x40x176xf32, #tpu.memory_space<vmem>> -> memref<1x40x176xf32, #tpu.memory_space<vmem>>
          %dma_start3A_152 = tpu.memref_squeeze %dma_start3A_151 : memref<1x40x176xf32, #tpu.memory_space<vmem>> -> memref<40x176xf32, #tpu.memory_space<vmem>>
          %dma_start3A_153 = arith.constant 0 : i32
          %dma_start3A_154 = tpu.memref_slice %arg8[%run_scoped3A_108, %dma_start3A_153] : memref<2x40xi32, #tpu.memory_space<vmem>> -> memref<1x40xi32, #tpu.memory_space<vmem>>
          %dma_start3A_155 = tpu.memref_squeeze %dma_start3A_154 : memref<1x40xi32, #tpu.memory_space<vmem>> -> memref<40xi32, #tpu.memory_space<vmem>>
          %dma_start3A_156 = arith.constant 0 : i32
          %dma_start3A_157 = arith.constant 0 : i32
          %dma_start3A_158 = tpu.memref_slice %arg10[%dma_start3A_156, %dma_start3A_157] : memref<10240x176xf32, #tpu.memory_space<vmem_shared>> -> memref<10240x176xf32, #tpu.memory_space<vmem_shared>>
          tpu.enqueue_indirect_dma source(%dma_start3A_152 : memref<40x176xf32, #tpu.memory_space<vmem>>) target(%dma_start3A_158 : memref<10240x176xf32, #tpu.memory_space<vmem_shared>>) offsets(%dma_start3A_155 : memref<40xi32, #tpu.memory_space<vmem>>) semaphore(%run_scoped3A_148 : memref<!tpu.dma_semaphore, #tpu.memory_space<semaphore_mem>>) {add = true}
          %dma_wait3A_159 = arith.constant 0 : i32
          %dma_wait3A_160 = arith.constant 0 : i32
          %dma_wait3A_161 = tpu.memref_slice %arg9[%run_scoped3A, %dma_wait3A_159, %dma_wait3A_160] : memref<2x40x176xf32, #tpu.memory_space<vmem>> -> memref<1x40x176xf32, #tpu.memory_space<vmem>>
          %dma_wait3A_162 = tpu.memref_squeeze %dma_wait3A_161 : memref<1x40x176xf32, #tpu.memory_space<vmem>> -> memref<40x176xf32, #tpu.memory_space<vmem>>
          %dma_wait3A_163 = arith.constant 0 : i32
          %dma_wait3A_164 = tpu.memref_slice %arg8[%run_scoped3A_108, %dma_wait3A_163] : memref<2x40xi32, #tpu.memory_space<vmem>> -> memref<1x40xi32, #tpu.memory_space<vmem>>
          %dma_wait3A_165 = tpu.memref_squeeze %dma_wait3A_164 : memref<1x40xi32, #tpu.memory_space<vmem>> -> memref<40xi32, #tpu.memory_space<vmem>>
          %dma_wait3A_166 = arith.constant 0 : i32
          %dma_wait3A_167 = arith.constant 0 : i32
          %dma_wait3A_168 = tpu.memref_slice %arg10[%dma_wait3A_166, %dma_wait3A_167] : memref<10240x176xf32, #tpu.memory_space<vmem_shared>> -> memref<10240x176xf32, #tpu.memory_space<vmem_shared>>
          tpu.wait_indirect_dma semaphore(%run_scoped3A_148 : memref<!tpu.dma_semaphore, #tpu.memory_space<semaphore_mem>>) src(%dma_wait3A_162 : memref<40x176xf32, #tpu.memory_space<vmem>>) dst(%dma_wait3A_168 : memref<10240x176xf32, #tpu.memory_space<vmem_shared>>)
          tpu.yield
        }) : () -> ()
        %add3A_109 = arith.constant 2 : i32
        %add3A_110 = arith.addi %mul3A_48, %add3A_109 : i32
        %lt3A = arith.constant 500 : i32
        %lt3A_111 = arith.cmpi slt, %add3A_110, %lt3A : i32
        %convert_element_type3A_112 = arith.extui %lt3A_111 : i1 to i32
        %cond3A_113 = arith.constant 0 : i32
        %cond3A_114 = arith.cmpi ne, %convert_element_type3A_112, %cond3A_113 : i32
        scf.if %cond3A_114 {
          %add3A_148 = arith.constant 2 : i32
          %add3A_149 = arith.addi %mul3A_48, %add3A_148 : i32
          %add3A_150 = arith.addi %mul3A_9, %add3A_149 : i32
          %dma_start3A_151 = arith.constant 0 : i32
          %dma_start3A_152 = arith.constant 0 : i32
          %dma_start3A_153 = tpu.memref_slice %arg8[%dma_start3A_151, %dma_start3A_152] : memref<2x40xi32, #tpu.memory_space<vmem>> -> memref<1x40xi32, #tpu.memory_space<vmem>>
          %dma_start3A_154 = tpu.memref_squeeze %dma_start3A_153 : memref<1x40xi32, #tpu.memory_space<vmem>> -> memref<40xi32, #tpu.memory_space<vmem>>
          %dma_start3A_155 = arith.constant 0 : i32
          %dma_start3A_156 = tpu.memref_slice %arg4[%add3A_150, %dma_start3A_155] : memref<8000x40xi32, #tpu.memory_space<hbm>> -> memref<1x40xi32, #tpu.memory_space<hbm>>
          %dma_start3A_157 = tpu.memref_squeeze %dma_start3A_156 : memref<1x40xi32, #tpu.memory_space<hbm>> -> memref<40xi32, #tpu.memory_space<hbm>>
          %dma_start3A_158 = arith.constant 0 : i32
          %dma_start3A_159 = tpu.memref_slice %arg8[%dma_start3A_151, %dma_start3A_158] : memref<2x40xi32, #tpu.memory_space<vmem>> -> memref<1x40xi32, #tpu.memory_space<vmem>>
          %dma_start3A_160 = tpu.memref_squeeze %dma_start3A_159 : memref<1x40xi32, #tpu.memory_space<vmem>> -> memref<40xi32, #tpu.memory_space<vmem>>
          %dma_start3A_161 = arith.constant 0 : i32
          %dma_start3A_162 = tpu.memref_slice %arg4[%add3A_150, %dma_start3A_161] : memref<8000x40xi32, #tpu.memory_space<hbm>> -> memref<1x40xi32, #tpu.memory_space<hbm>>
          %dma_start3A_163 = tpu.memref_squeeze %dma_start3A_162 : memref<1x40xi32, #tpu.memory_space<hbm>> -> memref<40xi32, #tpu.memory_space<hbm>>
          tpu.enqueue_dma source(%dma_start3A_163 : memref<40xi32, #tpu.memory_space<hbm>>) target(%dma_start3A_160 : memref<40xi32, #tpu.memory_space<vmem>>) target_semaphore(%arg11 : memref<!tpu.dma_semaphore, #tpu.memory_space<semaphore_mem>>)
          %mul3A_164 = arith.constant 40 : i32
          %mul3A_165 = arith.muli %add3A_150, %mul3A_164 : i32
          %dma_start3A_166 = arith.constant 0 : i32
          %dma_start3A_167 = arith.constant 0 : i32
          %dma_start3A_168 = arith.constant 0 : i32
          %dma_start3A_169 = tpu.memref_slice %arg9[%dma_start3A_166, %dma_start3A_167, %dma_start3A_168] : memref<2x40x176xf32, #tpu.memory_space<vmem>> -> memref<1x40x176xf32, #tpu.memory_space<vmem>>
          %dma_start3A_170 = tpu.memref_squeeze %dma_start3A_169 : memref<1x40x176xf32, #tpu.memory_space<vmem>> -> memref<40x176xf32, #tpu.memory_space<vmem>>
          %dma_start3A_171 = arith.constant 0 : i32
          %dma_start3A_172 = tpu.memref_slice %arg2[%mul3A_165, %dma_start3A_171] : memref<320000x176xf32, #tpu.memory_space<hbm>> -> memref<40x176xf32, #tpu.memory_space<hbm>>
          %dma_start3A_173 = arith.constant 0 : i32
          %dma_start3A_174 = arith.constant 0 : i32
          %dma_start3A_175 = tpu.memref_slice %arg9[%dma_start3A_166, %dma_start3A_173, %dma_start3A_174] : memref<2x40x176xf32, #tpu.memory_space<vmem>> -> memref<1x40x176xf32, #tpu.memory_space<vmem>>
          %dma_start3A_176 = tpu.memref_squeeze %dma_start3A_175 : memref<1x40x176xf32, #tpu.memory_space<vmem>> -> memref<40x176xf32, #tpu.memory_space<vmem>>
          %dma_start3A_177 = arith.constant 0 : i32
          %dma_start3A_178 = tpu.memref_slice %arg2[%mul3A_165, %dma_start3A_177] : memref<320000x176xf32, #tpu.memory_space<hbm>> -> memref<40x176xf32, #tpu.memory_space<hbm>>
          tpu.enqueue_dma source(%dma_start3A_178 : memref<40x176xf32, #tpu.memory_space<hbm>>) target(%dma_start3A_176 : memref<40x176xf32, #tpu.memory_space<vmem>>) target_semaphore(%arg11 : memref<!tpu.dma_semaphore, #tpu.memory_space<semaphore_mem>>)
        } else {
        }
        %add3A_115 = arith.constant 1 : i32
        %add3A_116 = arith.addi %mul3A_48, %add3A_115 : i32
        %add3A_117 = arith.addi %mul3A_9, %add3A_116 : i32
        %dma_wait3A_118 = arith.constant 1 : i32
        %dma_wait3A_119 = arith.constant 0 : i32
        %dma_wait3A_120 = tpu.memref_slice %arg8[%dma_wait3A_118, %dma_wait3A_119] : memref<2x40xi32, #tpu.memory_space<vmem>> -> memref<1x40xi32, #tpu.memory_space<vmem>>
        %dma_wait3A_121 = tpu.memref_squeeze %dma_wait3A_120 : memref<1x40xi32, #tpu.memory_space<vmem>> -> memref<40xi32, #tpu.memory_space<vmem>>
        %dma_wait3A_122 = arith.constant 0 : i32
        %dma_wait3A_123 = tpu.memref_slice %arg4[%add3A_117, %dma_wait3A_122] : memref<8000x40xi32, #tpu.memory_space<hbm>> -> memref<1x40xi32, #tpu.memory_space<hbm>>
        %dma_wait3A_124 = tpu.memref_squeeze %dma_wait3A_123 : memref<1x40xi32, #tpu.memory_space<hbm>> -> memref<40xi32, #tpu.memory_space<hbm>>
        %dma_wait3A_125 = arith.constant 0 : i32
        %dma_wait3A_126 = tpu.memref_slice %arg8[%dma_wait3A_118, %dma_wait3A_125] : memref<2x40xi32, #tpu.memory_space<vmem>> -> memref<1x40xi32, #tpu.memory_space<vmem>>
        %dma_wait3A_127 = tpu.memref_squeeze %dma_wait3A_126 : memref<1x40xi32, #tpu.memory_space<vmem>> -> memref<40xi32, #tpu.memory_space<vmem>>
        %dma_wait3A_128 = arith.constant 0 : i32
        %dma_wait3A_129 = tpu.memref_slice %arg4[%add3A_117, %dma_wait3A_128] : memref<8000x40xi32, #tpu.memory_space<hbm>> -> memref<1x40xi32, #tpu.memory_space<hbm>>
        %dma_wait3A_130 = tpu.memref_squeeze %dma_wait3A_129 : memref<1x40xi32, #tpu.memory_space<hbm>> -> memref<40xi32, #tpu.memory_space<hbm>>
        tpu.wait_dma2 semaphore(%arg12 : memref<!tpu.dma_semaphore, #tpu.memory_space<semaphore_mem>>) src(%dma_wait3A_130 : memref<40xi32, #tpu.memory_space<hbm>>) dst(%dma_wait3A_127 : memref<40xi32, #tpu.memory_space<vmem>>)
        %mul3A_131 = arith.constant 40 : i32
        %mul3A_132 = arith.muli %add3A_117, %mul3A_131 : i32
        %dma_wait3A_133 = arith.constant 1 : i32
        %dma_wait3A_134 = arith.constant 0 : i32
        %dma_wait3A_135 = arith.constant 0 : i32
        %dma_wait3A_136 = tpu.memref_slice %arg9[%dma_wait3A_133, %dma_wait3A_134, %dma_wait3A_135] : memref<2x40x176xf32, #tpu.memory_space<vmem>> -> memref<1x40x176xf32, #tpu.memory_space<vmem>>
        %dma_wait3A_137 = tpu.memref_squeeze %dma_wait3A_136 : memref<1x40x176xf32, #tpu.memory_space<vmem>> -> memref<40x176xf32, #tpu.memory_space<vmem>>
        %dma_wait3A_138 = arith.constant 0 : i32
        %dma_wait3A_139 = tpu.memref_slice %arg2[%mul3A_132, %dma_wait3A_138] : memref<320000x176xf32, #tpu.memory_space<hbm>> -> memref<40x176xf32, #tpu.memory_space<hbm>>
        %dma_wait3A_140 = arith.constant 0 : i32
        %dma_wait3A_141 = arith.constant 0 : i32
        %dma_wait3A_142 = tpu.memref_slice %arg9[%dma_wait3A_133, %dma_wait3A_140, %dma_wait3A_141] : memref<2x40x176xf32, #tpu.memory_space<vmem>> -> memref<1x40x176xf32, #tpu.memory_space<vmem>>
        %dma_wait3A_143 = tpu.memref_squeeze %dma_wait3A_142 : memref<1x40x176xf32, #tpu.memory_space<vmem>> -> memref<40x176xf32, #tpu.memory_space<vmem>>
        %dma_wait3A_144 = arith.constant 0 : i32
        %dma_wait3A_145 = tpu.memref_slice %arg2[%mul3A_132, %dma_wait3A_144] : memref<320000x176xf32, #tpu.memory_space<hbm>> -> memref<40x176xf32, #tpu.memory_space<hbm>>
        tpu.wait_dma2 semaphore(%arg12 : memref<!tpu.dma_semaphore, #tpu.memory_space<semaphore_mem>>) src(%dma_wait3A_145 : memref<40x176xf32, #tpu.memory_space<hbm>>) dst(%dma_wait3A_143 : memref<40x176xf32, #tpu.memory_space<vmem>>)
        %run_scoped3A_146 = arith.constant 1 : i32
        %run_scoped3A_147 = arith.constant 1 : i32
        "tpu.region"() ({
          %run_scoped3A_148 = tpu.sem_alloc : memref<!tpu.dma_semaphore, #tpu.memory_space<semaphore_mem>>
          %dma_start3A_149 = arith.constant 0 : i32
          %dma_start3A_150 = arith.constant 0 : i32
          %dma_start3A_151 = tpu.memref_slice %arg9[%run_scoped3A_146, %dma_start3A_149, %dma_start3A_150] : memref<2x40x176xf32, #tpu.memory_space<vmem>> -> memref<1x40x176xf32, #tpu.memory_space<vmem>>
          %dma_start3A_152 = tpu.memref_squeeze %dma_start3A_151 : memref<1x40x176xf32, #tpu.memory_space<vmem>> -> memref<40x176xf32, #tpu.memory_space<vmem>>
          %dma_start3A_153 = arith.constant 0 : i32
          %dma_start3A_154 = tpu.memref_slice %arg8[%run_scoped3A_147, %dma_start3A_153] : memref<2x40xi32, #tpu.memory_space<vmem>> -> memref<1x40xi32, #tpu.memory_space<vmem>>
          %dma_start3A_155 = tpu.memref_squeeze %dma_start3A_154 : memref<1x40xi32, #tpu.memory_space<vmem>> -> memref<40xi32, #tpu.memory_space<vmem>>
          %dma_start3A_156 = arith.constant 0 : i32
          %dma_start3A_157 = arith.constant 0 : i32
          %dma_start3A_158 = tpu.memref_slice %arg10[%dma_start3A_156, %dma_start3A_157] : memref<10240x176xf32, #tpu.memory_space<vmem_shared>> -> memref<10240x176xf32, #tpu.memory_space<vmem_shared>>
          tpu.enqueue_indirect_dma source(%dma_start3A_152 : memref<40x176xf32, #tpu.memory_space<vmem>>) target(%dma_start3A_158 : memref<10240x176xf32, #tpu.memory_space<vmem_shared>>) offsets(%dma_start3A_155 : memref<40xi32, #tpu.memory_space<vmem>>) semaphore(%run_scoped3A_148 : memref<!tpu.dma_semaphore, #tpu.memory_space<semaphore_mem>>) {add = true}
          %dma_wait3A_159 = arith.constant 0 : i32
          %dma_wait3A_160 = arith.constant 0 : i32
          %dma_wait3A_161 = tpu.memref_slice %arg9[%run_scoped3A_146, %dma_wait3A_159, %dma_wait3A_160] : memref<2x40x176xf32, #tpu.memory_space<vmem>> -> memref<1x40x176xf32, #tpu.memory_space<vmem>>
          %dma_wait3A_162 = tpu.memref_squeeze %dma_wait3A_161 : memref<1x40x176xf32, #tpu.memory_space<vmem>> -> memref<40x176xf32, #tpu.memory_space<vmem>>
          %dma_wait3A_163 = arith.constant 0 : i32
          %dma_wait3A_164 = tpu.memref_slice %arg8[%run_scoped3A_147, %dma_wait3A_163] : memref<2x40xi32, #tpu.memory_space<vmem>> -> memref<1x40xi32, #tpu.memory_space<vmem>>
          %dma_wait3A_165 = tpu.memref_squeeze %dma_wait3A_164 : memref<1x40xi32, #tpu.memory_space<vmem>> -> memref<40xi32, #tpu.memory_space<vmem>>
          %dma_wait3A_166 = arith.constant 0 : i32
          %dma_wait3A_167 = arith.constant 0 : i32
          %dma_wait3A_168 = tpu.memref_slice %arg10[%dma_wait3A_166, %dma_wait3A_167] : memref<10240x176xf32, #tpu.memory_space<vmem_shared>> -> memref<10240x176xf32, #tpu.memory_space<vmem_shared>>
          tpu.wait_indirect_dma semaphore(%run_scoped3A_148 : memref<!tpu.dma_semaphore, #tpu.memory_space<semaphore_mem>>) src(%dma_wait3A_162 : memref<40x176xf32, #tpu.memory_space<vmem>>) dst(%dma_wait3A_168 : memref<10240x176xf32, #tpu.memory_space<vmem_shared>>)
          tpu.yield
        }) : () -> ()
      }
      %scan3A_42 = arith.constant 250 : i32
      %barrier3A_43 = arith.constant 0 : index
      tpu.barrier barrier_id(%barrier3A_43)
      %mul3A_44 = arith.constant 640 : i32
      %mul3A_45 = arith.muli %arg1, %mul3A_44 : i32
      "tpu.region"() ({
        %run_scoped3A = tpu.sem_alloc : memref<!tpu.dma_semaphore, #tpu.memory_space<semaphore_mem>>
        %dma_start3A_46 = arith.constant 0 : i32
        %dma_start3A_47 = tpu.memref_slice %arg6[%mul3A_45, %dma_start3A_46] : memref<10240x176xf32, #tpu.memory_space<hbm>> -> memref<640x176xf32, #tpu.memory_space<hbm>>
        %dma_start3A_48 = arith.constant 0 : i32
        %dma_start3A_49 = tpu.memref_slice %arg10[%mul3A_45, %dma_start3A_48] : memref<10240x176xf32, #tpu.memory_space<vmem_shared>> -> memref<640x176xf32, #tpu.memory_space<vmem_shared>>
        tpu.enqueue_dma source(%dma_start3A_49 : memref<640x176xf32, #tpu.memory_space<vmem_shared>>) target(%dma_start3A_47 : memref<640x176xf32, #tpu.memory_space<hbm>>) target_semaphore(%run_scoped3A : memref<!tpu.dma_semaphore, #tpu.memory_space<semaphore_mem>>)
        %dma_wait3A = arith.constant 0 : i32
        %dma_wait3A_50 = tpu.memref_slice %arg6[%mul3A_45, %dma_wait3A] : memref<10240x176xf32, #tpu.memory_space<hbm>> -> memref<640x176xf32, #tpu.memory_space<hbm>>
        %dma_wait3A_51 = arith.constant 0 : i32
        %dma_wait3A_52 = tpu.memref_slice %arg10[%mul3A_45, %dma_wait3A_51] : memref<10240x176xf32, #tpu.memory_space<vmem_shared>> -> memref<640x176xf32, #tpu.memory_space<vmem_shared>>
        tpu.wait_dma2 semaphore(%run_scoped3A : memref<!tpu.dma_semaphore, #tpu.memory_space<semaphore_mem>>) src(%dma_wait3A_52 : memref<640x176xf32, #tpu.memory_space<vmem_shared>>) dst(%dma_wait3A_50 : memref<640x176xf32, #tpu.memory_space<hbm>>)
        tpu.yield
      }) : () -> ()
    } else {
    }
    %eq3A_2 = arith.constant 1 : i32
    %eq3A_3 = arith.cmpi eq, %arg0, %eq3A_2 : i32
    %convert_element_type3A_4 = arith.extui %eq3A_3 : i1 to i32
    %cond3A_5 = arith.constant 0 : i32
    %cond3A_6 = arith.cmpi ne, %convert_element_type3A_4, %cond3A_5 : i32
    scf.if %cond3A_6 {
      %mul3A = arith.constant 640 : i32
      %mul3A_7 = arith.muli %arg1, %mul3A : i32
      "tpu.region"() ({
        %run_scoped3A = tpu.sem_alloc : memref<!tpu.dma_semaphore, #tpu.memory_space<semaphore_mem>>
        %dma_start3A_46 = arith.constant 0 : i32
        %dma_start3A_47 = tpu.memref_slice %arg10[%mul3A_7, %dma_start3A_46] : memref<10240x176xf32, #tpu.memory_space<vmem_shared>> -> memref<640x176xf32, #tpu.memory_space<vmem_shared>>
        tpu.enqueue_dma source(%arg5 : memref<640x176xf32, #tpu.memory_space<hbm>>) target(%dma_start3A_47 : memref<640x176xf32, #tpu.memory_space<vmem_shared>>) target_semaphore(%run_scoped3A : memref<!tpu.dma_semaphore, #tpu.memory_space<semaphore_mem>>)
        %dma_wait3A = arith.constant 0 : i32
        %dma_wait3A_48 = tpu.memref_slice %arg10[%mul3A_7, %dma_wait3A] : memref<10240x176xf32, #tpu.memory_space<vmem_shared>> -> memref<640x176xf32, #tpu.memory_space<vmem_shared>>
        tpu.wait_dma2 semaphore(%run_scoped3A : memref<!tpu.dma_semaphore, #tpu.memory_space<semaphore_mem>>) src(%arg5 : memref<640x176xf32, #tpu.memory_space<hbm>>) dst(%dma_wait3A_48 : memref<640x176xf32, #tpu.memory_space<vmem_shared>>)
        tpu.yield
      }) : () -> ()
      %barrier3A = arith.constant 0 : index
      tpu.barrier barrier_id(%barrier3A)
      %mul3A_8 = arith.constant 500 : i32
      %mul3A_9 = arith.muli %arg1, %mul3A_8 : i32
      %add3A = arith.constant 0 : i32
      %add3A_10 = arith.addi %mul3A_9, %add3A : i32
      %dma_start3A = arith.constant 0 : i32
      %dma_start3A_11 = arith.constant 0 : i32
      %dma_start3A_12 = tpu.memref_slice %arg8[%dma_start3A, %dma_start3A_11] : memref<2x40xi32, #tpu.memory_space<vmem>> -> memref<1x40xi32, #tpu.memory_space<vmem>>
      %dma_start3A_13 = tpu.memref_squeeze %dma_start3A_12 : memref<1x40xi32, #tpu.memory_space<vmem>> -> memref<40xi32, #tpu.memory_space<vmem>>
      %dma_start3A_14 = arith.constant 0 : i32
      %dma_start3A_15 = tpu.memref_slice %arg4[%add3A_10, %dma_start3A_14] : memref<8000x40xi32, #tpu.memory_space<hbm>> -> memref<1x40xi32, #tpu.memory_space<hbm>>
      %dma_start3A_16 = tpu.memref_squeeze %dma_start3A_15 : memref<1x40xi32, #tpu.memory_space<hbm>> -> memref<40xi32, #tpu.memory_space<hbm>>
      %dma_start3A_17 = arith.constant 0 : i32
      %dma_start3A_18 = tpu.memref_slice %arg8[%dma_start3A, %dma_start3A_17] : memref<2x40xi32, #tpu.memory_space<vmem>> -> memref<1x40xi32, #tpu.memory_space<vmem>>
      %dma_start3A_19 = tpu.memref_squeeze %dma_start3A_18 : memref<1x40xi32, #tpu.memory_space<vmem>> -> memref<40xi32, #tpu.memory_space<vmem>>
      %dma_start3A_20 = arith.constant 0 : i32
      %dma_start3A_21 = tpu.memref_slice %arg4[%add3A_10, %dma_start3A_20] : memref<8000x40xi32, #tpu.memory_space<hbm>> -> memref<1x40xi32, #tpu.memory_space<hbm>>
      %dma_start3A_22 = tpu.memref_squeeze %dma_start3A_21 : memref<1x40xi32, #tpu.memory_space<hbm>> -> memref<40xi32, #tpu.memory_space<hbm>>
      tpu.enqueue_dma source(%dma_start3A_22 : memref<40xi32, #tpu.memory_space<hbm>>) target(%dma_start3A_19 : memref<40xi32, #tpu.memory_space<vmem>>) target_semaphore(%arg11 : memref<!tpu.dma_semaphore, #tpu.memory_space<semaphore_mem>>)
      %mul3A_23 = arith.constant 40 : i32
      %mul3A_24 = arith.muli %add3A_10, %mul3A_23 : i32
      %dma_start3A_25 = arith.constant 0 : i32
      %dma_start3A_26 = arith.constant 0 : i32
      %dma_start3A_27 = arith.constant 0 : i32
      %dma_start3A_28 = tpu.memref_slice %arg9[%dma_start3A_25, %dma_start3A_26, %dma_start3A_27] : memref<2x40x176xf32, #tpu.memory_space<vmem>> -> memref<1x40x176xf32, #tpu.memory_space<vmem>>
      %dma_start3A_29 = tpu.memref_squeeze %dma_start3A_28 : memref<1x40x176xf32, #tpu.memory_space<vmem>> -> memref<40x176xf32, #tpu.memory_space<vmem>>
      %dma_start3A_30 = arith.constant 0 : i32
      %dma_start3A_31 = tpu.memref_slice %arg3[%mul3A_24, %dma_start3A_30] : memref<320000x176xf32, #tpu.memory_space<hbm>> -> memref<40x176xf32, #tpu.memory_space<hbm>>
      %dma_start3A_32 = arith.constant 0 : i32
      %dma_start3A_33 = arith.constant 0 : i32
      %dma_start3A_34 = tpu.memref_slice %arg9[%dma_start3A_25, %dma_start3A_32, %dma_start3A_33] : memref<2x40x176xf32, #tpu.memory_space<vmem>> -> memref<1x40x176xf32, #tpu.memory_space<vmem>>
      %dma_start3A_35 = tpu.memref_squeeze %dma_start3A_34 : memref<1x40x176xf32, #tpu.memory_space<vmem>> -> memref<40x176xf32, #tpu.memory_space<vmem>>
      %dma_start3A_36 = arith.constant 0 : i32
      %dma_start3A_37 = tpu.memref_slice %arg3[%mul3A_24, %dma_start3A_36] : memref<320000x176xf32, #tpu.memory_space<hbm>> -> memref<40x176xf32, #tpu.memory_space<hbm>>
      tpu.enqueue_dma source(%dma_start3A_37 : memref<40x176xf32, #tpu.memory_space<hbm>>) target(%dma_start3A_35 : memref<40x176xf32, #tpu.memory_space<vmem>>) target_semaphore(%arg11 : memref<!tpu.dma_semaphore, #tpu.memory_space<semaphore_mem>>)
      %scan3A = arith.constant 0 : i32
      %scan3A_38 = arith.constant 0 : i32
      %scan3A_39 = arith.constant 250 : i32
      %scan3A_40 = arith.addi %scan3A_38, %scan3A_39 : i32
      %scan3A_41 = arith.constant 1 : i32
      scf.for %scan3A_46 = %scan3A_38 to %scan3A_40 step %scan3A_41  : i32 {
        %mul3A_47 = arith.constant 2 : i32
        %mul3A_48 = arith.muli %mul3A_47, %scan3A_46 : i32
        %add3A_49 = arith.constant 1 : i32
        %add3A_50 = arith.addi %mul3A_48, %add3A_49 : i32
        %add3A_51 = arith.addi %mul3A_9, %add3A_50 : i32
        %dma_start3A_52 = arith.constant 1 : i32
        %dma_start3A_53 = arith.constant 0 : i32
        %dma_start3A_54 = tpu.memref_slice %arg8[%dma_start3A_52, %dma_start3A_53] : memref<2x40xi32, #tpu.memory_space<vmem>> -> memref<1x40xi32, #tpu.memory_space<vmem>>
        %dma_start3A_55 = tpu.memref_squeeze %dma_start3A_54 : memref<1x40xi32, #tpu.memory_space<vmem>> -> memref<40xi32, #tpu.memory_space<vmem>>
        %dma_start3A_56 = arith.constant 0 : i32
        %dma_start3A_57 = tpu.memref_slice %arg4[%add3A_51, %dma_start3A_56] : memref<8000x40xi32, #tpu.memory_space<hbm>> -> memref<1x40xi32, #tpu.memory_space<hbm>>
        %dma_start3A_58 = tpu.memref_squeeze %dma_start3A_57 : memref<1x40xi32, #tpu.memory_space<hbm>> -> memref<40xi32, #tpu.memory_space<hbm>>
        %dma_start3A_59 = arith.constant 0 : i32
        %dma_start3A_60 = tpu.memref_slice %arg8[%dma_start3A_52, %dma_start3A_59] : memref<2x40xi32, #tpu.memory_space<vmem>> -> memref<1x40xi32, #tpu.memory_space<vmem>>
        %dma_start3A_61 = tpu.memref_squeeze %dma_start3A_60 : memref<1x40xi32, #tpu.memory_space<vmem>> -> memref<40xi32, #tpu.memory_space<vmem>>
        %dma_start3A_62 = arith.constant 0 : i32
        %dma_start3A_63 = tpu.memref_slice %arg4[%add3A_51, %dma_start3A_62] : memref<8000x40xi32, #tpu.memory_space<hbm>> -> memref<1x40xi32, #tpu.memory_space<hbm>>
        %dma_start3A_64 = tpu.memref_squeeze %dma_start3A_63 : memref<1x40xi32, #tpu.memory_space<hbm>> -> memref<40xi32, #tpu.memory_space<hbm>>
        tpu.enqueue_dma source(%dma_start3A_64 : memref<40xi32, #tpu.memory_space<hbm>>) target(%dma_start3A_61 : memref<40xi32, #tpu.memory_space<vmem>>) target_semaphore(%arg12 : memref<!tpu.dma_semaphore, #tpu.memory_space<semaphore_mem>>)
        %mul3A_65 = arith.constant 40 : i32
        %mul3A_66 = arith.muli %add3A_51, %mul3A_65 : i32
        %dma_start3A_67 = arith.constant 1 : i32
        %dma_start3A_68 = arith.constant 0 : i32
        %dma_start3A_69 = arith.constant 0 : i32
        %dma_start3A_70 = tpu.memref_slice %arg9[%dma_start3A_67, %dma_start3A_68, %dma_start3A_69] : memref<2x40x176xf32, #tpu.memory_space<vmem>> -> memref<1x40x176xf32, #tpu.memory_space<vmem>>
        %dma_start3A_71 = tpu.memref_squeeze %dma_start3A_70 : memref<1x40x176xf32, #tpu.memory_space<vmem>> -> memref<40x176xf32, #tpu.memory_space<vmem>>
        %dma_start3A_72 = arith.constant 0 : i32
        %dma_start3A_73 = tpu.memref_slice %arg3[%mul3A_66, %dma_start3A_72] : memref<320000x176xf32, #tpu.memory_space<hbm>> -> memref<40x176xf32, #tpu.memory_space<hbm>>
        %dma_start3A_74 = arith.constant 0 : i32
        %dma_start3A_75 = arith.constant 0 : i32
        %dma_start3A_76 = tpu.memref_slice %arg9[%dma_start3A_67, %dma_start3A_74, %dma_start3A_75] : memref<2x40x176xf32, #tpu.memory_space<vmem>> -> memref<1x40x176xf32, #tpu.memory_space<vmem>>
        %dma_start3A_77 = tpu.memref_squeeze %dma_start3A_76 : memref<1x40x176xf32, #tpu.memory_space<vmem>> -> memref<40x176xf32, #tpu.memory_space<vmem>>
        %dma_start3A_78 = arith.constant 0 : i32
        %dma_start3A_79 = tpu.memref_slice %arg3[%mul3A_66, %dma_start3A_78] : memref<320000x176xf32, #tpu.memory_space<hbm>> -> memref<40x176xf32, #tpu.memory_space<hbm>>
        tpu.enqueue_dma source(%dma_start3A_79 : memref<40x176xf32, #tpu.memory_space<hbm>>) target(%dma_start3A_77 : memref<40x176xf32, #tpu.memory_space<vmem>>) target_semaphore(%arg12 : memref<!tpu.dma_semaphore, #tpu.memory_space<semaphore_mem>>)
        %add3A_80 = arith.addi %mul3A_9, %mul3A_48 : i32
        %dma_wait3A = arith.constant 0 : i32
        %dma_wait3A_81 = arith.constant 0 : i32
        %dma_wait3A_82 = tpu.memref_slice %arg8[%dma_wait3A, %dma_wait3A_81] : memref<2x40xi32, #tpu.memory_space<vmem>> -> memref<1x40xi32, #tpu.memory_space<vmem>>
        %dma_wait3A_83 = tpu.memref_squeeze %dma_wait3A_82 : memref<1x40xi32, #tpu.memory_space<vmem>> -> memref<40xi32, #tpu.memory_space<vmem>>
        %dma_wait3A_84 = arith.constant 0 : i32
        %dma_wait3A_85 = tpu.memref_slice %arg4[%add3A_80, %dma_wait3A_84] : memref<8000x40xi32, #tpu.memory_space<hbm>> -> memref<1x40xi32, #tpu.memory_space<hbm>>
        %dma_wait3A_86 = tpu.memref_squeeze %dma_wait3A_85 : memref<1x40xi32, #tpu.memory_space<hbm>> -> memref<40xi32, #tpu.memory_space<hbm>>
        %dma_wait3A_87 = arith.constant 0 : i32
        %dma_wait3A_88 = tpu.memref_slice %arg8[%dma_wait3A, %dma_wait3A_87] : memref<2x40xi32, #tpu.memory_space<vmem>> -> memref<1x40xi32, #tpu.memory_space<vmem>>
        %dma_wait3A_89 = tpu.memref_squeeze %dma_wait3A_88 : memref<1x40xi32, #tpu.memory_space<vmem>> -> memref<40xi32, #tpu.memory_space<vmem>>
        %dma_wait3A_90 = arith.constant 0 : i32
        %dma_wait3A_91 = tpu.memref_slice %arg4[%add3A_80, %dma_wait3A_90] : memref<8000x40xi32, #tpu.memory_space<hbm>> -> memref<1x40xi32, #tpu.memory_space<hbm>>
        %dma_wait3A_92 = tpu.memref_squeeze %dma_wait3A_91 : memref<1x40xi32, #tpu.memory_space<hbm>> -> memref<40xi32, #tpu.memory_space<hbm>>
        tpu.wait_dma2 semaphore(%arg11 : memref<!tpu.dma_semaphore, #tpu.memory_space<semaphore_mem>>) src(%dma_wait3A_92 : memref<40xi32, #tpu.memory_space<hbm>>) dst(%dma_wait3A_89 : memref<40xi32, #tpu.memory_space<vmem>>)
        %mul3A_93 = arith.constant 40 : i32
        %mul3A_94 = arith.muli %add3A_80, %mul3A_93 : i32
        %dma_wait3A_95 = arith.constant 0 : i32
        %dma_wait3A_96 = arith.constant 0 : i32
        %dma_wait3A_97 = arith.constant 0 : i32
        %dma_wait3A_98 = tpu.memref_slice %arg9[%dma_wait3A_95, %dma_wait3A_96, %dma_wait3A_97] : memref<2x40x176xf32, #tpu.memory_space<vmem>> -> memref<1x40x176xf32, #tpu.memory_space<vmem>>
        %dma_wait3A_99 = tpu.memref_squeeze %dma_wait3A_98 : memref<1x40x176xf32, #tpu.memory_space<vmem>> -> memref<40x176xf32, #tpu.memory_space<vmem>>
        %dma_wait3A_100 = arith.constant 0 : i32
        %dma_wait3A_101 = tpu.memref_slice %arg3[%mul3A_94, %dma_wait3A_100] : memref<320000x176xf32, #tpu.memory_space<hbm>> -> memref<40x176xf32, #tpu.memory_space<hbm>>
        %dma_wait3A_102 = arith.constant 0 : i32
        %dma_wait3A_103 = arith.constant 0 : i32
        %dma_wait3A_104 = tpu.memref_slice %arg9[%dma_wait3A_95, %dma_wait3A_102, %dma_wait3A_103] : memref<2x40x176xf32, #tpu.memory_space<vmem>> -> memref<1x40x176xf32, #tpu.memory_space<vmem>>
        %dma_wait3A_105 = tpu.memref_squeeze %dma_wait3A_104 : memref<1x40x176xf32, #tpu.memory_space<vmem>> -> memref<40x176xf32, #tpu.memory_space<vmem>>
        %dma_wait3A_106 = arith.constant 0 : i32
        %dma_wait3A_107 = tpu.memref_slice %arg3[%mul3A_94, %dma_wait3A_106] : memref<320000x176xf32, #tpu.memory_space<hbm>> -> memref<40x176xf32, #tpu.memory_space<hbm>>
        tpu.wait_dma2 semaphore(%arg11 : memref<!tpu.dma_semaphore, #tpu.memory_space<semaphore_mem>>) src(%dma_wait3A_107 : memref<40x176xf32, #tpu.memory_space<hbm>>) dst(%dma_wait3A_105 : memref<40x176xf32, #tpu.memory_space<vmem>>)
        %run_scoped3A = arith.constant 0 : i32
        %run_scoped3A_108 = arith.constant 0 : i32
        "tpu.region"() ({
          %run_scoped3A_148 = tpu.sem_alloc : memref<!tpu.dma_semaphore, #tpu.memory_space<semaphore_mem>>
          %dma_start3A_149 = arith.constant 0 : i32
          %dma_start3A_150 = arith.constant 0 : i32
          %dma_start3A_151 = tpu.memref_slice %arg9[%run_scoped3A, %dma_start3A_149, %dma_start3A_150] : memref<2x40x176xf32, #tpu.memory_space<vmem>> -> memref<1x40x176xf32, #tpu.memory_space<vmem>>
          %dma_start3A_152 = tpu.memref_squeeze %dma_start3A_151 : memref<1x40x176xf32, #tpu.memory_space<vmem>> -> memref<40x176xf32, #tpu.memory_space<vmem>>
          %dma_start3A_153 = arith.constant 0 : i32
          %dma_start3A_154 = tpu.memref_slice %arg8[%run_scoped3A_108, %dma_start3A_153] : memref<2x40xi32, #tpu.memory_space<vmem>> -> memref<1x40xi32, #tpu.memory_space<vmem>>
          %dma_start3A_155 = tpu.memref_squeeze %dma_start3A_154 : memref<1x40xi32, #tpu.memory_space<vmem>> -> memref<40xi32, #tpu.memory_space<vmem>>
          %dma_start3A_156 = arith.constant 0 : i32
          %dma_start3A_157 = arith.constant 0 : i32
          %dma_start3A_158 = tpu.memref_slice %arg10[%dma_start3A_156, %dma_start3A_157] : memref<10240x176xf32, #tpu.memory_space<vmem_shared>> -> memref<10240x176xf32, #tpu.memory_space<vmem_shared>>
          tpu.enqueue_indirect_dma source(%dma_start3A_152 : memref<40x176xf32, #tpu.memory_space<vmem>>) target(%dma_start3A_158 : memref<10240x176xf32, #tpu.memory_space<vmem_shared>>) offsets(%dma_start3A_155 : memref<40xi32, #tpu.memory_space<vmem>>) semaphore(%run_scoped3A_148 : memref<!tpu.dma_semaphore, #tpu.memory_space<semaphore_mem>>) {add = true}
          %dma_wait3A_159 = arith.constant 0 : i32
          %dma_wait3A_160 = arith.constant 0 : i32
          %dma_wait3A_161 = tpu.memref_slice %arg9[%run_scoped3A, %dma_wait3A_159, %dma_wait3A_160] : memref<2x40x176xf32, #tpu.memory_space<vmem>> -> memref<1x40x176xf32, #tpu.memory_space<vmem>>
          %dma_wait3A_162 = tpu.memref_squeeze %dma_wait3A_161 : memref<1x40x176xf32, #tpu.memory_space<vmem>> -> memref<40x176xf32, #tpu.memory_space<vmem>>
          %dma_wait3A_163 = arith.constant 0 : i32
          %dma_wait3A_164 = tpu.memref_slice %arg8[%run_scoped3A_108, %dma_wait3A_163] : memref<2x40xi32, #tpu.memory_space<vmem>> -> memref<1x40xi32, #tpu.memory_space<vmem>>
          %dma_wait3A_165 = tpu.memref_squeeze %dma_wait3A_164 : memref<1x40xi32, #tpu.memory_space<vmem>> -> memref<40xi32, #tpu.memory_space<vmem>>
          %dma_wait3A_166 = arith.constant 0 : i32
          %dma_wait3A_167 = arith.constant 0 : i32
          %dma_wait3A_168 = tpu.memref_slice %arg10[%dma_wait3A_166, %dma_wait3A_167] : memref<10240x176xf32, #tpu.memory_space<vmem_shared>> -> memref<10240x176xf32, #tpu.memory_space<vmem_shared>>
          tpu.wait_indirect_dma semaphore(%run_scoped3A_148 : memref<!tpu.dma_semaphore, #tpu.memory_space<semaphore_mem>>) src(%dma_wait3A_162 : memref<40x176xf32, #tpu.memory_space<vmem>>) dst(%dma_wait3A_168 : memref<10240x176xf32, #tpu.memory_space<vmem_shared>>)
          tpu.yield
        }) : () -> ()
        %add3A_109 = arith.constant 2 : i32
        %add3A_110 = arith.addi %mul3A_48, %add3A_109 : i32
        %lt3A = arith.constant 500 : i32
        %lt3A_111 = arith.cmpi slt, %add3A_110, %lt3A : i32
        %convert_element_type3A_112 = arith.extui %lt3A_111 : i1 to i32
        %cond3A_113 = arith.constant 0 : i32
        %cond3A_114 = arith.cmpi ne, %convert_element_type3A_112, %cond3A_113 : i32
        scf.if %cond3A_114 {
          %add3A_148 = arith.constant 2 : i32
          %add3A_149 = arith.addi %mul3A_48, %add3A_148 : i32
          %add3A_150 = arith.addi %mul3A_9, %add3A_149 : i32
          %dma_start3A_151 = arith.constant 0 : i32
          %dma_start3A_152 = arith.constant 0 : i32
          %dma_start3A_153 = tpu.memref_slice %arg8[%dma_start3A_151, %dma_start3A_152] : memref<2x40xi32, #tpu.memory_space<vmem>> -> memref<1x40xi32, #tpu.memory_space<vmem>>
          %dma_start3A_154 = tpu.memref_squeeze %dma_start3A_153 : memref<1x40xi32, #tpu.memory_space<vmem>> -> memref<40xi32, #tpu.memory_space<vmem>>
          %dma_start3A_155 = arith.constant 0 : i32
          %dma_start3A_156 = tpu.memref_slice %arg4[%add3A_150, %dma_start3A_155] : memref<8000x40xi32, #tpu.memory_space<hbm>> -> memref<1x40xi32, #tpu.memory_space<hbm>>
          %dma_start3A_157 = tpu.memref_squeeze %dma_start3A_156 : memref<1x40xi32, #tpu.memory_space<hbm>> -> memref<40xi32, #tpu.memory_space<hbm>>
          %dma_start3A_158 = arith.constant 0 : i32
          %dma_start3A_159 = tpu.memref_slice %arg8[%dma_start3A_151, %dma_start3A_158] : memref<2x40xi32, #tpu.memory_space<vmem>> -> memref<1x40xi32, #tpu.memory_space<vmem>>
          %dma_start3A_160 = tpu.memref_squeeze %dma_start3A_159 : memref<1x40xi32, #tpu.memory_space<vmem>> -> memref<40xi32, #tpu.memory_space<vmem>>
          %dma_start3A_161 = arith.constant 0 : i32
          %dma_start3A_162 = tpu.memref_slice %arg4[%add3A_150, %dma_start3A_161] : memref<8000x40xi32, #tpu.memory_space<hbm>> -> memref<1x40xi32, #tpu.memory_space<hbm>>
          %dma_start3A_163 = tpu.memref_squeeze %dma_start3A_162 : memref<1x40xi32, #tpu.memory_space<hbm>> -> memref<40xi32, #tpu.memory_space<hbm>>
          tpu.enqueue_dma source(%dma_start3A_163 : memref<40xi32, #tpu.memory_space<hbm>>) target(%dma_start3A_160 : memref<40xi32, #tpu.memory_space<vmem>>) target_semaphore(%arg11 : memref<!tpu.dma_semaphore, #tpu.memory_space<semaphore_mem>>)
          %mul3A_164 = arith.constant 40 : i32
          %mul3A_165 = arith.muli %add3A_150, %mul3A_164 : i32
          %dma_start3A_166 = arith.constant 0 : i32
          %dma_start3A_167 = arith.constant 0 : i32
          %dma_start3A_168 = arith.constant 0 : i32
          %dma_start3A_169 = tpu.memref_slice %arg9[%dma_start3A_166, %dma_start3A_167, %dma_start3A_168] : memref<2x40x176xf32, #tpu.memory_space<vmem>> -> memref<1x40x176xf32, #tpu.memory_space<vmem>>
          %dma_start3A_170 = tpu.memref_squeeze %dma_start3A_169 : memref<1x40x176xf32, #tpu.memory_space<vmem>> -> memref<40x176xf32, #tpu.memory_space<vmem>>
          %dma_start3A_171 = arith.constant 0 : i32
          %dma_start3A_172 = tpu.memref_slice %arg3[%mul3A_165, %dma_start3A_171] : memref<320000x176xf32, #tpu.memory_space<hbm>> -> memref<40x176xf32, #tpu.memory_space<hbm>>
          %dma_start3A_173 = arith.constant 0 : i32
          %dma_start3A_174 = arith.constant 0 : i32
          %dma_start3A_175 = tpu.memref_slice %arg9[%dma_start3A_166, %dma_start3A_173, %dma_start3A_174] : memref<2x40x176xf32, #tpu.memory_space<vmem>> -> memref<1x40x176xf32, #tpu.memory_space<vmem>>
          %dma_start3A_176 = tpu.memref_squeeze %dma_start3A_175 : memref<1x40x176xf32, #tpu.memory_space<vmem>> -> memref<40x176xf32, #tpu.memory_space<vmem>>
          %dma_start3A_177 = arith.constant 0 : i32
          %dma_start3A_178 = tpu.memref_slice %arg3[%mul3A_165, %dma_start3A_177] : memref<320000x176xf32, #tpu.memory_space<hbm>> -> memref<40x176xf32, #tpu.memory_space<hbm>>
          tpu.enqueue_dma source(%dma_start3A_178 : memref<40x176xf32, #tpu.memory_space<hbm>>) target(%dma_start3A_176 : memref<40x176xf32, #tpu.memory_space<vmem>>) target_semaphore(%arg11 : memref<!tpu.dma_semaphore, #tpu.memory_space<semaphore_mem>>)
        } else {
        }
        %add3A_115 = arith.constant 1 : i32
        %add3A_116 = arith.addi %mul3A_48, %add3A_115 : i32
        %add3A_117 = arith.addi %mul3A_9, %add3A_116 : i32
        %dma_wait3A_118 = arith.constant 1 : i32
        %dma_wait3A_119 = arith.constant 0 : i32
        %dma_wait3A_120 = tpu.memref_slice %arg8[%dma_wait3A_118, %dma_wait3A_119] : memref<2x40xi32, #tpu.memory_space<vmem>> -> memref<1x40xi32, #tpu.memory_space<vmem>>
        %dma_wait3A_121 = tpu.memref_squeeze %dma_wait3A_120 : memref<1x40xi32, #tpu.memory_space<vmem>> -> memref<40xi32, #tpu.memory_space<vmem>>
        %dma_wait3A_122 = arith.constant 0 : i32
        %dma_wait3A_123 = tpu.memref_slice %arg4[%add3A_117, %dma_wait3A_122] : memref<8000x40xi32, #tpu.memory_space<hbm>> -> memref<1x40xi32, #tpu.memory_space<hbm>>
        %dma_wait3A_124 = tpu.memref_squeeze %dma_wait3A_123 : memref<1x40xi32, #tpu.memory_space<hbm>> -> memref<40xi32, #tpu.memory_space<hbm>>
        %dma_wait3A_125 = arith.constant 0 : i32
        %dma_wait3A_126 = tpu.memref_slice %arg8[%dma_wait3A_118, %dma_wait3A_125] : memref<2x40xi32, #tpu.memory_space<vmem>> -> memref<1x40xi32, #tpu.memory_space<vmem>>
        %dma_wait3A_127 = tpu.memref_squeeze %dma_wait3A_126 : memref<1x40xi32, #tpu.memory_space<vmem>> -> memref<40xi32, #tpu.memory_space<vmem>>
        %dma_wait3A_128 = arith.constant 0 : i32
        %dma_wait3A_129 = tpu.memref_slice %arg4[%add3A_117, %dma_wait3A_128] : memref<8000x40xi32, #tpu.memory_space<hbm>> -> memref<1x40xi32, #tpu.memory_space<hbm>>
        %dma_wait3A_130 = tpu.memref_squeeze %dma_wait3A_129 : memref<1x40xi32, #tpu.memory_space<hbm>> -> memref<40xi32, #tpu.memory_space<hbm>>
        tpu.wait_dma2 semaphore(%arg12 : memref<!tpu.dma_semaphore, #tpu.memory_space<semaphore_mem>>) src(%dma_wait3A_130 : memref<40xi32, #tpu.memory_space<hbm>>) dst(%dma_wait3A_127 : memref<40xi32, #tpu.memory_space<vmem>>)
        %mul3A_131 = arith.constant 40 : i32
        %mul3A_132 = arith.muli %add3A_117, %mul3A_131 : i32
        %dma_wait3A_133 = arith.constant 1 : i32
        %dma_wait3A_134 = arith.constant 0 : i32
        %dma_wait3A_135 = arith.constant 0 : i32
        %dma_wait3A_136 = tpu.memref_slice %arg9[%dma_wait3A_133, %dma_wait3A_134, %dma_wait3A_135] : memref<2x40x176xf32, #tpu.memory_space<vmem>> -> memref<1x40x176xf32, #tpu.memory_space<vmem>>
        %dma_wait3A_137 = tpu.memref_squeeze %dma_wait3A_136 : memref<1x40x176xf32, #tpu.memory_space<vmem>> -> memref<40x176xf32, #tpu.memory_space<vmem>>
        %dma_wait3A_138 = arith.constant 0 : i32
        %dma_wait3A_139 = tpu.memref_slice %arg3[%mul3A_132, %dma_wait3A_138] : memref<320000x176xf32, #tpu.memory_space<hbm>> -> memref<40x176xf32, #tpu.memory_space<hbm>>
        %dma_wait3A_140 = arith.constant 0 : i32
        %dma_wait3A_141 = arith.constant 0 : i32
        %dma_wait3A_142 = tpu.memref_slice %arg9[%dma_wait3A_133, %dma_wait3A_140, %dma_wait3A_141] : memref<2x40x176xf32, #tpu.memory_space<vmem>> -> memref<1x40x176xf32, #tpu.memory_space<vmem>>
        %dma_wait3A_143 = tpu.memref_squeeze %dma_wait3A_142 : memref<1x40x176xf32, #tpu.memory_space<vmem>> -> memref<40x176xf32, #tpu.memory_space<vmem>>
        %dma_wait3A_144 = arith.constant 0 : i32
        %dma_wait3A_145 = tpu.memref_slice %arg3[%mul3A_132, %dma_wait3A_144] : memref<320000x176xf32, #tpu.memory_space<hbm>> -> memref<40x176xf32, #tpu.memory_space<hbm>>
        tpu.wait_dma2 semaphore(%arg12 : memref<!tpu.dma_semaphore, #tpu.memory_space<semaphore_mem>>) src(%dma_wait3A_145 : memref<40x176xf32, #tpu.memory_space<hbm>>) dst(%dma_wait3A_143 : memref<40x176xf32, #tpu.memory_space<vmem>>)
        %run_scoped3A_146 = arith.constant 1 : i32
        %run_scoped3A_147 = arith.constant 1 : i32
        "tpu.region"() ({
          %run_scoped3A_148 = tpu.sem_alloc : memref<!tpu.dma_semaphore, #tpu.memory_space<semaphore_mem>>
          %dma_start3A_149 = arith.constant 0 : i32
          %dma_start3A_150 = arith.constant 0 : i32
          %dma_start3A_151 = tpu.memref_slice %arg9[%run_scoped3A_146, %dma_start3A_149, %dma_start3A_150] : memref<2x40x176xf32, #tpu.memory_space<vmem>> -> memref<1x40x176xf32, #tpu.memory_space<vmem>>
          %dma_start3A_152 = tpu.memref_squeeze %dma_start3A_151 : memref<1x40x176xf32, #tpu.memory_space<vmem>> -> memref<40x176xf32, #tpu.memory_space<vmem>>
          %dma_start3A_153 = arith.constant 0 : i32
          %dma_start3A_154 = tpu.memref_slice %arg8[%run_scoped3A_147, %dma_start3A_153] : memref<2x40xi32, #tpu.memory_space<vmem>> -> memref<1x40xi32, #tpu.memory_space<vmem>>
          %dma_start3A_155 = tpu.memref_squeeze %dma_start3A_154 : memref<1x40xi32, #tpu.memory_space<vmem>> -> memref<40xi32, #tpu.memory_space<vmem>>
          %dma_start3A_156 = arith.constant 0 : i32
          %dma_start3A_157 = arith.constant 0 : i32
          %dma_start3A_158 = tpu.memref_slice %arg10[%dma_start3A_156, %dma_start3A_157] : memref<10240x176xf32, #tpu.memory_space<vmem_shared>> -> memref<10240x176xf32, #tpu.memory_space<vmem_shared>>
          tpu.enqueue_indirect_dma source(%dma_start3A_152 : memref<40x176xf32, #tpu.memory_space<vmem>>) target(%dma_start3A_158 : memref<10240x176xf32, #tpu.memory_space<vmem_shared>>) offsets(%dma_start3A_155 : memref<40xi32, #tpu.memory_space<vmem>>) semaphore(%run_scoped3A_148 : memref<!tpu.dma_semaphore, #tpu.memory_space<semaphore_mem>>) {add = true}
          %dma_wait3A_159 = arith.constant 0 : i32
          %dma_wait3A_160 = arith.constant 0 : i32
          %dma_wait3A_161 = tpu.memref_slice %arg9[%run_scoped3A_146, %dma_wait3A_159, %dma_wait3A_160] : memref<2x40x176xf32, #tpu.memory_space<vmem>> -> memref<1x40x176xf32, #tpu.memory_space<vmem>>
          %dma_wait3A_162 = tpu.memref_squeeze %dma_wait3A_161 : memref<1x40x176xf32, #tpu.memory_space<vmem>> -> memref<40x176xf32, #tpu.memory_space<vmem>>
          %dma_wait3A_163 = arith.constant 0 : i32
          %dma_wait3A_164 = tpu.memref_slice %arg8[%run_scoped3A_147, %dma_wait3A_163] : memref<2x40xi32, #tpu.memory_space<vmem>> -> memref<1x40xi32, #tpu.memory_space<vmem>>
          %dma_wait3A_165 = tpu.memref_squeeze %dma_wait3A_164 : memref<1x40xi32, #tpu.memory_space<vmem>> -> memref<40xi32, #tpu.memory_space<vmem>>
          %dma_wait3A_166 = arith.constant 0 : i32
          %dma_wait3A_167 = arith.constant 0 : i32
          %dma_wait3A_168 = tpu.memref_slice %arg10[%dma_wait3A_166, %dma_wait3A_167] : memref<10240x176xf32, #tpu.memory_space<vmem_shared>> -> memref<10240x176xf32, #tpu.memory_space<vmem_shared>>
          tpu.wait_indirect_dma semaphore(%run_scoped3A_148 : memref<!tpu.dma_semaphore, #tpu.memory_space<semaphore_mem>>) src(%dma_wait3A_162 : memref<40x176xf32, #tpu.memory_space<vmem>>) dst(%dma_wait3A_168 : memref<10240x176xf32, #tpu.memory_space<vmem_shared>>)
          tpu.yield
        }) : () -> ()
      }
      %scan3A_42 = arith.constant 250 : i32
      %barrier3A_43 = arith.constant 0 : index
      tpu.barrier barrier_id(%barrier3A_43)
      %mul3A_44 = arith.constant 640 : i32
      %mul3A_45 = arith.muli %arg1, %mul3A_44 : i32
      "tpu.region"() ({
        %run_scoped3A = tpu.sem_alloc : memref<!tpu.dma_semaphore, #tpu.memory_space<semaphore_mem>>
        %dma_start3A_46 = arith.constant 0 : i32
        %dma_start3A_47 = tpu.memref_slice %arg7[%mul3A_45, %dma_start3A_46] : memref<10240x176xf32, #tpu.memory_space<hbm>> -> memref<640x176xf32, #tpu.memory_space<hbm>>
        %dma_start3A_48 = arith.constant 0 : i32
        %dma_start3A_49 = tpu.memref_slice %arg10[%mul3A_45, %dma_start3A_48] : memref<10240x176xf32, #tpu.memory_space<vmem_shared>> -> memref<640x176xf32, #tpu.memory_space<vmem_shared>>
        tpu.enqueue_dma source(%dma_start3A_49 : memref<640x176xf32, #tpu.memory_space<vmem_shared>>) target(%dma_start3A_47 : memref<640x176xf32, #tpu.memory_space<hbm>>) target_semaphore(%run_scoped3A : memref<!tpu.dma_semaphore, #tpu.memory_space<semaphore_mem>>)
        %dma_wait3A = arith.constant 0 : i32
        %dma_wait3A_50 = tpu.memref_slice %arg7[%mul3A_45, %dma_wait3A] : memref<10240x176xf32, #tpu.memory_space<hbm>> -> memref<640x176xf32, #tpu.memory_space<hbm>>
        %dma_wait3A_51 = arith.constant 0 : i32
        %dma_wait3A_52 = tpu.memref_slice %arg10[%mul3A_45, %dma_wait3A_51] : memref<10240x176xf32, #tpu.memory_space<vmem_shared>> -> memref<640x176xf32, #tpu.memory_space<vmem_shared>>
        tpu.wait_dma2 semaphore(%run_scoped3A : memref<!tpu.dma_semaphore, #tpu.memory_space<semaphore_mem>>) src(%dma_wait3A_52 : memref<640x176xf32, #tpu.memory_space<vmem_shared>>) dst(%dma_wait3A_50 : memref<640x176xf32, #tpu.memory_space<hbm>>)
        tpu.yield
      }) : () -> ()
    } else {
    }
    return
  }
}

#map = affine_map<(d0, d1) -> (0, 0)>
#map1 = affine_map<(d0, d1) -> (0, 0, 0)>
module attributes {stable_mosaic.version = 14 : i64} {
  func.func @_gather_body(%arg0: i32, %arg1: i32, %arg2: memref<10000x128xf32, #tpu.memory_space<hbm>>, %arg3: memref<800x5x80xi32, #tpu.memory_space<hbm>>, %arg4: memref<320000x128xf32, #tpu.memory_space<hbm>>, %arg5: memref<2x5x80xi32, #tpu.memory_space<vmem>>, %arg6: memref<2x400x128xf32, #tpu.memory_space<vmem>>, %arg7: memref<!tpu.dma_semaphore, #tpu.memory_space<semaphore_mem>>, %arg8: memref<!tpu.dma_semaphore, #tpu.memory_space<semaphore_mem>>, %arg9: memref<!tpu.dma_semaphore, #tpu.memory_space<semaphore_mem>>, %arg10: memref<!tpu.dma_semaphore, #tpu.memory_space<semaphore_mem>>, %arg11: memref<!tpu.dma_semaphore, #tpu.memory_space<semaphore_mem>>) attributes {dimension_semantics = [#tpu.dimension_semantics<core_parallel>, #tpu.dimension_semantics<subcore_parallel>], iteration_bounds = array<i64: 2, 16>, scalar_prefetch = 0 : i64, scratch_operands = 7 : i64, tpu.core_type = #tpu.core_type<sc_vector_subcore>, window_params = [{transform_indices = #map}, {transform_indices = #map1}, {transform_indices = #map}]} {
    %mul3A = arith.constant 2 : i32
    %mul3A_0 = arith.muli %arg1, %mul3A : i32
    %add3A = arith.addi %mul3A_0, %arg0 : i32
    %mul3A_1 = arith.constant 25 : i32
    %mul3A_2 = arith.muli %add3A, %mul3A_1 : i32
    %add3A_3 = arith.constant 0 : i32
    %add3A_4 = arith.addi %mul3A_2, %add3A_3 : i32
    %dma_start3A = arith.constant 0 : i32
    %dma_start3A_5 = arith.constant 0 : i32
    %dma_start3A_6 = arith.constant 0 : i32
    %dma_start3A_7 = tpu.memref_slice %arg5[%dma_start3A, %dma_start3A_5, %dma_start3A_6] : memref<2x5x80xi32, #tpu.memory_space<vmem>> -> memref<1x5x80xi32, #tpu.memory_space<vmem>>
    %dma_start3A_8 = tpu.memref_squeeze %dma_start3A_7 : memref<1x5x80xi32, #tpu.memory_space<vmem>> -> memref<5x80xi32, #tpu.memory_space<vmem>>
    %dma_start3A_9 = arith.constant 0 : i32
    %dma_start3A_10 = arith.constant 0 : i32
    %dma_start3A_11 = tpu.memref_slice %arg3[%add3A_4, %dma_start3A_9, %dma_start3A_10] : memref<800x5x80xi32, #tpu.memory_space<hbm>> -> memref<1x5x80xi32, #tpu.memory_space<hbm>>
    %dma_start3A_12 = tpu.memref_squeeze %dma_start3A_11 : memref<1x5x80xi32, #tpu.memory_space<hbm>> -> memref<5x80xi32, #tpu.memory_space<hbm>>
    %dma_start3A_13 = arith.constant 0 : i32
    %dma_start3A_14 = arith.constant 0 : i32
    %dma_start3A_15 = tpu.memref_slice %arg5[%dma_start3A, %dma_start3A_13, %dma_start3A_14] : memref<2x5x80xi32, #tpu.memory_space<vmem>> -> memref<1x5x80xi32, #tpu.memory_space<vmem>>
    %dma_start3A_16 = tpu.memref_squeeze %dma_start3A_15 : memref<1x5x80xi32, #tpu.memory_space<vmem>> -> memref<5x80xi32, #tpu.memory_space<vmem>>
    %dma_start3A_17 = arith.constant 0 : i32
    %dma_start3A_18 = arith.constant 0 : i32
    %dma_start3A_19 = tpu.memref_slice %arg3[%add3A_4, %dma_start3A_17, %dma_start3A_18] : memref<800x5x80xi32, #tpu.memory_space<hbm>> -> memref<1x5x80xi32, #tpu.memory_space<hbm>>
    %dma_start3A_20 = tpu.memref_squeeze %dma_start3A_19 : memref<1x5x80xi32, #tpu.memory_space<hbm>> -> memref<5x80xi32, #tpu.memory_space<hbm>>
    tpu.enqueue_dma source(%dma_start3A_20 : memref<5x80xi32, #tpu.memory_space<hbm>>) target(%dma_start3A_16 : memref<5x80xi32, #tpu.memory_space<vmem>>) target_semaphore(%arg7 : memref<!tpu.dma_semaphore, #tpu.memory_space<semaphore_mem>>)
    %add3A_21 = arith.constant 1 : i32
    %add3A_22 = arith.addi %mul3A_2, %add3A_21 : i32
    %dma_start3A_23 = arith.constant 1 : i32
    %dma_start3A_24 = arith.constant 0 : i32
    %dma_start3A_25 = arith.constant 0 : i32
    %dma_start3A_26 = tpu.memref_slice %arg5[%dma_start3A_23, %dma_start3A_24, %dma_start3A_25] : memref<2x5x80xi32, #tpu.memory_space<vmem>> -> memref<1x5x80xi32, #tpu.memory_space<vmem>>
    %dma_start3A_27 = tpu.memref_squeeze %dma_start3A_26 : memref<1x5x80xi32, #tpu.memory_space<vmem>> -> memref<5x80xi32, #tpu.memory_space<vmem>>
    %dma_start3A_28 = arith.constant 0 : i32
    %dma_start3A_29 = arith.constant 0 : i32
    %dma_start3A_30 = tpu.memref_slice %arg3[%add3A_22, %dma_start3A_28, %dma_start3A_29] : memref<800x5x80xi32, #tpu.memory_space<hbm>> -> memref<1x5x80xi32, #tpu.memory_space<hbm>>
    %dma_start3A_31 = tpu.memref_squeeze %dma_start3A_30 : memref<1x5x80xi32, #tpu.memory_space<hbm>> -> memref<5x80xi32, #tpu.memory_space<hbm>>
    %dma_start3A_32 = arith.constant 0 : i32
    %dma_start3A_33 = arith.constant 0 : i32
    %dma_start3A_34 = tpu.memref_slice %arg5[%dma_start3A_23, %dma_start3A_32, %dma_start3A_33] : memref<2x5x80xi32, #tpu.memory_space<vmem>> -> memref<1x5x80xi32, #tpu.memory_space<vmem>>
    %dma_start3A_35 = tpu.memref_squeeze %dma_start3A_34 : memref<1x5x80xi32, #tpu.memory_space<vmem>> -> memref<5x80xi32, #tpu.memory_space<vmem>>
    %dma_start3A_36 = arith.constant 0 : i32
    %dma_start3A_37 = arith.constant 0 : i32
    %dma_start3A_38 = tpu.memref_slice %arg3[%add3A_22, %dma_start3A_36, %dma_start3A_37] : memref<800x5x80xi32, #tpu.memory_space<hbm>> -> memref<1x5x80xi32, #tpu.memory_space<hbm>>
    %dma_start3A_39 = tpu.memref_squeeze %dma_start3A_38 : memref<1x5x80xi32, #tpu.memory_space<hbm>> -> memref<5x80xi32, #tpu.memory_space<hbm>>
    tpu.enqueue_dma source(%dma_start3A_39 : memref<5x80xi32, #tpu.memory_space<hbm>>) target(%dma_start3A_35 : memref<5x80xi32, #tpu.memory_space<vmem>>) target_semaphore(%arg8 : memref<!tpu.dma_semaphore, #tpu.memory_space<semaphore_mem>>)
    %scan3A = arith.constant 0 : i32
    %scan3A_40 = arith.constant 0 : i32
    %scan3A_41 = arith.constant 12 : i32
    %scan3A_42 = arith.addi %scan3A_40, %scan3A_41 : i32
    %scan3A_43 = arith.constant 1 : i32
    scf.for %scan3A_261 = %scan3A_40 to %scan3A_42 step %scan3A_43  : i32 {
      %mul3A_262 = arith.constant 2 : i32
      %mul3A_263 = arith.muli %mul3A_262, %scan3A_261 : i32
      %gt3A = arith.constant 0 : i32
      %gt3A_264 = arith.cmpi sgt, %scan3A_261, %gt3A : i32
      %convert_element_type3A = arith.extui %gt3A_264 : i1 to i32
      %cond3A = arith.constant 0 : i32
      %cond3A_265 = arith.cmpi ne, %convert_element_type3A, %cond3A : i32
      scf.if %cond3A_265 {
        %sub3A = arith.constant 2 : i32
        %sub3A_627 = arith.subi %mul3A_263, %sub3A : i32
        %add3A_628 = arith.addi %mul3A_2, %sub3A_627 : i32
        %mul3A_629 = arith.constant 400 : i32
        %mul3A_630 = arith.muli %add3A_628, %mul3A_629 : i32
        %dma_wait3A_631 = arith.constant 0 : i32
        %dma_wait3A_632 = arith.constant 0 : i32
        %dma_wait3A_633 = arith.constant 0 : i32
        %dma_wait3A_634 = tpu.memref_slice %arg6[%dma_wait3A_631, %dma_wait3A_632, %dma_wait3A_633] : memref<2x400x128xf32, #tpu.memory_space<vmem>> -> memref<1x400x128xf32, #tpu.memory_space<vmem>>
        %dma_wait3A_635 = tpu.memref_squeeze %dma_wait3A_634 : memref<1x400x128xf32, #tpu.memory_space<vmem>> -> memref<400x128xf32, #tpu.memory_space<vmem>>
        %dma_wait3A_636 = arith.constant 0 : i32
        %dma_wait3A_637 = tpu.memref_slice %arg4[%mul3A_630, %dma_wait3A_636] : memref<320000x128xf32, #tpu.memory_space<hbm>> -> memref<400x128xf32, #tpu.memory_space<hbm>>
        %dma_wait3A_638 = arith.constant 0 : i32
        %dma_wait3A_639 = tpu.memref_slice %arg4[%mul3A_630, %dma_wait3A_638] : memref<320000x128xf32, #tpu.memory_space<hbm>> -> memref<400x128xf32, #tpu.memory_space<hbm>>
        %dma_wait3A_640 = arith.constant 0 : i32
        %dma_wait3A_641 = arith.constant 0 : i32
        %dma_wait3A_642 = tpu.memref_slice %arg6[%dma_wait3A_631, %dma_wait3A_640, %dma_wait3A_641] : memref<2x400x128xf32, #tpu.memory_space<vmem>> -> memref<1x400x128xf32, #tpu.memory_space<vmem>>
        %dma_wait3A_643 = tpu.memref_squeeze %dma_wait3A_642 : memref<1x400x128xf32, #tpu.memory_space<vmem>> -> memref<400x128xf32, #tpu.memory_space<vmem>>
        tpu.wait_dma2 semaphore(%arg10 : memref<!tpu.dma_semaphore, #tpu.memory_space<semaphore_mem>>) src(%dma_wait3A_643 : memref<400x128xf32, #tpu.memory_space<vmem>>) dst(%dma_wait3A_639 : memref<400x128xf32, #tpu.memory_space<hbm>>)
      } else {
      }
      %add3A_266 = arith.addi %mul3A_2, %mul3A_263 : i32
      %dma_wait3A_267 = arith.constant 0 : i32
      %dma_wait3A_268 = arith.constant 0 : i32
      %dma_wait3A_269 = arith.constant 0 : i32
      %dma_wait3A_270 = tpu.memref_slice %arg5[%dma_wait3A_267, %dma_wait3A_268, %dma_wait3A_269] : memref<2x5x80xi32, #tpu.memory_space<vmem>> -> memref<1x5x80xi32, #tpu.memory_space<vmem>>
      %dma_wait3A_271 = tpu.memref_squeeze %dma_wait3A_270 : memref<1x5x80xi32, #tpu.memory_space<vmem>> -> memref<5x80xi32, #tpu.memory_space<vmem>>
      %dma_wait3A_272 = arith.constant 0 : i32
      %dma_wait3A_273 = arith.constant 0 : i32
      %dma_wait3A_274 = tpu.memref_slice %arg3[%add3A_266, %dma_wait3A_272, %dma_wait3A_273] : memref<800x5x80xi32, #tpu.memory_space<hbm>> -> memref<1x5x80xi32, #tpu.memory_space<hbm>>
      %dma_wait3A_275 = tpu.memref_squeeze %dma_wait3A_274 : memref<1x5x80xi32, #tpu.memory_space<hbm>> -> memref<5x80xi32, #tpu.memory_space<hbm>>
      %dma_wait3A_276 = arith.constant 0 : i32
      %dma_wait3A_277 = arith.constant 0 : i32
      %dma_wait3A_278 = tpu.memref_slice %arg5[%dma_wait3A_267, %dma_wait3A_276, %dma_wait3A_277] : memref<2x5x80xi32, #tpu.memory_space<vmem>> -> memref<1x5x80xi32, #tpu.memory_space<vmem>>
      %dma_wait3A_279 = tpu.memref_squeeze %dma_wait3A_278 : memref<1x5x80xi32, #tpu.memory_space<vmem>> -> memref<5x80xi32, #tpu.memory_space<vmem>>
      %dma_wait3A_280 = arith.constant 0 : i32
      %dma_wait3A_281 = arith.constant 0 : i32
      %dma_wait3A_282 = tpu.memref_slice %arg3[%add3A_266, %dma_wait3A_280, %dma_wait3A_281] : memref<800x5x80xi32, #tpu.memory_space<hbm>> -> memref<1x5x80xi32, #tpu.memory_space<hbm>>
      %dma_wait3A_283 = tpu.memref_squeeze %dma_wait3A_282 : memref<1x5x80xi32, #tpu.memory_space<hbm>> -> memref<5x80xi32, #tpu.memory_space<hbm>>
      tpu.wait_dma2 semaphore(%arg7 : memref<!tpu.dma_semaphore, #tpu.memory_space<semaphore_mem>>) src(%dma_wait3A_283 : memref<5x80xi32, #tpu.memory_space<hbm>>) dst(%dma_wait3A_279 : memref<5x80xi32, #tpu.memory_space<vmem>>)
      %dma_start3A_284 = arith.constant 0 : i32
      %dma_start3A_285 = arith.constant 0 : i32
      %dma_start3A_286 = arith.constant 0 : i32
      %dma_start3A_287 = arith.constant 0 : i32
      %dma_start3A_288 = arith.constant 0 : i32
      %dma_start3A_289 = tpu.memref_slice %arg6[%dma_start3A_286, %dma_start3A_287, %dma_start3A_288] : memref<2x400x128xf32, #tpu.memory_space<vmem>> -> memref<1x80x128xf32, #tpu.memory_space<vmem>>
      %dma_start3A_290 = tpu.memref_squeeze %dma_start3A_289 : memref<1x80x128xf32, #tpu.memory_space<vmem>> -> memref<80x128xf32, #tpu.memory_space<vmem>>
      %dma_start3A_291 = arith.constant 0 : i32
      %dma_start3A_292 = tpu.memref_slice %arg5[%dma_start3A_284, %dma_start3A_285, %dma_start3A_291] : memref<2x5x80xi32, #tpu.memory_space<vmem>> -> memref<1x1x80xi32, #tpu.memory_space<vmem>>
      %dma_start3A_293 = tpu.memref_squeeze %dma_start3A_292 : memref<1x1x80xi32, #tpu.memory_space<vmem>> -> memref<80xi32, #tpu.memory_space<vmem>>
      %dma_start3A_294 = arith.constant 0 : i32
      %dma_start3A_295 = arith.constant 0 : i32
      %dma_start3A_296 = tpu.memref_slice %arg2[%dma_start3A_294, %dma_start3A_295] : memref<10000x128xf32, #tpu.memory_space<hbm>> -> memref<10000x128xf32, #tpu.memory_space<hbm>>
      tpu.enqueue_indirect_dma source(%dma_start3A_296 : memref<10000x128xf32, #tpu.memory_space<hbm>>) target(%dma_start3A_290 : memref<80x128xf32, #tpu.memory_space<vmem>>) offsets(%dma_start3A_293 : memref<80xi32, #tpu.memory_space<vmem>>) semaphore(%arg9 : memref<!tpu.dma_semaphore, #tpu.memory_space<semaphore_mem>>)
      %dma_start3A_297 = arith.constant 0 : i32
      %dma_start3A_298 = arith.constant 1 : i32
      %dma_start3A_299 = arith.constant 0 : i32
      %dma_start3A_300 = arith.constant 80 : i32
      %dma_start3A_301 = arith.constant 0 : i32
      %dma_start3A_302 = tpu.memref_slice %arg6[%dma_start3A_299, %dma_start3A_300, %dma_start3A_301] : memref<2x400x128xf32, #tpu.memory_space<vmem>> -> memref<1x80x128xf32, #tpu.memory_space<vmem>>
      %dma_start3A_303 = tpu.memref_squeeze %dma_start3A_302 : memref<1x80x128xf32, #tpu.memory_space<vmem>> -> memref<80x128xf32, #tpu.memory_space<vmem>>
      %dma_start3A_304 = arith.constant 0 : i32
      %dma_start3A_305 = tpu.memref_slice %arg5[%dma_start3A_297, %dma_start3A_298, %dma_start3A_304] : memref<2x5x80xi32, #tpu.memory_space<vmem>> -> memref<1x1x80xi32, #tpu.memory_space<vmem>>
      %dma_start3A_306 = tpu.memref_squeeze %dma_start3A_305 : memref<1x1x80xi32, #tpu.memory_space<vmem>> -> memref<80xi32, #tpu.memory_space<vmem>>
      %dma_start3A_307 = arith.constant 0 : i32
      %dma_start3A_308 = arith.constant 0 : i32
      %dma_start3A_309 = tpu.memref_slice %arg2[%dma_start3A_307, %dma_start3A_308] : memref<10000x128xf32, #tpu.memory_space<hbm>> -> memref<10000x128xf32, #tpu.memory_space<hbm>>
      tpu.enqueue_indirect_dma source(%dma_start3A_309 : memref<10000x128xf32, #tpu.memory_space<hbm>>) target(%dma_start3A_303 : memref<80x128xf32, #tpu.memory_space<vmem>>) offsets(%dma_start3A_306 : memref<80xi32, #tpu.memory_space<vmem>>) semaphore(%arg9 : memref<!tpu.dma_semaphore, #tpu.memory_space<semaphore_mem>>)
      %dma_start3A_310 = arith.constant 0 : i32
      %dma_start3A_311 = arith.constant 2 : i32
      %dma_start3A_312 = arith.constant 0 : i32
      %dma_start3A_313 = arith.constant 160 : i32
      %dma_start3A_314 = arith.constant 0 : i32
      %dma_start3A_315 = tpu.memref_slice %arg6[%dma_start3A_312, %dma_start3A_313, %dma_start3A_314] : memref<2x400x128xf32, #tpu.memory_space<vmem>> -> memref<1x80x128xf32, #tpu.memory_space<vmem>>
      %dma_start3A_316 = tpu.memref_squeeze %dma_start3A_315 : memref<1x80x128xf32, #tpu.memory_space<vmem>> -> memref<80x128xf32, #tpu.memory_space<vmem>>
      %dma_start3A_317 = arith.constant 0 : i32
      %dma_start3A_318 = tpu.memref_slice %arg5[%dma_start3A_310, %dma_start3A_311, %dma_start3A_317] : memref<2x5x80xi32, #tpu.memory_space<vmem>> -> memref<1x1x80xi32, #tpu.memory_space<vmem>>
      %dma_start3A_319 = tpu.memref_squeeze %dma_start3A_318 : memref<1x1x80xi32, #tpu.memory_space<vmem>> -> memref<80xi32, #tpu.memory_space<vmem>>
      %dma_start3A_320 = arith.constant 0 : i32
      %dma_start3A_321 = arith.constant 0 : i32
      %dma_start3A_322 = tpu.memref_slice %arg2[%dma_start3A_320, %dma_start3A_321] : memref<10000x128xf32, #tpu.memory_space<hbm>> -> memref<10000x128xf32, #tpu.memory_space<hbm>>
      tpu.enqueue_indirect_dma source(%dma_start3A_322 : memref<10000x128xf32, #tpu.memory_space<hbm>>) target(%dma_start3A_316 : memref<80x128xf32, #tpu.memory_space<vmem>>) offsets(%dma_start3A_319 : memref<80xi32, #tpu.memory_space<vmem>>) semaphore(%arg9 : memref<!tpu.dma_semaphore, #tpu.memory_space<semaphore_mem>>)
      %dma_start3A_323 = arith.constant 0 : i32
      %dma_start3A_324 = arith.constant 3 : i32
      %dma_start3A_325 = arith.constant 0 : i32
      %dma_start3A_326 = arith.constant 240 : i32
      %dma_start3A_327 = arith.constant 0 : i32
      %dma_start3A_328 = tpu.memref_slice %arg6[%dma_start3A_325, %dma_start3A_326, %dma_start3A_327] : memref<2x400x128xf32, #tpu.memory_space<vmem>> -> memref<1x80x128xf32, #tpu.memory_space<vmem>>
      %dma_start3A_329 = tpu.memref_squeeze %dma_start3A_328 : memref<1x80x128xf32, #tpu.memory_space<vmem>> -> memref<80x128xf32, #tpu.memory_space<vmem>>
      %dma_start3A_330 = arith.constant 0 : i32
      %dma_start3A_331 = tpu.memref_slice %arg5[%dma_start3A_323, %dma_start3A_324, %dma_start3A_330] : memref<2x5x80xi32, #tpu.memory_space<vmem>> -> memref<1x1x80xi32, #tpu.memory_space<vmem>>
      %dma_start3A_332 = tpu.memref_squeeze %dma_start3A_331 : memref<1x1x80xi32, #tpu.memory_space<vmem>> -> memref<80xi32, #tpu.memory_space<vmem>>
      %dma_start3A_333 = arith.constant 0 : i32
      %dma_start3A_334 = arith.constant 0 : i32
      %dma_start3A_335 = tpu.memref_slice %arg2[%dma_start3A_333, %dma_start3A_334] : memref<10000x128xf32, #tpu.memory_space<hbm>> -> memref<10000x128xf32, #tpu.memory_space<hbm>>
      tpu.enqueue_indirect_dma source(%dma_start3A_335 : memref<10000x128xf32, #tpu.memory_space<hbm>>) target(%dma_start3A_329 : memref<80x128xf32, #tpu.memory_space<vmem>>) offsets(%dma_start3A_332 : memref<80xi32, #tpu.memory_space<vmem>>) semaphore(%arg9 : memref<!tpu.dma_semaphore, #tpu.memory_space<semaphore_mem>>)
      %dma_start3A_336 = arith.constant 0 : i32
      %dma_start3A_337 = arith.constant 4 : i32
      %dma_start3A_338 = arith.constant 0 : i32
      %dma_start3A_339 = arith.constant 320 : i32
      %dma_start3A_340 = arith.constant 0 : i32
      %dma_start3A_341 = tpu.memref_slice %arg6[%dma_start3A_338, %dma_start3A_339, %dma_start3A_340] : memref<2x400x128xf32, #tpu.memory_space<vmem>> -> memref<1x80x128xf32, #tpu.memory_space<vmem>>
      %dma_start3A_342 = tpu.memref_squeeze %dma_start3A_341 : memref<1x80x128xf32, #tpu.memory_space<vmem>> -> memref<80x128xf32, #tpu.memory_space<vmem>>
      %dma_start3A_343 = arith.constant 0 : i32
      %dma_start3A_344 = tpu.memref_slice %arg5[%dma_start3A_336, %dma_start3A_337, %dma_start3A_343] : memref<2x5x80xi32, #tpu.memory_space<vmem>> -> memref<1x1x80xi32, #tpu.memory_space<vmem>>
      %dma_start3A_345 = tpu.memref_squeeze %dma_start3A_344 : memref<1x1x80xi32, #tpu.memory_space<vmem>> -> memref<80xi32, #tpu.memory_space<vmem>>
      %dma_start3A_346 = arith.constant 0 : i32
      %dma_start3A_347 = arith.constant 0 : i32
      %dma_start3A_348 = tpu.memref_slice %arg2[%dma_start3A_346, %dma_start3A_347] : memref<10000x128xf32, #tpu.memory_space<hbm>> -> memref<10000x128xf32, #tpu.memory_space<hbm>>
      tpu.enqueue_indirect_dma source(%dma_start3A_348 : memref<10000x128xf32, #tpu.memory_space<hbm>>) target(%dma_start3A_342 : memref<80x128xf32, #tpu.memory_space<vmem>>) offsets(%dma_start3A_345 : memref<80xi32, #tpu.memory_space<vmem>>) semaphore(%arg9 : memref<!tpu.dma_semaphore, #tpu.memory_space<semaphore_mem>>)
      %dma_wait3A_349 = arith.constant 0 : i32
      %dma_wait3A_350 = arith.constant 0 : i32
      %dma_wait3A_351 = arith.constant 0 : i32
      %dma_wait3A_352 = arith.constant 0 : i32
      %dma_wait3A_353 = arith.constant 0 : i32
      %dma_wait3A_354 = tpu.memref_slice %arg6[%dma_wait3A_351, %dma_wait3A_352, %dma_wait3A_353] : memref<2x400x128xf32, #tpu.memory_space<vmem>> -> memref<1x80x128xf32, #tpu.memory_space<vmem>>
      %dma_wait3A_355 = tpu.memref_squeeze %dma_wait3A_354 : memref<1x80x128xf32, #tpu.memory_space<vmem>> -> memref<80x128xf32, #tpu.memory_space<vmem>>
      %dma_wait3A_356 = arith.constant 0 : i32
      %dma_wait3A_357 = tpu.memref_slice %arg5[%dma_wait3A_349, %dma_wait3A_350, %dma_wait3A_356] : memref<2x5x80xi32, #tpu.memory_space<vmem>> -> memref<1x1x80xi32, #tpu.memory_space<vmem>>
      %dma_wait3A_358 = tpu.memref_squeeze %dma_wait3A_357 : memref<1x1x80xi32, #tpu.memory_space<vmem>> -> memref<80xi32, #tpu.memory_space<vmem>>
      %dma_wait3A_359 = arith.constant 0 : i32
      %dma_wait3A_360 = arith.constant 0 : i32
      %dma_wait3A_361 = tpu.memref_slice %arg2[%dma_wait3A_359, %dma_wait3A_360] : memref<10000x128xf32, #tpu.memory_space<hbm>> -> memref<10000x128xf32, #tpu.memory_space<hbm>>
      tpu.wait_indirect_dma semaphore(%arg9 : memref<!tpu.dma_semaphore, #tpu.memory_space<semaphore_mem>>) src(%dma_wait3A_361 : memref<10000x128xf32, #tpu.memory_space<hbm>>) dst(%dma_wait3A_355 : memref<80x128xf32, #tpu.memory_space<vmem>>)
      %dma_wait3A_362 = arith.constant 0 : i32
      %dma_wait3A_363 = arith.constant 1 : i32
      %dma_wait3A_364 = arith.constant 0 : i32
      %dma_wait3A_365 = arith.constant 80 : i32
      %dma_wait3A_366 = arith.constant 0 : i32
      %dma_wait3A_367 = tpu.memref_slice %arg6[%dma_wait3A_364, %dma_wait3A_365, %dma_wait3A_366] : memref<2x400x128xf32, #tpu.memory_space<vmem>> -> memref<1x80x128xf32, #tpu.memory_space<vmem>>
      %dma_wait3A_368 = tpu.memref_squeeze %dma_wait3A_367 : memref<1x80x128xf32, #tpu.memory_space<vmem>> -> memref<80x128xf32, #tpu.memory_space<vmem>>
      %dma_wait3A_369 = arith.constant 0 : i32
      %dma_wait3A_370 = tpu.memref_slice %arg5[%dma_wait3A_362, %dma_wait3A_363, %dma_wait3A_369] : memref<2x5x80xi32, #tpu.memory_space<vmem>> -> memref<1x1x80xi32, #tpu.memory_space<vmem>>
      %dma_wait3A_371 = tpu.memref_squeeze %dma_wait3A_370 : memref<1x1x80xi32, #tpu.memory_space<vmem>> -> memref<80xi32, #tpu.memory_space<vmem>>
      %dma_wait3A_372 = arith.constant 0 : i32
      %dma_wait3A_373 = arith.constant 0 : i32
      %dma_wait3A_374 = tpu.memref_slice %arg2[%dma_wait3A_372, %dma_wait3A_373] : memref<10000x128xf32, #tpu.memory_space<hbm>> -> memref<10000x128xf32, #tpu.memory_space<hbm>>
      tpu.wait_indirect_dma semaphore(%arg9 : memref<!tpu.dma_semaphore, #tpu.memory_space<semaphore_mem>>) src(%dma_wait3A_374 : memref<10000x128xf32, #tpu.memory_space<hbm>>) dst(%dma_wait3A_368 : memref<80x128xf32, #tpu.memory_space<vmem>>)
      %dma_wait3A_375 = arith.constant 0 : i32
      %dma_wait3A_376 = arith.constant 2 : i32
      %dma_wait3A_377 = arith.constant 0 : i32
      %dma_wait3A_378 = arith.constant 160 : i32
      %dma_wait3A_379 = arith.constant 0 : i32
      %dma_wait3A_380 = tpu.memref_slice %arg6[%dma_wait3A_377, %dma_wait3A_378, %dma_wait3A_379] : memref<2x400x128xf32, #tpu.memory_space<vmem>> -> memref<1x80x128xf32, #tpu.memory_space<vmem>>
      %dma_wait3A_381 = tpu.memref_squeeze %dma_wait3A_380 : memref<1x80x128xf32, #tpu.memory_space<vmem>> -> memref<80x128xf32, #tpu.memory_space<vmem>>
      %dma_wait3A_382 = arith.constant 0 : i32
      %dma_wait3A_383 = tpu.memref_slice %arg5[%dma_wait3A_375, %dma_wait3A_376, %dma_wait3A_382] : memref<2x5x80xi32, #tpu.memory_space<vmem>> -> memref<1x1x80xi32, #tpu.memory_space<vmem>>
      %dma_wait3A_384 = tpu.memref_squeeze %dma_wait3A_383 : memref<1x1x80xi32, #tpu.memory_space<vmem>> -> memref<80xi32, #tpu.memory_space<vmem>>
      %dma_wait3A_385 = arith.constant 0 : i32
      %dma_wait3A_386 = arith.constant 0 : i32
      %dma_wait3A_387 = tpu.memref_slice %arg2[%dma_wait3A_385, %dma_wait3A_386] : memref<10000x128xf32, #tpu.memory_space<hbm>> -> memref<10000x128xf32, #tpu.memory_space<hbm>>
      tpu.wait_indirect_dma semaphore(%arg9 : memref<!tpu.dma_semaphore, #tpu.memory_space<semaphore_mem>>) src(%dma_wait3A_387 : memref<10000x128xf32, #tpu.memory_space<hbm>>) dst(%dma_wait3A_381 : memref<80x128xf32, #tpu.memory_space<vmem>>)
      %dma_wait3A_388 = arith.constant 0 : i32
      %dma_wait3A_389 = arith.constant 3 : i32
      %dma_wait3A_390 = arith.constant 0 : i32
      %dma_wait3A_391 = arith.constant 240 : i32
      %dma_wait3A_392 = arith.constant 0 : i32
      %dma_wait3A_393 = tpu.memref_slice %arg6[%dma_wait3A_390, %dma_wait3A_391, %dma_wait3A_392] : memref<2x400x128xf32, #tpu.memory_space<vmem>> -> memref<1x80x128xf32, #tpu.memory_space<vmem>>
      %dma_wait3A_394 = tpu.memref_squeeze %dma_wait3A_393 : memref<1x80x128xf32, #tpu.memory_space<vmem>> -> memref<80x128xf32, #tpu.memory_space<vmem>>
      %dma_wait3A_395 = arith.constant 0 : i32
      %dma_wait3A_396 = tpu.memref_slice %arg5[%dma_wait3A_388, %dma_wait3A_389, %dma_wait3A_395] : memref<2x5x80xi32, #tpu.memory_space<vmem>> -> memref<1x1x80xi32, #tpu.memory_space<vmem>>
      %dma_wait3A_397 = tpu.memref_squeeze %dma_wait3A_396 : memref<1x1x80xi32, #tpu.memory_space<vmem>> -> memref<80xi32, #tpu.memory_space<vmem>>
      %dma_wait3A_398 = arith.constant 0 : i32
      %dma_wait3A_399 = arith.constant 0 : i32
      %dma_wait3A_400 = tpu.memref_slice %arg2[%dma_wait3A_398, %dma_wait3A_399] : memref<10000x128xf32, #tpu.memory_space<hbm>> -> memref<10000x128xf32, #tpu.memory_space<hbm>>
      tpu.wait_indirect_dma semaphore(%arg9 : memref<!tpu.dma_semaphore, #tpu.memory_space<semaphore_mem>>) src(%dma_wait3A_400 : memref<10000x128xf32, #tpu.memory_space<hbm>>) dst(%dma_wait3A_394 : memref<80x128xf32, #tpu.memory_space<vmem>>)
      %dma_wait3A_401 = arith.constant 0 : i32
      %dma_wait3A_402 = arith.constant 4 : i32
      %dma_wait3A_403 = arith.constant 0 : i32
      %dma_wait3A_404 = arith.constant 320 : i32
      %dma_wait3A_405 = arith.constant 0 : i32
      %dma_wait3A_406 = tpu.memref_slice %arg6[%dma_wait3A_403, %dma_wait3A_404, %dma_wait3A_405] : memref<2x400x128xf32, #tpu.memory_space<vmem>> -> memref<1x80x128xf32, #tpu.memory_space<vmem>>
      %dma_wait3A_407 = tpu.memref_squeeze %dma_wait3A_406 : memref<1x80x128xf32, #tpu.memory_space<vmem>> -> memref<80x128xf32, #tpu.memory_space<vmem>>
      %dma_wait3A_408 = arith.constant 0 : i32
      %dma_wait3A_409 = tpu.memref_slice %arg5[%dma_wait3A_401, %dma_wait3A_402, %dma_wait3A_408] : memref<2x5x80xi32, #tpu.memory_space<vmem>> -> memref<1x1x80xi32, #tpu.memory_space<vmem>>
      %dma_wait3A_410 = tpu.memref_squeeze %dma_wait3A_409 : memref<1x1x80xi32, #tpu.memory_space<vmem>> -> memref<80xi32, #tpu.memory_space<vmem>>
      %dma_wait3A_411 = arith.constant 0 : i32
      %dma_wait3A_412 = arith.constant 0 : i32
      %dma_wait3A_413 = tpu.memref_slice %arg2[%dma_wait3A_411, %dma_wait3A_412] : memref<10000x128xf32, #tpu.memory_space<hbm>> -> memref<10000x128xf32, #tpu.memory_space<hbm>>
      tpu.wait_indirect_dma semaphore(%arg9 : memref<!tpu.dma_semaphore, #tpu.memory_space<semaphore_mem>>) src(%dma_wait3A_413 : memref<10000x128xf32, #tpu.memory_space<hbm>>) dst(%dma_wait3A_407 : memref<80x128xf32, #tpu.memory_space<vmem>>)
      %add3A_414 = arith.constant 2 : i32
      %add3A_415 = arith.addi %mul3A_263, %add3A_414 : i32
      %add3A_416 = arith.addi %mul3A_2, %add3A_415 : i32
      %dma_start3A_417 = arith.constant 0 : i32
      %dma_start3A_418 = arith.constant 0 : i32
      %dma_start3A_419 = arith.constant 0 : i32
      %dma_start3A_420 = tpu.memref_slice %arg5[%dma_start3A_417, %dma_start3A_418, %dma_start3A_419] : memref<2x5x80xi32, #tpu.memory_space<vmem>> -> memref<1x5x80xi32, #tpu.memory_space<vmem>>
      %dma_start3A_421 = tpu.memref_squeeze %dma_start3A_420 : memref<1x5x80xi32, #tpu.memory_space<vmem>> -> memref<5x80xi32, #tpu.memory_space<vmem>>
      %dma_start3A_422 = arith.constant 0 : i32
      %dma_start3A_423 = arith.constant 0 : i32
      %dma_start3A_424 = tpu.memref_slice %arg3[%add3A_416, %dma_start3A_422, %dma_start3A_423] : memref<800x5x80xi32, #tpu.memory_space<hbm>> -> memref<1x5x80xi32, #tpu.memory_space<hbm>>
      %dma_start3A_425 = tpu.memref_squeeze %dma_start3A_424 : memref<1x5x80xi32, #tpu.memory_space<hbm>> -> memref<5x80xi32, #tpu.memory_space<hbm>>
      %dma_start3A_426 = arith.constant 0 : i32
      %dma_start3A_427 = arith.constant 0 : i32
      %dma_start3A_428 = tpu.memref_slice %arg5[%dma_start3A_417, %dma_start3A_426, %dma_start3A_427] : memref<2x5x80xi32, #tpu.memory_space<vmem>> -> memref<1x5x80xi32, #tpu.memory_space<vmem>>
      %dma_start3A_429 = tpu.memref_squeeze %dma_start3A_428 : memref<1x5x80xi32, #tpu.memory_space<vmem>> -> memref<5x80xi32, #tpu.memory_space<vmem>>
      %dma_start3A_430 = arith.constant 0 : i32
      %dma_start3A_431 = arith.constant 0 : i32
      %dma_start3A_432 = tpu.memref_slice %arg3[%add3A_416, %dma_start3A_430, %dma_start3A_431] : memref<800x5x80xi32, #tpu.memory_space<hbm>> -> memref<1x5x80xi32, #tpu.memory_space<hbm>>
      %dma_start3A_433 = tpu.memref_squeeze %dma_start3A_432 : memref<1x5x80xi32, #tpu.memory_space<hbm>> -> memref<5x80xi32, #tpu.memory_space<hbm>>
      tpu.enqueue_dma source(%dma_start3A_433 : memref<5x80xi32, #tpu.memory_space<hbm>>) target(%dma_start3A_429 : memref<5x80xi32, #tpu.memory_space<vmem>>) target_semaphore(%arg7 : memref<!tpu.dma_semaphore, #tpu.memory_space<semaphore_mem>>)
      %add3A_434 = arith.addi %mul3A_2, %mul3A_263 : i32
      %mul3A_435 = arith.constant 400 : i32
      %mul3A_436 = arith.muli %add3A_434, %mul3A_435 : i32
      %dma_start3A_437 = arith.constant 0 : i32
      %dma_start3A_438 = arith.constant 0 : i32
      %dma_start3A_439 = arith.constant 0 : i32
      %dma_start3A_440 = tpu.memref_slice %arg6[%dma_start3A_437, %dma_start3A_438, %dma_start3A_439] : memref<2x400x128xf32, #tpu.memory_space<vmem>> -> memref<1x400x128xf32, #tpu.memory_space<vmem>>
      %dma_start3A_441 = tpu.memref_squeeze %dma_start3A_440 : memref<1x400x128xf32, #tpu.memory_space<vmem>> -> memref<400x128xf32, #tpu.memory_space<vmem>>
      %dma_start3A_442 = arith.constant 0 : i32
      %dma_start3A_443 = tpu.memref_slice %arg4[%mul3A_436, %dma_start3A_442] : memref<320000x128xf32, #tpu.memory_space<hbm>> -> memref<400x128xf32, #tpu.memory_space<hbm>>
      %dma_start3A_444 = arith.constant 0 : i32
      %dma_start3A_445 = tpu.memref_slice %arg4[%mul3A_436, %dma_start3A_444] : memref<320000x128xf32, #tpu.memory_space<hbm>> -> memref<400x128xf32, #tpu.memory_space<hbm>>
      %dma_start3A_446 = arith.constant 0 : i32
      %dma_start3A_447 = arith.constant 0 : i32
      %dma_start3A_448 = tpu.memref_slice %arg6[%dma_start3A_437, %dma_start3A_446, %dma_start3A_447] : memref<2x400x128xf32, #tpu.memory_space<vmem>> -> memref<1x400x128xf32, #tpu.memory_space<vmem>>
      %dma_start3A_449 = tpu.memref_squeeze %dma_start3A_448 : memref<1x400x128xf32, #tpu.memory_space<vmem>> -> memref<400x128xf32, #tpu.memory_space<vmem>>
      tpu.enqueue_dma source(%dma_start3A_449 : memref<400x128xf32, #tpu.memory_space<vmem>>) target(%dma_start3A_445 : memref<400x128xf32, #tpu.memory_space<hbm>>) target_semaphore(%arg10 : memref<!tpu.dma_semaphore, #tpu.memory_space<semaphore_mem>>)
      %add3A_450 = arith.constant 1 : i32
      %add3A_451 = arith.addi %mul3A_263, %add3A_450 : i32
      %gt3A_452 = arith.constant 0 : i32
      %gt3A_453 = arith.cmpi sgt, %scan3A_261, %gt3A_452 : i32
      %convert_element_type3A_454 = arith.extui %gt3A_453 : i1 to i32
      %cond3A_455 = arith.constant 0 : i32
      %cond3A_456 = arith.cmpi ne, %convert_element_type3A_454, %cond3A_455 : i32
      scf.if %cond3A_456 {
        %sub3A = arith.constant 2 : i32
        %sub3A_627 = arith.subi %add3A_451, %sub3A : i32
        %add3A_628 = arith.addi %mul3A_2, %sub3A_627 : i32
        %mul3A_629 = arith.constant 400 : i32
        %mul3A_630 = arith.muli %add3A_628, %mul3A_629 : i32
        %dma_wait3A_631 = arith.constant 1 : i32
        %dma_wait3A_632 = arith.constant 0 : i32
        %dma_wait3A_633 = arith.constant 0 : i32
        %dma_wait3A_634 = tpu.memref_slice %arg6[%dma_wait3A_631, %dma_wait3A_632, %dma_wait3A_633] : memref<2x400x128xf32, #tpu.memory_space<vmem>> -> memref<1x400x128xf32, #tpu.memory_space<vmem>>
        %dma_wait3A_635 = tpu.memref_squeeze %dma_wait3A_634 : memref<1x400x128xf32, #tpu.memory_space<vmem>> -> memref<400x128xf32, #tpu.memory_space<vmem>>
        %dma_wait3A_636 = arith.constant 0 : i32
        %dma_wait3A_637 = tpu.memref_slice %arg4[%mul3A_630, %dma_wait3A_636] : memref<320000x128xf32, #tpu.memory_space<hbm>> -> memref<400x128xf32, #tpu.memory_space<hbm>>
        %dma_wait3A_638 = arith.constant 0 : i32
        %dma_wait3A_639 = tpu.memref_slice %arg4[%mul3A_630, %dma_wait3A_638] : memref<320000x128xf32, #tpu.memory_space<hbm>> -> memref<400x128xf32, #tpu.memory_space<hbm>>
        %dma_wait3A_640 = arith.constant 0 : i32
        %dma_wait3A_641 = arith.constant 0 : i32
        %dma_wait3A_642 = tpu.memref_slice %arg6[%dma_wait3A_631, %dma_wait3A_640, %dma_wait3A_641] : memref<2x400x128xf32, #tpu.memory_space<vmem>> -> memref<1x400x128xf32, #tpu.memory_space<vmem>>
        %dma_wait3A_643 = tpu.memref_squeeze %dma_wait3A_642 : memref<1x400x128xf32, #tpu.memory_space<vmem>> -> memref<400x128xf32, #tpu.memory_space<vmem>>
        tpu.wait_dma2 semaphore(%arg11 : memref<!tpu.dma_semaphore, #tpu.memory_space<semaphore_mem>>) src(%dma_wait3A_643 : memref<400x128xf32, #tpu.memory_space<vmem>>) dst(%dma_wait3A_639 : memref<400x128xf32, #tpu.memory_space<hbm>>)
      } else {
      }
      %add3A_457 = arith.addi %mul3A_2, %add3A_451 : i32
      %dma_wait3A_458 = arith.constant 1 : i32
      %dma_wait3A_459 = arith.constant 0 : i32
      %dma_wait3A_460 = arith.constant 0 : i32
      %dma_wait3A_461 = tpu.memref_slice %arg5[%dma_wait3A_458, %dma_wait3A_459, %dma_wait3A_460] : memref<2x5x80xi32, #tpu.memory_space<vmem>> -> memref<1x5x80xi32, #tpu.memory_space<vmem>>
      %dma_wait3A_462 = tpu.memref_squeeze %dma_wait3A_461 : memref<1x5x80xi32, #tpu.memory_space<vmem>> -> memref<5x80xi32, #tpu.memory_space<vmem>>
      %dma_wait3A_463 = arith.constant 0 : i32
      %dma_wait3A_464 = arith.constant 0 : i32
      %dma_wait3A_465 = tpu.memref_slice %arg3[%add3A_457, %dma_wait3A_463, %dma_wait3A_464] : memref<800x5x80xi32, #tpu.memory_space<hbm>> -> memref<1x5x80xi32, #tpu.memory_space<hbm>>
      %dma_wait3A_466 = tpu.memref_squeeze %dma_wait3A_465 : memref<1x5x80xi32, #tpu.memory_space<hbm>> -> memref<5x80xi32, #tpu.memory_space<hbm>>
      %dma_wait3A_467 = arith.constant 0 : i32
      %dma_wait3A_468 = arith.constant 0 : i32
      %dma_wait3A_469 = tpu.memref_slice %arg5[%dma_wait3A_458, %dma_wait3A_467, %dma_wait3A_468] : memref<2x5x80xi32, #tpu.memory_space<vmem>> -> memref<1x5x80xi32, #tpu.memory_space<vmem>>
      %dma_wait3A_470 = tpu.memref_squeeze %dma_wait3A_469 : memref<1x5x80xi32, #tpu.memory_space<vmem>> -> memref<5x80xi32, #tpu.memory_space<vmem>>
      %dma_wait3A_471 = arith.constant 0 : i32
      %dma_wait3A_472 = arith.constant 0 : i32
      %dma_wait3A_473 = tpu.memref_slice %arg3[%add3A_457, %dma_wait3A_471, %dma_wait3A_472] : memref<800x5x80xi32, #tpu.memory_space<hbm>> -> memref<1x5x80xi32, #tpu.memory_space<hbm>>
      %dma_wait3A_474 = tpu.memref_squeeze %dma_wait3A_473 : memref<1x5x80xi32, #tpu.memory_space<hbm>> -> memref<5x80xi32, #tpu.memory_space<hbm>>
      tpu.wait_dma2 semaphore(%arg8 : memref<!tpu.dma_semaphore, #tpu.memory_space<semaphore_mem>>) src(%dma_wait3A_474 : memref<5x80xi32, #tpu.memory_space<hbm>>) dst(%dma_wait3A_470 : memref<5x80xi32, #tpu.memory_space<vmem>>)
      %dma_start3A_475 = arith.constant 1 : i32
      %dma_start3A_476 = arith.constant 0 : i32
      %dma_start3A_477 = arith.constant 1 : i32
      %dma_start3A_478 = arith.constant 0 : i32
      %dma_start3A_479 = arith.constant 0 : i32
      %dma_start3A_480 = tpu.memref_slice %arg6[%dma_start3A_477, %dma_start3A_478, %dma_start3A_479] : memref<2x400x128xf32, #tpu.memory_space<vmem>> -> memref<1x80x128xf32, #tpu.memory_space<vmem>>
      %dma_start3A_481 = tpu.memref_squeeze %dma_start3A_480 : memref<1x80x128xf32, #tpu.memory_space<vmem>> -> memref<80x128xf32, #tpu.memory_space<vmem>>
      %dma_start3A_482 = arith.constant 0 : i32
      %dma_start3A_483 = tpu.memref_slice %arg5[%dma_start3A_475, %dma_start3A_476, %dma_start3A_482] : memref<2x5x80xi32, #tpu.memory_space<vmem>> -> memref<1x1x80xi32, #tpu.memory_space<vmem>>
      %dma_start3A_484 = tpu.memref_squeeze %dma_start3A_483 : memref<1x1x80xi32, #tpu.memory_space<vmem>> -> memref<80xi32, #tpu.memory_space<vmem>>
      %dma_start3A_485 = arith.constant 0 : i32
      %dma_start3A_486 = arith.constant 0 : i32
      %dma_start3A_487 = tpu.memref_slice %arg2[%dma_start3A_485, %dma_start3A_486] : memref<10000x128xf32, #tpu.memory_space<hbm>> -> memref<10000x128xf32, #tpu.memory_space<hbm>>
      tpu.enqueue_indirect_dma source(%dma_start3A_487 : memref<10000x128xf32, #tpu.memory_space<hbm>>) target(%dma_start3A_481 : memref<80x128xf32, #tpu.memory_space<vmem>>) offsets(%dma_start3A_484 : memref<80xi32, #tpu.memory_space<vmem>>) semaphore(%arg9 : memref<!tpu.dma_semaphore, #tpu.memory_space<semaphore_mem>>)
      %dma_start3A_488 = arith.constant 1 : i32
      %dma_start3A_489 = arith.constant 1 : i32
      %dma_start3A_490 = arith.constant 1 : i32
      %dma_start3A_491 = arith.constant 80 : i32
      %dma_start3A_492 = arith.constant 0 : i32
      %dma_start3A_493 = tpu.memref_slice %arg6[%dma_start3A_490, %dma_start3A_491, %dma_start3A_492] : memref<2x400x128xf32, #tpu.memory_space<vmem>> -> memref<1x80x128xf32, #tpu.memory_space<vmem>>
      %dma_start3A_494 = tpu.memref_squeeze %dma_start3A_493 : memref<1x80x128xf32, #tpu.memory_space<vmem>> -> memref<80x128xf32, #tpu.memory_space<vmem>>
      %dma_start3A_495 = arith.constant 0 : i32
      %dma_start3A_496 = tpu.memref_slice %arg5[%dma_start3A_488, %dma_start3A_489, %dma_start3A_495] : memref<2x5x80xi32, #tpu.memory_space<vmem>> -> memref<1x1x80xi32, #tpu.memory_space<vmem>>
      %dma_start3A_497 = tpu.memref_squeeze %dma_start3A_496 : memref<1x1x80xi32, #tpu.memory_space<vmem>> -> memref<80xi32, #tpu.memory_space<vmem>>
      %dma_start3A_498 = arith.constant 0 : i32
      %dma_start3A_499 = arith.constant 0 : i32
      %dma_start3A_500 = tpu.memref_slice %arg2[%dma_start3A_498, %dma_start3A_499] : memref<10000x128xf32, #tpu.memory_space<hbm>> -> memref<10000x128xf32, #tpu.memory_space<hbm>>
      tpu.enqueue_indirect_dma source(%dma_start3A_500 : memref<10000x128xf32, #tpu.memory_space<hbm>>) target(%dma_start3A_494 : memref<80x128xf32, #tpu.memory_space<vmem>>) offsets(%dma_start3A_497 : memref<80xi32, #tpu.memory_space<vmem>>) semaphore(%arg9 : memref<!tpu.dma_semaphore, #tpu.memory_space<semaphore_mem>>)
      %dma_start3A_501 = arith.constant 1 : i32
      %dma_start3A_502 = arith.constant 2 : i32
      %dma_start3A_503 = arith.constant 1 : i32
      %dma_start3A_504 = arith.constant 160 : i32
      %dma_start3A_505 = arith.constant 0 : i32
      %dma_start3A_506 = tpu.memref_slice %arg6[%dma_start3A_503, %dma_start3A_504, %dma_start3A_505] : memref<2x400x128xf32, #tpu.memory_space<vmem>> -> memref<1x80x128xf32, #tpu.memory_space<vmem>>
      %dma_start3A_507 = tpu.memref_squeeze %dma_start3A_506 : memref<1x80x128xf32, #tpu.memory_space<vmem>> -> memref<80x128xf32, #tpu.memory_space<vmem>>
      %dma_start3A_508 = arith.constant 0 : i32
      %dma_start3A_509 = tpu.memref_slice %arg5[%dma_start3A_501, %dma_start3A_502, %dma_start3A_508] : memref<2x5x80xi32, #tpu.memory_space<vmem>> -> memref<1x1x80xi32, #tpu.memory_space<vmem>>
      %dma_start3A_510 = tpu.memref_squeeze %dma_start3A_509 : memref<1x1x80xi32, #tpu.memory_space<vmem>> -> memref<80xi32, #tpu.memory_space<vmem>>
      %dma_start3A_511 = arith.constant 0 : i32
      %dma_start3A_512 = arith.constant 0 : i32
      %dma_start3A_513 = tpu.memref_slice %arg2[%dma_start3A_511, %dma_start3A_512] : memref<10000x128xf32, #tpu.memory_space<hbm>> -> memref<10000x128xf32, #tpu.memory_space<hbm>>
      tpu.enqueue_indirect_dma source(%dma_start3A_513 : memref<10000x128xf32, #tpu.memory_space<hbm>>) target(%dma_start3A_507 : memref<80x128xf32, #tpu.memory_space<vmem>>) offsets(%dma_start3A_510 : memref<80xi32, #tpu.memory_space<vmem>>) semaphore(%arg9 : memref<!tpu.dma_semaphore, #tpu.memory_space<semaphore_mem>>)
      %dma_start3A_514 = arith.constant 1 : i32
      %dma_start3A_515 = arith.constant 3 : i32
      %dma_start3A_516 = arith.constant 1 : i32
      %dma_start3A_517 = arith.constant 240 : i32
      %dma_start3A_518 = arith.constant 0 : i32
      %dma_start3A_519 = tpu.memref_slice %arg6[%dma_start3A_516, %dma_start3A_517, %dma_start3A_518] : memref<2x400x128xf32, #tpu.memory_space<vmem>> -> memref<1x80x128xf32, #tpu.memory_space<vmem>>
      %dma_start3A_520 = tpu.memref_squeeze %dma_start3A_519 : memref<1x80x128xf32, #tpu.memory_space<vmem>> -> memref<80x128xf32, #tpu.memory_space<vmem>>
      %dma_start3A_521 = arith.constant 0 : i32
      %dma_start3A_522 = tpu.memref_slice %arg5[%dma_start3A_514, %dma_start3A_515, %dma_start3A_521] : memref<2x5x80xi32, #tpu.memory_space<vmem>> -> memref<1x1x80xi32, #tpu.memory_space<vmem>>
      %dma_start3A_523 = tpu.memref_squeeze %dma_start3A_522 : memref<1x1x80xi32, #tpu.memory_space<vmem>> -> memref<80xi32, #tpu.memory_space<vmem>>
      %dma_start3A_524 = arith.constant 0 : i32
      %dma_start3A_525 = arith.constant 0 : i32
      %dma_start3A_526 = tpu.memref_slice %arg2[%dma_start3A_524, %dma_start3A_525] : memref<10000x128xf32, #tpu.memory_space<hbm>> -> memref<10000x128xf32, #tpu.memory_space<hbm>>
      tpu.enqueue_indirect_dma source(%dma_start3A_526 : memref<10000x128xf32, #tpu.memory_space<hbm>>) target(%dma_start3A_520 : memref<80x128xf32, #tpu.memory_space<vmem>>) offsets(%dma_start3A_523 : memref<80xi32, #tpu.memory_space<vmem>>) semaphore(%arg9 : memref<!tpu.dma_semaphore, #tpu.memory_space<semaphore_mem>>)
      %dma_start3A_527 = arith.constant 1 : i32
      %dma_start3A_528 = arith.constant 4 : i32
      %dma_start3A_529 = arith.constant 1 : i32
      %dma_start3A_530 = arith.constant 320 : i32
      %dma_start3A_531 = arith.constant 0 : i32
      %dma_start3A_532 = tpu.memref_slice %arg6[%dma_start3A_529, %dma_start3A_530, %dma_start3A_531] : memref<2x400x128xf32, #tpu.memory_space<vmem>> -> memref<1x80x128xf32, #tpu.memory_space<vmem>>
      %dma_start3A_533 = tpu.memref_squeeze %dma_start3A_532 : memref<1x80x128xf32, #tpu.memory_space<vmem>> -> memref<80x128xf32, #tpu.memory_space<vmem>>
      %dma_start3A_534 = arith.constant 0 : i32
      %dma_start3A_535 = tpu.memref_slice %arg5[%dma_start3A_527, %dma_start3A_528, %dma_start3A_534] : memref<2x5x80xi32, #tpu.memory_space<vmem>> -> memref<1x1x80xi32, #tpu.memory_space<vmem>>
      %dma_start3A_536 = tpu.memref_squeeze %dma_start3A_535 : memref<1x1x80xi32, #tpu.memory_space<vmem>> -> memref<80xi32, #tpu.memory_space<vmem>>
      %dma_start3A_537 = arith.constant 0 : i32
      %dma_start3A_538 = arith.constant 0 : i32
      %dma_start3A_539 = tpu.memref_slice %arg2[%dma_start3A_537, %dma_start3A_538] : memref<10000x128xf32, #tpu.memory_space<hbm>> -> memref<10000x128xf32, #tpu.memory_space<hbm>>
      tpu.enqueue_indirect_dma source(%dma_start3A_539 : memref<10000x128xf32, #tpu.memory_space<hbm>>) target(%dma_start3A_533 : memref<80x128xf32, #tpu.memory_space<vmem>>) offsets(%dma_start3A_536 : memref<80xi32, #tpu.memory_space<vmem>>) semaphore(%arg9 : memref<!tpu.dma_semaphore, #tpu.memory_space<semaphore_mem>>)
      %dma_wait3A_540 = arith.constant 1 : i32
      %dma_wait3A_541 = arith.constant 0 : i32
      %dma_wait3A_542 = arith.constant 1 : i32
      %dma_wait3A_543 = arith.constant 0 : i32
      %dma_wait3A_544 = arith.constant 0 : i32
      %dma_wait3A_545 = tpu.memref_slice %arg6[%dma_wait3A_542, %dma_wait3A_543, %dma_wait3A_544] : memref<2x400x128xf32, #tpu.memory_space<vmem>> -> memref<1x80x128xf32, #tpu.memory_space<vmem>>
      %dma_wait3A_546 = tpu.memref_squeeze %dma_wait3A_545 : memref<1x80x128xf32, #tpu.memory_space<vmem>> -> memref<80x128xf32, #tpu.memory_space<vmem>>
      %dma_wait3A_547 = arith.constant 0 : i32
      %dma_wait3A_548 = tpu.memref_slice %arg5[%dma_wait3A_540, %dma_wait3A_541, %dma_wait3A_547] : memref<2x5x80xi32, #tpu.memory_space<vmem>> -> memref<1x1x80xi32, #tpu.memory_space<vmem>>
      %dma_wait3A_549 = tpu.memref_squeeze %dma_wait3A_548 : memref<1x1x80xi32, #tpu.memory_space<vmem>> -> memref<80xi32, #tpu.memory_space<vmem>>
      %dma_wait3A_550 = arith.constant 0 : i32
      %dma_wait3A_551 = arith.constant 0 : i32
      %dma_wait3A_552 = tpu.memref_slice %arg2[%dma_wait3A_550, %dma_wait3A_551] : memref<10000x128xf32, #tpu.memory_space<hbm>> -> memref<10000x128xf32, #tpu.memory_space<hbm>>
      tpu.wait_indirect_dma semaphore(%arg9 : memref<!tpu.dma_semaphore, #tpu.memory_space<semaphore_mem>>) src(%dma_wait3A_552 : memref<10000x128xf32, #tpu.memory_space<hbm>>) dst(%dma_wait3A_546 : memref<80x128xf32, #tpu.memory_space<vmem>>)
      %dma_wait3A_553 = arith.constant 1 : i32
      %dma_wait3A_554 = arith.constant 1 : i32
      %dma_wait3A_555 = arith.constant 1 : i32
      %dma_wait3A_556 = arith.constant 80 : i32
      %dma_wait3A_557 = arith.constant 0 : i32
      %dma_wait3A_558 = tpu.memref_slice %arg6[%dma_wait3A_555, %dma_wait3A_556, %dma_wait3A_557] : memref<2x400x128xf32, #tpu.memory_space<vmem>> -> memref<1x80x128xf32, #tpu.memory_space<vmem>>
      %dma_wait3A_559 = tpu.memref_squeeze %dma_wait3A_558 : memref<1x80x128xf32, #tpu.memory_space<vmem>> -> memref<80x128xf32, #tpu.memory_space<vmem>>
      %dma_wait3A_560 = arith.constant 0 : i32
      %dma_wait3A_561 = tpu.memref_slice %arg5[%dma_wait3A_553, %dma_wait3A_554, %dma_wait3A_560] : memref<2x5x80xi32, #tpu.memory_space<vmem>> -> memref<1x1x80xi32, #tpu.memory_space<vmem>>
      %dma_wait3A_562 = tpu.memref_squeeze %dma_wait3A_561 : memref<1x1x80xi32, #tpu.memory_space<vmem>> -> memref<80xi32, #tpu.memory_space<vmem>>
      %dma_wait3A_563 = arith.constant 0 : i32
      %dma_wait3A_564 = arith.constant 0 : i32
      %dma_wait3A_565 = tpu.memref_slice %arg2[%dma_wait3A_563, %dma_wait3A_564] : memref<10000x128xf32, #tpu.memory_space<hbm>> -> memref<10000x128xf32, #tpu.memory_space<hbm>>
      tpu.wait_indirect_dma semaphore(%arg9 : memref<!tpu.dma_semaphore, #tpu.memory_space<semaphore_mem>>) src(%dma_wait3A_565 : memref<10000x128xf32, #tpu.memory_space<hbm>>) dst(%dma_wait3A_559 : memref<80x128xf32, #tpu.memory_space<vmem>>)
      %dma_wait3A_566 = arith.constant 1 : i32
      %dma_wait3A_567 = arith.constant 2 : i32
      %dma_wait3A_568 = arith.constant 1 : i32
      %dma_wait3A_569 = arith.constant 160 : i32
      %dma_wait3A_570 = arith.constant 0 : i32
      %dma_wait3A_571 = tpu.memref_slice %arg6[%dma_wait3A_568, %dma_wait3A_569, %dma_wait3A_570] : memref<2x400x128xf32, #tpu.memory_space<vmem>> -> memref<1x80x128xf32, #tpu.memory_space<vmem>>
      %dma_wait3A_572 = tpu.memref_squeeze %dma_wait3A_571 : memref<1x80x128xf32, #tpu.memory_space<vmem>> -> memref<80x128xf32, #tpu.memory_space<vmem>>
      %dma_wait3A_573 = arith.constant 0 : i32
      %dma_wait3A_574 = tpu.memref_slice %arg5[%dma_wait3A_566, %dma_wait3A_567, %dma_wait3A_573] : memref<2x5x80xi32, #tpu.memory_space<vmem>> -> memref<1x1x80xi32, #tpu.memory_space<vmem>>
      %dma_wait3A_575 = tpu.memref_squeeze %dma_wait3A_574 : memref<1x1x80xi32, #tpu.memory_space<vmem>> -> memref<80xi32, #tpu.memory_space<vmem>>
      %dma_wait3A_576 = arith.constant 0 : i32
      %dma_wait3A_577 = arith.constant 0 : i32
      %dma_wait3A_578 = tpu.memref_slice %arg2[%dma_wait3A_576, %dma_wait3A_577] : memref<10000x128xf32, #tpu.memory_space<hbm>> -> memref<10000x128xf32, #tpu.memory_space<hbm>>
      tpu.wait_indirect_dma semaphore(%arg9 : memref<!tpu.dma_semaphore, #tpu.memory_space<semaphore_mem>>) src(%dma_wait3A_578 : memref<10000x128xf32, #tpu.memory_space<hbm>>) dst(%dma_wait3A_572 : memref<80x128xf32, #tpu.memory_space<vmem>>)
      %dma_wait3A_579 = arith.constant 1 : i32
      %dma_wait3A_580 = arith.constant 3 : i32
      %dma_wait3A_581 = arith.constant 1 : i32
      %dma_wait3A_582 = arith.constant 240 : i32
      %dma_wait3A_583 = arith.constant 0 : i32
      %dma_wait3A_584 = tpu.memref_slice %arg6[%dma_wait3A_581, %dma_wait3A_582, %dma_wait3A_583] : memref<2x400x128xf32, #tpu.memory_space<vmem>> -> memref<1x80x128xf32, #tpu.memory_space<vmem>>
      %dma_wait3A_585 = tpu.memref_squeeze %dma_wait3A_584 : memref<1x80x128xf32, #tpu.memory_space<vmem>> -> memref<80x128xf32, #tpu.memory_space<vmem>>
      %dma_wait3A_586 = arith.constant 0 : i32
      %dma_wait3A_587 = tpu.memref_slice %arg5[%dma_wait3A_579, %dma_wait3A_580, %dma_wait3A_586] : memref<2x5x80xi32, #tpu.memory_space<vmem>> -> memref<1x1x80xi32, #tpu.memory_space<vmem>>
      %dma_wait3A_588 = tpu.memref_squeeze %dma_wait3A_587 : memref<1x1x80xi32, #tpu.memory_space<vmem>> -> memref<80xi32, #tpu.memory_space<vmem>>
      %dma_wait3A_589 = arith.constant 0 : i32
      %dma_wait3A_590 = arith.constant 0 : i32
      %dma_wait3A_591 = tpu.memref_slice %arg2[%dma_wait3A_589, %dma_wait3A_590] : memref<10000x128xf32, #tpu.memory_space<hbm>> -> memref<10000x128xf32, #tpu.memory_space<hbm>>
      tpu.wait_indirect_dma semaphore(%arg9 : memref<!tpu.dma_semaphore, #tpu.memory_space<semaphore_mem>>) src(%dma_wait3A_591 : memref<10000x128xf32, #tpu.memory_space<hbm>>) dst(%dma_wait3A_585 : memref<80x128xf32, #tpu.memory_space<vmem>>)
      %dma_wait3A_592 = arith.constant 1 : i32
      %dma_wait3A_593 = arith.constant 4 : i32
      %dma_wait3A_594 = arith.constant 1 : i32
      %dma_wait3A_595 = arith.constant 320 : i32
      %dma_wait3A_596 = arith.constant 0 : i32
      %dma_wait3A_597 = tpu.memref_slice %arg6[%dma_wait3A_594, %dma_wait3A_595, %dma_wait3A_596] : memref<2x400x128xf32, #tpu.memory_space<vmem>> -> memref<1x80x128xf32, #tpu.memory_space<vmem>>
      %dma_wait3A_598 = tpu.memref_squeeze %dma_wait3A_597 : memref<1x80x128xf32, #tpu.memory_space<vmem>> -> memref<80x128xf32, #tpu.memory_space<vmem>>
      %dma_wait3A_599 = arith.constant 0 : i32
      %dma_wait3A_600 = tpu.memref_slice %arg5[%dma_wait3A_592, %dma_wait3A_593, %dma_wait3A_599] : memref<2x5x80xi32, #tpu.memory_space<vmem>> -> memref<1x1x80xi32, #tpu.memory_space<vmem>>
      %dma_wait3A_601 = tpu.memref_squeeze %dma_wait3A_600 : memref<1x1x80xi32, #tpu.memory_space<vmem>> -> memref<80xi32, #tpu.memory_space<vmem>>
      %dma_wait3A_602 = arith.constant 0 : i32
      %dma_wait3A_603 = arith.constant 0 : i32
      %dma_wait3A_604 = tpu.memref_slice %arg2[%dma_wait3A_602, %dma_wait3A_603] : memref<10000x128xf32, #tpu.memory_space<hbm>> -> memref<10000x128xf32, #tpu.memory_space<hbm>>
      tpu.wait_indirect_dma semaphore(%arg9 : memref<!tpu.dma_semaphore, #tpu.memory_space<semaphore_mem>>) src(%dma_wait3A_604 : memref<10000x128xf32, #tpu.memory_space<hbm>>) dst(%dma_wait3A_598 : memref<80x128xf32, #tpu.memory_space<vmem>>)
      %add3A_605 = arith.constant 2 : i32
      %add3A_606 = arith.addi %add3A_451, %add3A_605 : i32
      %lt3A = arith.constant 25 : i32
      %lt3A_607 = arith.cmpi slt, %add3A_606, %lt3A : i32
      %convert_element_type3A_608 = arith.extui %lt3A_607 : i1 to i32
      %cond3A_609 = arith.constant 0 : i32
      %cond3A_610 = arith.cmpi ne, %convert_element_type3A_608, %cond3A_609 : i32
      scf.if %cond3A_610 {
        %add3A_627 = arith.constant 2 : i32
        %add3A_628 = arith.addi %add3A_451, %add3A_627 : i32
        %add3A_629 = arith.addi %mul3A_2, %add3A_628 : i32
        %dma_start3A_630 = arith.constant 1 : i32
        %dma_start3A_631 = arith.constant 0 : i32
        %dma_start3A_632 = arith.constant 0 : i32
        %dma_start3A_633 = tpu.memref_slice %arg5[%dma_start3A_630, %dma_start3A_631, %dma_start3A_632] : memref<2x5x80xi32, #tpu.memory_space<vmem>> -> memref<1x5x80xi32, #tpu.memory_space<vmem>>
        %dma_start3A_634 = tpu.memref_squeeze %dma_start3A_633 : memref<1x5x80xi32, #tpu.memory_space<vmem>> -> memref<5x80xi32, #tpu.memory_space<vmem>>
        %dma_start3A_635 = arith.constant 0 : i32
        %dma_start3A_636 = arith.constant 0 : i32
        %dma_start3A_637 = tpu.memref_slice %arg3[%add3A_629, %dma_start3A_635, %dma_start3A_636] : memref<800x5x80xi32, #tpu.memory_space<hbm>> -> memref<1x5x80xi32, #tpu.memory_space<hbm>>
        %dma_start3A_638 = tpu.memref_squeeze %dma_start3A_637 : memref<1x5x80xi32, #tpu.memory_space<hbm>> -> memref<5x80xi32, #tpu.memory_space<hbm>>
        %dma_start3A_639 = arith.constant 0 : i32
        %dma_start3A_640 = arith.constant 0 : i32
        %dma_start3A_641 = tpu.memref_slice %arg5[%dma_start3A_630, %dma_start3A_639, %dma_start3A_640] : memref<2x5x80xi32, #tpu.memory_space<vmem>> -> memref<1x5x80xi32, #tpu.memory_space<vmem>>
        %dma_start3A_642 = tpu.memref_squeeze %dma_start3A_641 : memref<1x5x80xi32, #tpu.memory_space<vmem>> -> memref<5x80xi32, #tpu.memory_space<vmem>>
        %dma_start3A_643 = arith.constant 0 : i32
        %dma_start3A_644 = arith.constant 0 : i32
        %dma_start3A_645 = tpu.memref_slice %arg3[%add3A_629, %dma_start3A_643, %dma_start3A_644] : memref<800x5x80xi32, #tpu.memory_space<hbm>> -> memref<1x5x80xi32, #tpu.memory_space<hbm>>
        %dma_start3A_646 = tpu.memref_squeeze %dma_start3A_645 : memref<1x5x80xi32, #tpu.memory_space<hbm>> -> memref<5x80xi32, #tpu.memory_space<hbm>>
        tpu.enqueue_dma source(%dma_start3A_646 : memref<5x80xi32, #tpu.memory_space<hbm>>) target(%dma_start3A_642 : memref<5x80xi32, #tpu.memory_space<vmem>>) target_semaphore(%arg8 : memref<!tpu.dma_semaphore, #tpu.memory_space<semaphore_mem>>)
      } else {
      }
      %add3A_611 = arith.addi %mul3A_2, %add3A_451 : i32
      %mul3A_612 = arith.constant 400 : i32
      %mul3A_613 = arith.muli %add3A_611, %mul3A_612 : i32
      %dma_start3A_614 = arith.constant 1 : i32
      %dma_start3A_615 = arith.constant 0 : i32
      %dma_start3A_616 = arith.constant 0 : i32
      %dma_start3A_617 = tpu.memref_slice %arg6[%dma_start3A_614, %dma_start3A_615, %dma_start3A_616] : memref<2x400x128xf32, #tpu.memory_space<vmem>> -> memref<1x400x128xf32, #tpu.memory_space<vmem>>
      %dma_start3A_618 = tpu.memref_squeeze %dma_start3A_617 : memref<1x400x128xf32, #tpu.memory_space<vmem>> -> memref<400x128xf32, #tpu.memory_space<vmem>>
      %dma_start3A_619 = arith.constant 0 : i32
      %dma_start3A_620 = tpu.memref_slice %arg4[%mul3A_613, %dma_start3A_619] : memref<320000x128xf32, #tpu.memory_space<hbm>> -> memref<400x128xf32, #tpu.memory_space<hbm>>
      %dma_start3A_621 = arith.constant 0 : i32
      %dma_start3A_622 = tpu.memref_slice %arg4[%mul3A_613, %dma_start3A_621] : memref<320000x128xf32, #tpu.memory_space<hbm>> -> memref<400x128xf32, #tpu.memory_space<hbm>>
      %dma_start3A_623 = arith.constant 0 : i32
      %dma_start3A_624 = arith.constant 0 : i32
      %dma_start3A_625 = tpu.memref_slice %arg6[%dma_start3A_614, %dma_start3A_623, %dma_start3A_624] : memref<2x400x128xf32, #tpu.memory_space<vmem>> -> memref<1x400x128xf32, #tpu.memory_space<vmem>>
      %dma_start3A_626 = tpu.memref_squeeze %dma_start3A_625 : memref<1x400x128xf32, #tpu.memory_space<vmem>> -> memref<400x128xf32, #tpu.memory_space<vmem>>
      tpu.enqueue_dma source(%dma_start3A_626 : memref<400x128xf32, #tpu.memory_space<vmem>>) target(%dma_start3A_622 : memref<400x128xf32, #tpu.memory_space<hbm>>) target_semaphore(%arg11 : memref<!tpu.dma_semaphore, #tpu.memory_space<semaphore_mem>>)
    }
    %scan3A_44 = arith.constant 12 : i32
    %add3A_45 = arith.constant 22 : i32
    %add3A_46 = arith.addi %mul3A_2, %add3A_45 : i32
    %mul3A_47 = arith.constant 400 : i32
    %mul3A_48 = arith.muli %add3A_46, %mul3A_47 : i32
    %dma_wait3A = arith.constant 0 : i32
    %dma_wait3A_49 = arith.constant 0 : i32
    %dma_wait3A_50 = arith.constant 0 : i32
    %dma_wait3A_51 = tpu.memref_slice %arg6[%dma_wait3A, %dma_wait3A_49, %dma_wait3A_50] : memref<2x400x128xf32, #tpu.memory_space<vmem>> -> memref<1x400x128xf32, #tpu.memory_space<vmem>>
    %dma_wait3A_52 = tpu.memref_squeeze %dma_wait3A_51 : memref<1x400x128xf32, #tpu.memory_space<vmem>> -> memref<400x128xf32, #tpu.memory_space<vmem>>
    %dma_wait3A_53 = arith.constant 0 : i32
    %dma_wait3A_54 = tpu.memref_slice %arg4[%mul3A_48, %dma_wait3A_53] : memref<320000x128xf32, #tpu.memory_space<hbm>> -> memref<400x128xf32, #tpu.memory_space<hbm>>
    %dma_wait3A_55 = arith.constant 0 : i32
    %dma_wait3A_56 = tpu.memref_slice %arg4[%mul3A_48, %dma_wait3A_55] : memref<320000x128xf32, #tpu.memory_space<hbm>> -> memref<400x128xf32, #tpu.memory_space<hbm>>
    %dma_wait3A_57 = arith.constant 0 : i32
    %dma_wait3A_58 = arith.constant 0 : i32
    %dma_wait3A_59 = tpu.memref_slice %arg6[%dma_wait3A, %dma_wait3A_57, %dma_wait3A_58] : memref<2x400x128xf32, #tpu.memory_space<vmem>> -> memref<1x400x128xf32, #tpu.memory_space<vmem>>
    %dma_wait3A_60 = tpu.memref_squeeze %dma_wait3A_59 : memref<1x400x128xf32, #tpu.memory_space<vmem>> -> memref<400x128xf32, #tpu.memory_space<vmem>>
    tpu.wait_dma2 semaphore(%arg10 : memref<!tpu.dma_semaphore, #tpu.memory_space<semaphore_mem>>) src(%dma_wait3A_60 : memref<400x128xf32, #tpu.memory_space<vmem>>) dst(%dma_wait3A_56 : memref<400x128xf32, #tpu.memory_space<hbm>>)
    %add3A_61 = arith.constant 24 : i32
    %add3A_62 = arith.addi %mul3A_2, %add3A_61 : i32
    %dma_wait3A_63 = arith.constant 0 : i32
    %dma_wait3A_64 = arith.constant 0 : i32
    %dma_wait3A_65 = arith.constant 0 : i32
    %dma_wait3A_66 = tpu.memref_slice %arg5[%dma_wait3A_63, %dma_wait3A_64, %dma_wait3A_65] : memref<2x5x80xi32, #tpu.memory_space<vmem>> -> memref<1x5x80xi32, #tpu.memory_space<vmem>>
    %dma_wait3A_67 = tpu.memref_squeeze %dma_wait3A_66 : memref<1x5x80xi32, #tpu.memory_space<vmem>> -> memref<5x80xi32, #tpu.memory_space<vmem>>
    %dma_wait3A_68 = arith.constant 0 : i32
    %dma_wait3A_69 = arith.constant 0 : i32
    %dma_wait3A_70 = tpu.memref_slice %arg3[%add3A_62, %dma_wait3A_68, %dma_wait3A_69] : memref<800x5x80xi32, #tpu.memory_space<hbm>> -> memref<1x5x80xi32, #tpu.memory_space<hbm>>
    %dma_wait3A_71 = tpu.memref_squeeze %dma_wait3A_70 : memref<1x5x80xi32, #tpu.memory_space<hbm>> -> memref<5x80xi32, #tpu.memory_space<hbm>>
    %dma_wait3A_72 = arith.constant 0 : i32
    %dma_wait3A_73 = arith.constant 0 : i32
    %dma_wait3A_74 = tpu.memref_slice %arg5[%dma_wait3A_63, %dma_wait3A_72, %dma_wait3A_73] : memref<2x5x80xi32, #tpu.memory_space<vmem>> -> memref<1x5x80xi32, #tpu.memory_space<vmem>>
    %dma_wait3A_75 = tpu.memref_squeeze %dma_wait3A_74 : memref<1x5x80xi32, #tpu.memory_space<vmem>> -> memref<5x80xi32, #tpu.memory_space<vmem>>
    %dma_wait3A_76 = arith.constant 0 : i32
    %dma_wait3A_77 = arith.constant 0 : i32
    %dma_wait3A_78 = tpu.memref_slice %arg3[%add3A_62, %dma_wait3A_76, %dma_wait3A_77] : memref<800x5x80xi32, #tpu.memory_space<hbm>> -> memref<1x5x80xi32, #tpu.memory_space<hbm>>
    %dma_wait3A_79 = tpu.memref_squeeze %dma_wait3A_78 : memref<1x5x80xi32, #tpu.memory_space<hbm>> -> memref<5x80xi32, #tpu.memory_space<hbm>>
    tpu.wait_dma2 semaphore(%arg7 : memref<!tpu.dma_semaphore, #tpu.memory_space<semaphore_mem>>) src(%dma_wait3A_79 : memref<5x80xi32, #tpu.memory_space<hbm>>) dst(%dma_wait3A_75 : memref<5x80xi32, #tpu.memory_space<vmem>>)
    %dma_start3A_80 = arith.constant 0 : i32
    %dma_start3A_81 = arith.constant 0 : i32
    %dma_start3A_82 = arith.constant 0 : i32
    %dma_start3A_83 = arith.constant 0 : i32
    %dma_start3A_84 = arith.constant 0 : i32
    %dma_start3A_85 = tpu.memref_slice %arg6[%dma_start3A_82, %dma_start3A_83, %dma_start3A_84] : memref<2x400x128xf32, #tpu.memory_space<vmem>> -> memref<1x80x128xf32, #tpu.memory_space<vmem>>
    %dma_start3A_86 = tpu.memref_squeeze %dma_start3A_85 : memref<1x80x128xf32, #tpu.memory_space<vmem>> -> memref<80x128xf32, #tpu.memory_space<vmem>>
    %dma_start3A_87 = arith.constant 0 : i32
    %dma_start3A_88 = tpu.memref_slice %arg5[%dma_start3A_80, %dma_start3A_81, %dma_start3A_87] : memref<2x5x80xi32, #tpu.memory_space<vmem>> -> memref<1x1x80xi32, #tpu.memory_space<vmem>>
    %dma_start3A_89 = tpu.memref_squeeze %dma_start3A_88 : memref<1x1x80xi32, #tpu.memory_space<vmem>> -> memref<80xi32, #tpu.memory_space<vmem>>
    %dma_start3A_90 = arith.constant 0 : i32
    %dma_start3A_91 = arith.constant 0 : i32
    %dma_start3A_92 = tpu.memref_slice %arg2[%dma_start3A_90, %dma_start3A_91] : memref<10000x128xf32, #tpu.memory_space<hbm>> -> memref<10000x128xf32, #tpu.memory_space<hbm>>
    tpu.enqueue_indirect_dma source(%dma_start3A_92 : memref<10000x128xf32, #tpu.memory_space<hbm>>) target(%dma_start3A_86 : memref<80x128xf32, #tpu.memory_space<vmem>>) offsets(%dma_start3A_89 : memref<80xi32, #tpu.memory_space<vmem>>) semaphore(%arg9 : memref<!tpu.dma_semaphore, #tpu.memory_space<semaphore_mem>>)
    %dma_start3A_93 = arith.constant 0 : i32
    %dma_start3A_94 = arith.constant 1 : i32
    %dma_start3A_95 = arith.constant 0 : i32
    %dma_start3A_96 = arith.constant 80 : i32
    %dma_start3A_97 = arith.constant 0 : i32
    %dma_start3A_98 = tpu.memref_slice %arg6[%dma_start3A_95, %dma_start3A_96, %dma_start3A_97] : memref<2x400x128xf32, #tpu.memory_space<vmem>> -> memref<1x80x128xf32, #tpu.memory_space<vmem>>
    %dma_start3A_99 = tpu.memref_squeeze %dma_start3A_98 : memref<1x80x128xf32, #tpu.memory_space<vmem>> -> memref<80x128xf32, #tpu.memory_space<vmem>>
    %dma_start3A_100 = arith.constant 0 : i32
    %dma_start3A_101 = tpu.memref_slice %arg5[%dma_start3A_93, %dma_start3A_94, %dma_start3A_100] : memref<2x5x80xi32, #tpu.memory_space<vmem>> -> memref<1x1x80xi32, #tpu.memory_space<vmem>>
    %dma_start3A_102 = tpu.memref_squeeze %dma_start3A_101 : memref<1x1x80xi32, #tpu.memory_space<vmem>> -> memref<80xi32, #tpu.memory_space<vmem>>
    %dma_start3A_103 = arith.constant 0 : i32
    %dma_start3A_104 = arith.constant 0 : i32
    %dma_start3A_105 = tpu.memref_slice %arg2[%dma_start3A_103, %dma_start3A_104] : memref<10000x128xf32, #tpu.memory_space<hbm>> -> memref<10000x128xf32, #tpu.memory_space<hbm>>
    tpu.enqueue_indirect_dma source(%dma_start3A_105 : memref<10000x128xf32, #tpu.memory_space<hbm>>) target(%dma_start3A_99 : memref<80x128xf32, #tpu.memory_space<vmem>>) offsets(%dma_start3A_102 : memref<80xi32, #tpu.memory_space<vmem>>) semaphore(%arg9 : memref<!tpu.dma_semaphore, #tpu.memory_space<semaphore_mem>>)
    %dma_start3A_106 = arith.constant 0 : i32
    %dma_start3A_107 = arith.constant 2 : i32
    %dma_start3A_108 = arith.constant 0 : i32
    %dma_start3A_109 = arith.constant 160 : i32
    %dma_start3A_110 = arith.constant 0 : i32
    %dma_start3A_111 = tpu.memref_slice %arg6[%dma_start3A_108, %dma_start3A_109, %dma_start3A_110] : memref<2x400x128xf32, #tpu.memory_space<vmem>> -> memref<1x80x128xf32, #tpu.memory_space<vmem>>
    %dma_start3A_112 = tpu.memref_squeeze %dma_start3A_111 : memref<1x80x128xf32, #tpu.memory_space<vmem>> -> memref<80x128xf32, #tpu.memory_space<vmem>>
    %dma_start3A_113 = arith.constant 0 : i32
    %dma_start3A_114 = tpu.memref_slice %arg5[%dma_start3A_106, %dma_start3A_107, %dma_start3A_113] : memref<2x5x80xi32, #tpu.memory_space<vmem>> -> memref<1x1x80xi32, #tpu.memory_space<vmem>>
    %dma_start3A_115 = tpu.memref_squeeze %dma_start3A_114 : memref<1x1x80xi32, #tpu.memory_space<vmem>> -> memref<80xi32, #tpu.memory_space<vmem>>
    %dma_start3A_116 = arith.constant 0 : i32
    %dma_start3A_117 = arith.constant 0 : i32
    %dma_start3A_118 = tpu.memref_slice %arg2[%dma_start3A_116, %dma_start3A_117] : memref<10000x128xf32, #tpu.memory_space<hbm>> -> memref<10000x128xf32, #tpu.memory_space<hbm>>
    tpu.enqueue_indirect_dma source(%dma_start3A_118 : memref<10000x128xf32, #tpu.memory_space<hbm>>) target(%dma_start3A_112 : memref<80x128xf32, #tpu.memory_space<vmem>>) offsets(%dma_start3A_115 : memref<80xi32, #tpu.memory_space<vmem>>) semaphore(%arg9 : memref<!tpu.dma_semaphore, #tpu.memory_space<semaphore_mem>>)
    %dma_start3A_119 = arith.constant 0 : i32
    %dma_start3A_120 = arith.constant 3 : i32
    %dma_start3A_121 = arith.constant 0 : i32
    %dma_start3A_122 = arith.constant 240 : i32
    %dma_start3A_123 = arith.constant 0 : i32
    %dma_start3A_124 = tpu.memref_slice %arg6[%dma_start3A_121, %dma_start3A_122, %dma_start3A_123] : memref<2x400x128xf32, #tpu.memory_space<vmem>> -> memref<1x80x128xf32, #tpu.memory_space<vmem>>
    %dma_start3A_125 = tpu.memref_squeeze %dma_start3A_124 : memref<1x80x128xf32, #tpu.memory_space<vmem>> -> memref<80x128xf32, #tpu.memory_space<vmem>>
    %dma_start3A_126 = arith.constant 0 : i32
    %dma_start3A_127 = tpu.memref_slice %arg5[%dma_start3A_119, %dma_start3A_120, %dma_start3A_126] : memref<2x5x80xi32, #tpu.memory_space<vmem>> -> memref<1x1x80xi32, #tpu.memory_space<vmem>>
    %dma_start3A_128 = tpu.memref_squeeze %dma_start3A_127 : memref<1x1x80xi32, #tpu.memory_space<vmem>> -> memref<80xi32, #tpu.memory_space<vmem>>
    %dma_start3A_129 = arith.constant 0 : i32
    %dma_start3A_130 = arith.constant 0 : i32
    %dma_start3A_131 = tpu.memref_slice %arg2[%dma_start3A_129, %dma_start3A_130] : memref<10000x128xf32, #tpu.memory_space<hbm>> -> memref<10000x128xf32, #tpu.memory_space<hbm>>
    tpu.enqueue_indirect_dma source(%dma_start3A_131 : memref<10000x128xf32, #tpu.memory_space<hbm>>) target(%dma_start3A_125 : memref<80x128xf32, #tpu.memory_space<vmem>>) offsets(%dma_start3A_128 : memref<80xi32, #tpu.memory_space<vmem>>) semaphore(%arg9 : memref<!tpu.dma_semaphore, #tpu.memory_space<semaphore_mem>>)
    %dma_start3A_132 = arith.constant 0 : i32
    %dma_start3A_133 = arith.constant 4 : i32
    %dma_start3A_134 = arith.constant 0 : i32
    %dma_start3A_135 = arith.constant 320 : i32
    %dma_start3A_136 = arith.constant 0 : i32
    %dma_start3A_137 = tpu.memref_slice %arg6[%dma_start3A_134, %dma_start3A_135, %dma_start3A_136] : memref<2x400x128xf32, #tpu.memory_space<vmem>> -> memref<1x80x128xf32, #tpu.memory_space<vmem>>
    %dma_start3A_138 = tpu.memref_squeeze %dma_start3A_137 : memref<1x80x128xf32, #tpu.memory_space<vmem>> -> memref<80x128xf32, #tpu.memory_space<vmem>>
    %dma_start3A_139 = arith.constant 0 : i32
    %dma_start3A_140 = tpu.memref_slice %arg5[%dma_start3A_132, %dma_start3A_133, %dma_start3A_139] : memref<2x5x80xi32, #tpu.memory_space<vmem>> -> memref<1x1x80xi32, #tpu.memory_space<vmem>>
    %dma_start3A_141 = tpu.memref_squeeze %dma_start3A_140 : memref<1x1x80xi32, #tpu.memory_space<vmem>> -> memref<80xi32, #tpu.memory_space<vmem>>
    %dma_start3A_142 = arith.constant 0 : i32
    %dma_start3A_143 = arith.constant 0 : i32
    %dma_start3A_144 = tpu.memref_slice %arg2[%dma_start3A_142, %dma_start3A_143] : memref<10000x128xf32, #tpu.memory_space<hbm>> -> memref<10000x128xf32, #tpu.memory_space<hbm>>
    tpu.enqueue_indirect_dma source(%dma_start3A_144 : memref<10000x128xf32, #tpu.memory_space<hbm>>) target(%dma_start3A_138 : memref<80x128xf32, #tpu.memory_space<vmem>>) offsets(%dma_start3A_141 : memref<80xi32, #tpu.memory_space<vmem>>) semaphore(%arg9 : memref<!tpu.dma_semaphore, #tpu.memory_space<semaphore_mem>>)
    %dma_wait3A_145 = arith.constant 0 : i32
    %dma_wait3A_146 = arith.constant 0 : i32
    %dma_wait3A_147 = arith.constant 0 : i32
    %dma_wait3A_148 = arith.constant 0 : i32
    %dma_wait3A_149 = arith.constant 0 : i32
    %dma_wait3A_150 = tpu.memref_slice %arg6[%dma_wait3A_147, %dma_wait3A_148, %dma_wait3A_149] : memref<2x400x128xf32, #tpu.memory_space<vmem>> -> memref<1x80x128xf32, #tpu.memory_space<vmem>>
    %dma_wait3A_151 = tpu.memref_squeeze %dma_wait3A_150 : memref<1x80x128xf32, #tpu.memory_space<vmem>> -> memref<80x128xf32, #tpu.memory_space<vmem>>
    %dma_wait3A_152 = arith.constant 0 : i32
    %dma_wait3A_153 = tpu.memref_slice %arg5[%dma_wait3A_145, %dma_wait3A_146, %dma_wait3A_152] : memref<2x5x80xi32, #tpu.memory_space<vmem>> -> memref<1x1x80xi32, #tpu.memory_space<vmem>>
    %dma_wait3A_154 = tpu.memref_squeeze %dma_wait3A_153 : memref<1x1x80xi32, #tpu.memory_space<vmem>> -> memref<80xi32, #tpu.memory_space<vmem>>
    %dma_wait3A_155 = arith.constant 0 : i32
    %dma_wait3A_156 = arith.constant 0 : i32
    %dma_wait3A_157 = tpu.memref_slice %arg2[%dma_wait3A_155, %dma_wait3A_156] : memref<10000x128xf32, #tpu.memory_space<hbm>> -> memref<10000x128xf32, #tpu.memory_space<hbm>>
    tpu.wait_indirect_dma semaphore(%arg9 : memref<!tpu.dma_semaphore, #tpu.memory_space<semaphore_mem>>) src(%dma_wait3A_157 : memref<10000x128xf32, #tpu.memory_space<hbm>>) dst(%dma_wait3A_151 : memref<80x128xf32, #tpu.memory_space<vmem>>)
    %dma_wait3A_158 = arith.constant 0 : i32
    %dma_wait3A_159 = arith.constant 1 : i32
    %dma_wait3A_160 = arith.constant 0 : i32
    %dma_wait3A_161 = arith.constant 80 : i32
    %dma_wait3A_162 = arith.constant 0 : i32
    %dma_wait3A_163 = tpu.memref_slice %arg6[%dma_wait3A_160, %dma_wait3A_161, %dma_wait3A_162] : memref<2x400x128xf32, #tpu.memory_space<vmem>> -> memref<1x80x128xf32, #tpu.memory_space<vmem>>
    %dma_wait3A_164 = tpu.memref_squeeze %dma_wait3A_163 : memref<1x80x128xf32, #tpu.memory_space<vmem>> -> memref<80x128xf32, #tpu.memory_space<vmem>>
    %dma_wait3A_165 = arith.constant 0 : i32
    %dma_wait3A_166 = tpu.memref_slice %arg5[%dma_wait3A_158, %dma_wait3A_159, %dma_wait3A_165] : memref<2x5x80xi32, #tpu.memory_space<vmem>> -> memref<1x1x80xi32, #tpu.memory_space<vmem>>
    %dma_wait3A_167 = tpu.memref_squeeze %dma_wait3A_166 : memref<1x1x80xi32, #tpu.memory_space<vmem>> -> memref<80xi32, #tpu.memory_space<vmem>>
    %dma_wait3A_168 = arith.constant 0 : i32
    %dma_wait3A_169 = arith.constant 0 : i32
    %dma_wait3A_170 = tpu.memref_slice %arg2[%dma_wait3A_168, %dma_wait3A_169] : memref<10000x128xf32, #tpu.memory_space<hbm>> -> memref<10000x128xf32, #tpu.memory_space<hbm>>
    tpu.wait_indirect_dma semaphore(%arg9 : memref<!tpu.dma_semaphore, #tpu.memory_space<semaphore_mem>>) src(%dma_wait3A_170 : memref<10000x128xf32, #tpu.memory_space<hbm>>) dst(%dma_wait3A_164 : memref<80x128xf32, #tpu.memory_space<vmem>>)
    %dma_wait3A_171 = arith.constant 0 : i32
    %dma_wait3A_172 = arith.constant 2 : i32
    %dma_wait3A_173 = arith.constant 0 : i32
    %dma_wait3A_174 = arith.constant 160 : i32
    %dma_wait3A_175 = arith.constant 0 : i32
    %dma_wait3A_176 = tpu.memref_slice %arg6[%dma_wait3A_173, %dma_wait3A_174, %dma_wait3A_175] : memref<2x400x128xf32, #tpu.memory_space<vmem>> -> memref<1x80x128xf32, #tpu.memory_space<vmem>>
    %dma_wait3A_177 = tpu.memref_squeeze %dma_wait3A_176 : memref<1x80x128xf32, #tpu.memory_space<vmem>> -> memref<80x128xf32, #tpu.memory_space<vmem>>
    %dma_wait3A_178 = arith.constant 0 : i32
    %dma_wait3A_179 = tpu.memref_slice %arg5[%dma_wait3A_171, %dma_wait3A_172, %dma_wait3A_178] : memref<2x5x80xi32, #tpu.memory_space<vmem>> -> memref<1x1x80xi32, #tpu.memory_space<vmem>>
    %dma_wait3A_180 = tpu.memref_squeeze %dma_wait3A_179 : memref<1x1x80xi32, #tpu.memory_space<vmem>> -> memref<80xi32, #tpu.memory_space<vmem>>
    %dma_wait3A_181 = arith.constant 0 : i32
    %dma_wait3A_182 = arith.constant 0 : i32
    %dma_wait3A_183 = tpu.memref_slice %arg2[%dma_wait3A_181, %dma_wait3A_182] : memref<10000x128xf32, #tpu.memory_space<hbm>> -> memref<10000x128xf32, #tpu.memory_space<hbm>>
    tpu.wait_indirect_dma semaphore(%arg9 : memref<!tpu.dma_semaphore, #tpu.memory_space<semaphore_mem>>) src(%dma_wait3A_183 : memref<10000x128xf32, #tpu.memory_space<hbm>>) dst(%dma_wait3A_177 : memref<80x128xf32, #tpu.memory_space<vmem>>)
    %dma_wait3A_184 = arith.constant 0 : i32
    %dma_wait3A_185 = arith.constant 3 : i32
    %dma_wait3A_186 = arith.constant 0 : i32
    %dma_wait3A_187 = arith.constant 240 : i32
    %dma_wait3A_188 = arith.constant 0 : i32
    %dma_wait3A_189 = tpu.memref_slice %arg6[%dma_wait3A_186, %dma_wait3A_187, %dma_wait3A_188] : memref<2x400x128xf32, #tpu.memory_space<vmem>> -> memref<1x80x128xf32, #tpu.memory_space<vmem>>
    %dma_wait3A_190 = tpu.memref_squeeze %dma_wait3A_189 : memref<1x80x128xf32, #tpu.memory_space<vmem>> -> memref<80x128xf32, #tpu.memory_space<vmem>>
    %dma_wait3A_191 = arith.constant 0 : i32
    %dma_wait3A_192 = tpu.memref_slice %arg5[%dma_wait3A_184, %dma_wait3A_185, %dma_wait3A_191] : memref<2x5x80xi32, #tpu.memory_space<vmem>> -> memref<1x1x80xi32, #tpu.memory_space<vmem>>
    %dma_wait3A_193 = tpu.memref_squeeze %dma_wait3A_192 : memref<1x1x80xi32, #tpu.memory_space<vmem>> -> memref<80xi32, #tpu.memory_space<vmem>>
    %dma_wait3A_194 = arith.constant 0 : i32
    %dma_wait3A_195 = arith.constant 0 : i32
    %dma_wait3A_196 = tpu.memref_slice %arg2[%dma_wait3A_194, %dma_wait3A_195] : memref<10000x128xf32, #tpu.memory_space<hbm>> -> memref<10000x128xf32, #tpu.memory_space<hbm>>
    tpu.wait_indirect_dma semaphore(%arg9 : memref<!tpu.dma_semaphore, #tpu.memory_space<semaphore_mem>>) src(%dma_wait3A_196 : memref<10000x128xf32, #tpu.memory_space<hbm>>) dst(%dma_wait3A_190 : memref<80x128xf32, #tpu.memory_space<vmem>>)
    %dma_wait3A_197 = arith.constant 0 : i32
    %dma_wait3A_198 = arith.constant 4 : i32
    %dma_wait3A_199 = arith.constant 0 : i32
    %dma_wait3A_200 = arith.constant 320 : i32
    %dma_wait3A_201 = arith.constant 0 : i32
    %dma_wait3A_202 = tpu.memref_slice %arg6[%dma_wait3A_199, %dma_wait3A_200, %dma_wait3A_201] : memref<2x400x128xf32, #tpu.memory_space<vmem>> -> memref<1x80x128xf32, #tpu.memory_space<vmem>>
    %dma_wait3A_203 = tpu.memref_squeeze %dma_wait3A_202 : memref<1x80x128xf32, #tpu.memory_space<vmem>> -> memref<80x128xf32, #tpu.memory_space<vmem>>
    %dma_wait3A_204 = arith.constant 0 : i32
    %dma_wait3A_205 = tpu.memref_slice %arg5[%dma_wait3A_197, %dma_wait3A_198, %dma_wait3A_204] : memref<2x5x80xi32, #tpu.memory_space<vmem>> -> memref<1x1x80xi32, #tpu.memory_space<vmem>>
    %dma_wait3A_206 = tpu.memref_squeeze %dma_wait3A_205 : memref<1x1x80xi32, #tpu.memory_space<vmem>> -> memref<80xi32, #tpu.memory_space<vmem>>
    %dma_wait3A_207 = arith.constant 0 : i32
    %dma_wait3A_208 = arith.constant 0 : i32
    %dma_wait3A_209 = tpu.memref_slice %arg2[%dma_wait3A_207, %dma_wait3A_208] : memref<10000x128xf32, #tpu.memory_space<hbm>> -> memref<10000x128xf32, #tpu.memory_space<hbm>>
    tpu.wait_indirect_dma semaphore(%arg9 : memref<!tpu.dma_semaphore, #tpu.memory_space<semaphore_mem>>) src(%dma_wait3A_209 : memref<10000x128xf32, #tpu.memory_space<hbm>>) dst(%dma_wait3A_203 : memref<80x128xf32, #tpu.memory_space<vmem>>)
    %add3A_210 = arith.constant 24 : i32
    %add3A_211 = arith.addi %mul3A_2, %add3A_210 : i32
    %mul3A_212 = arith.constant 400 : i32
    %mul3A_213 = arith.muli %add3A_211, %mul3A_212 : i32
    %dma_start3A_214 = arith.constant 0 : i32
    %dma_start3A_215 = arith.constant 0 : i32
    %dma_start3A_216 = arith.constant 0 : i32
    %dma_start3A_217 = tpu.memref_slice %arg6[%dma_start3A_214, %dma_start3A_215, %dma_start3A_216] : memref<2x400x128xf32, #tpu.memory_space<vmem>> -> memref<1x400x128xf32, #tpu.memory_space<vmem>>
    %dma_start3A_218 = tpu.memref_squeeze %dma_start3A_217 : memref<1x400x128xf32, #tpu.memory_space<vmem>> -> memref<400x128xf32, #tpu.memory_space<vmem>>
    %dma_start3A_219 = arith.constant 0 : i32
    %dma_start3A_220 = tpu.memref_slice %arg4[%mul3A_213, %dma_start3A_219] : memref<320000x128xf32, #tpu.memory_space<hbm>> -> memref<400x128xf32, #tpu.memory_space<hbm>>
    %dma_start3A_221 = arith.constant 0 : i32
    %dma_start3A_222 = tpu.memref_slice %arg4[%mul3A_213, %dma_start3A_221] : memref<320000x128xf32, #tpu.memory_space<hbm>> -> memref<400x128xf32, #tpu.memory_space<hbm>>
    %dma_start3A_223 = arith.constant 0 : i32
    %dma_start3A_224 = arith.constant 0 : i32
    %dma_start3A_225 = tpu.memref_slice %arg6[%dma_start3A_214, %dma_start3A_223, %dma_start3A_224] : memref<2x400x128xf32, #tpu.memory_space<vmem>> -> memref<1x400x128xf32, #tpu.memory_space<vmem>>
    %dma_start3A_226 = tpu.memref_squeeze %dma_start3A_225 : memref<1x400x128xf32, #tpu.memory_space<vmem>> -> memref<400x128xf32, #tpu.memory_space<vmem>>
    tpu.enqueue_dma source(%dma_start3A_226 : memref<400x128xf32, #tpu.memory_space<vmem>>) target(%dma_start3A_222 : memref<400x128xf32, #tpu.memory_space<hbm>>) target_semaphore(%arg10 : memref<!tpu.dma_semaphore, #tpu.memory_space<semaphore_mem>>)
    %add3A_227 = arith.constant 23 : i32
    %add3A_228 = arith.addi %mul3A_2, %add3A_227 : i32
    %mul3A_229 = arith.constant 400 : i32
    %mul3A_230 = arith.muli %add3A_228, %mul3A_229 : i32
    %dma_wait3A_231 = arith.constant 1 : i32
    %dma_wait3A_232 = arith.constant 0 : i32
    %dma_wait3A_233 = arith.constant 0 : i32
    %dma_wait3A_234 = tpu.memref_slice %arg6[%dma_wait3A_231, %dma_wait3A_232, %dma_wait3A_233] : memref<2x400x128xf32, #tpu.memory_space<vmem>> -> memref<1x400x128xf32, #tpu.memory_space<vmem>>
    %dma_wait3A_235 = tpu.memref_squeeze %dma_wait3A_234 : memref<1x400x128xf32, #tpu.memory_space<vmem>> -> memref<400x128xf32, #tpu.memory_space<vmem>>
    %dma_wait3A_236 = arith.constant 0 : i32
    %dma_wait3A_237 = tpu.memref_slice %arg4[%mul3A_230, %dma_wait3A_236] : memref<320000x128xf32, #tpu.memory_space<hbm>> -> memref<400x128xf32, #tpu.memory_space<hbm>>
    %dma_wait3A_238 = arith.constant 0 : i32
    %dma_wait3A_239 = tpu.memref_slice %arg4[%mul3A_230, %dma_wait3A_238] : memref<320000x128xf32, #tpu.memory_space<hbm>> -> memref<400x128xf32, #tpu.memory_space<hbm>>
    %dma_wait3A_240 = arith.constant 0 : i32
    %dma_wait3A_241 = arith.constant 0 : i32
    %dma_wait3A_242 = tpu.memref_slice %arg6[%dma_wait3A_231, %dma_wait3A_240, %dma_wait3A_241] : memref<2x400x128xf32, #tpu.memory_space<vmem>> -> memref<1x400x128xf32, #tpu.memory_space<vmem>>
    %dma_wait3A_243 = tpu.memref_squeeze %dma_wait3A_242 : memref<1x400x128xf32, #tpu.memory_space<vmem>> -> memref<400x128xf32, #tpu.memory_space<vmem>>
    tpu.wait_dma2 semaphore(%arg11 : memref<!tpu.dma_semaphore, #tpu.memory_space<semaphore_mem>>) src(%dma_wait3A_243 : memref<400x128xf32, #tpu.memory_space<vmem>>) dst(%dma_wait3A_239 : memref<400x128xf32, #tpu.memory_space<hbm>>)
    %add3A_244 = arith.constant 24 : i32
    %add3A_245 = arith.addi %mul3A_2, %add3A_244 : i32
    %mul3A_246 = arith.constant 400 : i32
    %mul3A_247 = arith.muli %add3A_245, %mul3A_246 : i32
    %dma_wait3A_248 = arith.constant 0 : i32
    %dma_wait3A_249 = arith.constant 0 : i32
    %dma_wait3A_250 = arith.constant 0 : i32
    %dma_wait3A_251 = tpu.memref_slice %arg6[%dma_wait3A_248, %dma_wait3A_249, %dma_wait3A_250] : memref<2x400x128xf32, #tpu.memory_space<vmem>> -> memref<1x400x128xf32, #tpu.memory_space<vmem>>
    %dma_wait3A_252 = tpu.memref_squeeze %dma_wait3A_251 : memref<1x400x128xf32, #tpu.memory_space<vmem>> -> memref<400x128xf32, #tpu.memory_space<vmem>>
    %dma_wait3A_253 = arith.constant 0 : i32
    %dma_wait3A_254 = tpu.memref_slice %arg4[%mul3A_247, %dma_wait3A_253] : memref<320000x128xf32, #tpu.memory_space<hbm>> -> memref<400x128xf32, #tpu.memory_space<hbm>>
    %dma_wait3A_255 = arith.constant 0 : i32
    %dma_wait3A_256 = tpu.memref_slice %arg4[%mul3A_247, %dma_wait3A_255] : memref<320000x128xf32, #tpu.memory_space<hbm>> -> memref<400x128xf32, #tpu.memory_space<hbm>>
    %dma_wait3A_257 = arith.constant 0 : i32
    %dma_wait3A_258 = arith.constant 0 : i32
    %dma_wait3A_259 = tpu.memref_slice %arg6[%dma_wait3A_248, %dma_wait3A_257, %dma_wait3A_258] : memref<2x400x128xf32, #tpu.memory_space<vmem>> -> memref<1x400x128xf32, #tpu.memory_space<vmem>>
    %dma_wait3A_260 = tpu.memref_squeeze %dma_wait3A_259 : memref<1x400x128xf32, #tpu.memory_space<vmem>> -> memref<400x128xf32, #tpu.memory_space<vmem>>
    tpu.wait_dma2 semaphore(%arg10 : memref<!tpu.dma_semaphore, #tpu.memory_space<semaphore_mem>>) src(%dma_wait3A_260 : memref<400x128xf32, #tpu.memory_space<vmem>>) dst(%dma_wait3A_256 : memref<400x128xf32, #tpu.memory_space<hbm>>)
    return
  }
}

module attributes {stable_mosaic.version = 14 : i64} {
  func.func @_node_kernel(%arg0: i32, %arg1: memref<1000x128xf32, #tpu.memory_space<vmem>>, %arg2: memref<1000x1xi32, #tpu.memory_space<vmem>>, %arg3: memref<128x128xf32, #tpu.memory_space<vmem>>, %arg4: memref<5x128x96xf32, #tpu.memory_space<vmem>>, %arg5: memref<1000x128xf32, #tpu.memory_space<vmem>>, %arg6: memref<1000x96xf32, #tpu.memory_space<vmem>>) attributes {dimension_semantics = [#tpu.dimension_semantics<arbitrary>], iteration_bounds = array<i64: 10>, scalar_prefetch = 0 : i64, scratch_operands = 0 : i64, tpu.core_type = #tpu.core_type<tc>, window_params = [{transform_indices = @transform_0, window_bounds = array<i64: 1000, 128>}, {transform_indices = @transform_1, window_bounds = array<i64: 1000, 1>}, {pipeline_mode = #tpu.pipeline_mode<synchronous>, transform_indices = @transform_2, window_bounds = array<i64: 128, 128>}, {pipeline_mode = #tpu.pipeline_mode<synchronous>, transform_indices = @transform_3, window_bounds = array<i64: 5, 128, 96>}, {transform_indices = @transform_4, window_bounds = array<i64: 1000, 128>}, {transform_indices = @transform_5, window_bounds = array<i64: 1000, 96>}]} {
    %get3A = arith.constant 0 : index
    %get3A_0 = arith.constant 0 : index
    %get3A_1 = vector.load %arg1[%get3A, %get3A_0] : memref<1000x128xf32, #tpu.memory_space<vmem>>, vector<1000x128xf32>
    %get3A_2 = arith.constant 0 : index
    %get3A_3 = arith.constant 0 : index
    %get3A_4 = vector.load %arg2[%get3A_2, %get3A_3] : memref<1000x1xi32, #tpu.memory_space<vmem>>, vector<1000x1xi32>
    %get3A_5 = arith.constant 0 : index
    %get3A_6 = arith.constant 0 : index
    %get3A_7 = vector.load %arg3[%get3A_5, %get3A_6] : memref<128x128xf32, #tpu.memory_space<vmem>>, vector<128x128xf32>
    %dot_general3A = arith.constant dense<0.000000e+00> : vector<1000x128xf32>
    %dot_general3A_8 = tpu.matmul %get3A_1, %get3A_7, %dot_general3A {dimension_numbers = #tpu.dot_dimension_numbers<[1], [0], [0], [1], [0, 0, 1, 1], [], []>, transpose_lhs_hint = false} : vector<1000x128xf32>, vector<128x128xf32>, vector<1000x128xf32> -> vector<1000x128xf32>
    %swap3A = arith.constant 0 : index
    %swap3A_9 = arith.constant 0 : index
    %swap3A_10 = vector.load %arg5[%swap3A, %swap3A_9] : memref<1000x128xf32, #tpu.memory_space<vmem>>, vector<1000x128xf32>
    tpu.vector_store %arg5[%swap3A, %swap3A_9], %dot_general3A_8 {strides = array<i32>} : memref<1000x128xf32, #tpu.memory_space<vmem>>, vector<1000x128xf32>,
    %broadcast_in_dim3A = arith.constant 0.000000e+00 : f32
    %broadcast_in_dim3A_11 = vector.broadcast %broadcast_in_dim3A : f32 to vector<1000x96xf32>
    %eq3A = arith.constant 0 : i32
    %eq3A_12 = vector.broadcast %eq3A : i32 to vector<1000x1xi32>
    %eq3A_13 = arith.cmpi eq, %get3A_4, %eq3A_12 : vector<1000x1xi32>
    %convert_element_type3A = arith.extui %eq3A_13 : vector<1000x1xi1> to vector<1000x1xi32>
    %convert_element_type3A_14 = arith.sitofp %convert_element_type3A : vector<1000x1xi32> to vector<1000x1xf32>
    %mul3A = vector.broadcast %convert_element_type3A_14 : vector<1000x1xf32> to vector<1000x128xf32>
    %mul3A_15 = arith.mulf %get3A_1, %mul3A : vector<1000x128xf32>
    %get3A_16 = arith.constant 0 : index
    %get3A_17 = arith.constant 0 : index
    %get3A_18 = arith.constant 0 : index
    %get3A_19 = vector.load %arg4[%get3A_16, %get3A_17, %get3A_18] : memref<5x128x96xf32, #tpu.memory_space<vmem>>, vector<1x128x96xf32>
    %get3A_20 = vector.shape_cast %get3A_19 : vector<1x128x96xf32> to vector<128x96xf32>
    %dot_general3A_21 = arith.constant dense<0.000000e+00> : vector<1000x96xf32>
    %dot_general3A_22 = tpu.matmul %mul3A_15, %get3A_20, %dot_general3A_21 {dimension_numbers = #tpu.dot_dimension_numbers<[1], [0], [0], [1], [0, 0, 1, 1], [], []>, transpose_lhs_hint = false} : vector<1000x128xf32>, vector<128x96xf32>, vector<1000x96xf32> -> vector<1000x96xf32>
    %add3A = arith.addf %broadcast_in_dim3A_11, %dot_general3A_22 : vector<1000x96xf32>
    %eq3A_23 = arith.constant 1 : i32
    %eq3A_24 = vector.broadcast %eq3A_23 : i32 to vector<1000x1xi32>
    %eq3A_25 = arith.cmpi eq, %get3A_4, %eq3A_24 : vector<1000x1xi32>
    %convert_element_type3A_26 = arith.extui %eq3A_25 : vector<1000x1xi1> to vector<1000x1xi32>
    %convert_element_type3A_27 = arith.sitofp %convert_element_type3A_26 : vector<1000x1xi32> to vector<1000x1xf32>
    %mul3A_28 = vector.broadcast %convert_element_type3A_27 : vector<1000x1xf32> to vector<1000x128xf32>
    %mul3A_29 = arith.mulf %get3A_1, %mul3A_28 : vector<1000x128xf32>
    %get3A_30 = arith.constant 1 : index
    %get3A_31 = arith.constant 0 : index
    %get3A_32 = arith.constant 0 : index
    %get3A_33 = vector.load %arg4[%get3A_30, %get3A_31, %get3A_32] : memref<5x128x96xf32, #tpu.memory_space<vmem>>, vector<1x128x96xf32>
    %get3A_34 = vector.shape_cast %get3A_33 : vector<1x128x96xf32> to vector<128x96xf32>
    %dot_general3A_35 = arith.constant dense<0.000000e+00> : vector<1000x96xf32>
    %dot_general3A_36 = tpu.matmul %mul3A_29, %get3A_34, %dot_general3A_35 {dimension_numbers = #tpu.dot_dimension_numbers<[1], [0], [0], [1], [0, 0, 1, 1], [], []>, transpose_lhs_hint = false} : vector<1000x128xf32>, vector<128x96xf32>, vector<1000x96xf32> -> vector<1000x96xf32>
    %add3A_37 = arith.addf %add3A, %dot_general3A_36 : vector<1000x96xf32>
    %eq3A_38 = arith.constant 2 : i32
    %eq3A_39 = vector.broadcast %eq3A_38 : i32 to vector<1000x1xi32>
    %eq3A_40 = arith.cmpi eq, %get3A_4, %eq3A_39 : vector<1000x1xi32>
    %convert_element_type3A_41 = arith.extui %eq3A_40 : vector<1000x1xi1> to vector<1000x1xi32>
    %convert_element_type3A_42 = arith.sitofp %convert_element_type3A_41 : vector<1000x1xi32> to vector<1000x1xf32>
    %mul3A_43 = vector.broadcast %convert_element_type3A_42 : vector<1000x1xf32> to vector<1000x128xf32>
    %mul3A_44 = arith.mulf %get3A_1, %mul3A_43 : vector<1000x128xf32>
    %get3A_45 = arith.constant 2 : index
    %get3A_46 = arith.constant 0 : index
    %get3A_47 = arith.constant 0 : index
    %get3A_48 = vector.load %arg4[%get3A_45, %get3A_46, %get3A_47] : memref<5x128x96xf32, #tpu.memory_space<vmem>>, vector<1x128x96xf32>
    %get3A_49 = vector.shape_cast %get3A_48 : vector<1x128x96xf32> to vector<128x96xf32>
    %dot_general3A_50 = arith.constant dense<0.000000e+00> : vector<1000x96xf32>
    %dot_general3A_51 = tpu.matmul %mul3A_44, %get3A_49, %dot_general3A_50 {dimension_numbers = #tpu.dot_dimension_numbers<[1], [0], [0], [1], [0, 0, 1, 1], [], []>, transpose_lhs_hint = false} : vector<1000x128xf32>, vector<128x96xf32>, vector<1000x96xf32> -> vector<1000x96xf32>
    %add3A_52 = arith.addf %add3A_37, %dot_general3A_51 : vector<1000x96xf32>
    %eq3A_53 = arith.constant 3 : i32
    %eq3A_54 = vector.broadcast %eq3A_53 : i32 to vector<1000x1xi32>
    %eq3A_55 = arith.cmpi eq, %get3A_4, %eq3A_54 : vector<1000x1xi32>
    %convert_element_type3A_56 = arith.extui %eq3A_55 : vector<1000x1xi1> to vector<1000x1xi32>
    %convert_element_type3A_57 = arith.sitofp %convert_element_type3A_56 : vector<1000x1xi32> to vector<1000x1xf32>
    %mul3A_58 = vector.broadcast %convert_element_type3A_57 : vector<1000x1xf32> to vector<1000x128xf32>
    %mul3A_59 = arith.mulf %get3A_1, %mul3A_58 : vector<1000x128xf32>
    %get3A_60 = arith.constant 3 : index
    %get3A_61 = arith.constant 0 : index
    %get3A_62 = arith.constant 0 : index
    %get3A_63 = vector.load %arg4[%get3A_60, %get3A_61, %get3A_62] : memref<5x128x96xf32, #tpu.memory_space<vmem>>, vector<1x128x96xf32>
    %get3A_64 = vector.shape_cast %get3A_63 : vector<1x128x96xf32> to vector<128x96xf32>
    %dot_general3A_65 = arith.constant dense<0.000000e+00> : vector<1000x96xf32>
    %dot_general3A_66 = tpu.matmul %mul3A_59, %get3A_64, %dot_general3A_65 {dimension_numbers = #tpu.dot_dimension_numbers<[1], [0], [0], [1], [0, 0, 1, 1], [], []>, transpose_lhs_hint = false} : vector<1000x128xf32>, vector<128x96xf32>, vector<1000x96xf32> -> vector<1000x96xf32>
    %add3A_67 = arith.addf %add3A_52, %dot_general3A_66 : vector<1000x96xf32>
    %eq3A_68 = arith.constant 4 : i32
    %eq3A_69 = vector.broadcast %eq3A_68 : i32 to vector<1000x1xi32>
    %eq3A_70 = arith.cmpi eq, %get3A_4, %eq3A_69 : vector<1000x1xi32>
    %convert_element_type3A_71 = arith.extui %eq3A_70 : vector<1000x1xi1> to vector<1000x1xi32>
    %convert_element_type3A_72 = arith.sitofp %convert_element_type3A_71 : vector<1000x1xi32> to vector<1000x1xf32>
    %mul3A_73 = vector.broadcast %convert_element_type3A_72 : vector<1000x1xf32> to vector<1000x128xf32>
    %mul3A_74 = arith.mulf %get3A_1, %mul3A_73 : vector<1000x128xf32>
    %get3A_75 = arith.constant 4 : index
    %get3A_76 = arith.constant 0 : index
    %get3A_77 = arith.constant 0 : index
    %get3A_78 = vector.load %arg4[%get3A_75, %get3A_76, %get3A_77] : memref<5x128x96xf32, #tpu.memory_space<vmem>>, vector<1x128x96xf32>
    %get3A_79 = vector.shape_cast %get3A_78 : vector<1x128x96xf32> to vector<128x96xf32>
    %dot_general3A_80 = arith.constant dense<0.000000e+00> : vector<1000x96xf32>
    %dot_general3A_81 = tpu.matmul %mul3A_74, %get3A_79, %dot_general3A_80 {dimension_numbers = #tpu.dot_dimension_numbers<[1], [0], [0], [1], [0, 0, 1, 1], [], []>, transpose_lhs_hint = false} : vector<1000x128xf32>, vector<128x96xf32>, vector<1000x96xf32> -> vector<1000x96xf32>
    %add3A_82 = arith.addf %add3A_67, %dot_general3A_81 : vector<1000x96xf32>
    %swap3A_83 = arith.constant 0 : index
    %swap3A_84 = arith.constant 0 : index
    %swap3A_85 = vector.load %arg6[%swap3A_83, %swap3A_84] : memref<1000x96xf32, #tpu.memory_space<vmem>>, vector<1000x96xf32>
    tpu.vector_store %arg6[%swap3A_83, %swap3A_84], %add3A_82 {strides = array<i32>} : memref<1000x96xf32, #tpu.memory_space<vmem>>, vector<1000x96xf32>,
    return
  }
  func.func @transform_0(%arg0: i32) -> (i32, i32) {
    %c0_i32 = arith.constant 0 : i32
    %c0_i32_0 = arith.constant 0 : i32
    return %arg0, %c0_i32 : i32, i32
  }
  func.func @transform_1(%arg0: i32) -> (i32, i32) {
    %c0_i32 = arith.constant 0 : i32
    %c0_i32_0 = arith.constant 0 : i32
    return %arg0, %c0_i32 : i32, i32
  }
  func.func @transform_2(%arg0: i32) -> (i32, i32) {
    %c0_i32 = arith.constant 0 : i32
    %c0_i32_0 = arith.constant 0 : i32
    %c0_i32_1 = arith.constant 0 : i32
    return %c0_i32, %c0_i32_0 : i32, i32
  }
  func.func @transform_3(%arg0: i32) -> (i32, i32, i32) {
    %c0_i32 = arith.constant 0 : i32
    %c0_i32_0 = arith.constant 0 : i32
    %c0_i32_1 = arith.constant 0 : i32
    %c0_i32_2 = arith.constant 0 : i32
    return %c0_i32, %c0_i32_0, %c0_i32_1 : i32, i32, i32
  }
  func.func @transform_4(%arg0: i32) -> (i32, i32) {
    %c0_i32 = arith.constant 0 : i32
    %c0_i32_0 = arith.constant 0 : i32
    return %arg0, %c0_i32 : i32, i32
  }
  func.func @transform_5(%arg0: i32) -> (i32, i32) {
    %c0_i32 = arith.constant 0 : i32
    %c0_i32_0 = arith.constant 0 : i32
    return %arg0, %c0_i32 : i32, i32
  }
}

module attributes {stable_mosaic.version = 14 : i64} {
  func.func @_edge_kernel(%arg0: i32, %arg1: memref<2000x3xf32, #tpu.memory_space<vmem>>, %arg2: memref<2000x128xf32, #tpu.memory_space<vmem>>, %arg3: memref<8x64xf32, #tpu.memory_space<vmem>>, %arg4: memref<64x64xf32, #tpu.memory_space<vmem>>, %arg5: memref<64x384xf32, #tpu.memory_space<vmem>>, %arg6: memref<128x96xf32, #tpu.memory_space<vmem>>, %arg7: memref<256x64xf32, #tpu.memory_space<vmem>>, %arg8: memref<64x256xf32, #tpu.memory_space<vmem>>, %arg9: memref<9x256xf32, #tpu.memory_space<vmem>>, %arg10: memref<1x256xf32, #tpu.memory_space<vmem>>, %arg11: memref<2000x176xf32, #tpu.memory_space<vmem>>, %arg12: memref<2000x176xf32, #tpu.memory_space<vmem>>) attributes {dimension_semantics = [#tpu.dimension_semantics<arbitrary>], iteration_bounds = array<i64: 160>, scalar_prefetch = 0 : i64, scratch_operands = 0 : i64, tpu.core_type = #tpu.core_type<tc>, window_params = [{transform_indices = @transform_0, window_bounds = array<i64: 2000, 3>}, {transform_indices = @transform_1, window_bounds = array<i64: 2000, 128>}, {pipeline_mode = #tpu.pipeline_mode<synchronous>, transform_indices = @transform_2, window_bounds = array<i64: 8, 64>}, {pipeline_mode = #tpu.pipeline_mode<synchronous>, transform_indices = @transform_3, window_bounds = array<i64: 64, 64>}, {pipeline_mode = #tpu.pipeline_mode<synchronous>, transform_indices = @transform_4, window_bounds = array<i64: 64, 384>}, {pipeline_mode = #tpu.pipeline_mode<synchronous>, transform_indices = @transform_5, window_bounds = array<i64: 128, 96>}, {pipeline_mode = #tpu.pipeline_mode<synchronous>, transform_indices = @transform_6, window_bounds = array<i64: 256, 64>}, {pipeline_mode = #tpu.pipeline_mode<synchronous>, transform_indices = @transform_7, window_bounds = array<i64: 64, 256>}, {pipeline_mode = #tpu.pipeline_mode<synchronous>, transform_indices = @transform_8, window_bounds = array<i64: 9, 256>}, {pipeline_mode = #tpu.pipeline_mode<synchronous>, transform_indices = @transform_9, window_bounds = array<i64: 1, 256>}, {transform_indices = @transform_10, window_bounds = array<i64: 2000, 176>}, {transform_indices = @transform_11, window_bounds = array<i64: 2000, 176>}]} {
    %get3A = arith.constant 0 : index
    %get3A_0 = arith.constant 0 : index
    %get3A_1 = vector.load %arg1[%get3A, %get3A_0] : memref<2000x3xf32, #tpu.memory_space<vmem>>, vector<2000x3xf32>
    %slice3A = vector.extract_strided_slice %get3A_1 {offsets = [0, 0], sizes = [2000, 1], strides = [1, 1]} : vector<2000x3xf32> to vector<2000x1xf32>
    %slice3A_2 = vector.extract_strided_slice %get3A_1 {offsets = [0, 1], sizes = [2000, 1], strides = [1, 1]} : vector<2000x3xf32> to vector<2000x1xf32>
    %slice3A_3 = vector.extract_strided_slice %get3A_1 {offsets = [0, 2], sizes = [2000, 1], strides = [1, 1]} : vector<2000x3xf32> to vector<2000x1xf32>
    %mul3A = arith.mulf %slice3A, %slice3A : vector<2000x1xf32>
    %mul3A_4 = arith.mulf %slice3A_2, %slice3A_2 : vector<2000x1xf32>
    %add3A = arith.addf %mul3A, %mul3A_4 : vector<2000x1xf32>
    %mul3A_5 = arith.mulf %slice3A_3, %slice3A_3 : vector<2000x1xf32>
    %add3A_6 = arith.addf %add3A, %mul3A_5 : vector<2000x1xf32>
    %eq3A = arith.constant 0.000000e+00 : f32
    %eq3A_7 = vector.broadcast %eq3A : f32 to vector<2000x1xf32>
    %eq3A_8 = arith.cmpf oeq, %add3A_6, %eq3A_7 : vector<2000x1xf32>
    %rsqrt3A = math.rsqrt %add3A_6 : vector<2000x1xf32>
    %jit3A = arith.constant 1.000000e+00 : f32
    %broadcast_in_dim3A = vector.broadcast %jit3A : f32 to vector<2000x1xf32>
    %select_n3A = arith.select %eq3A_8, %broadcast_in_dim3A, %rsqrt3A : vector<2000x1xi1>, vector<2000x1xf32>
    %mul3A_9 = arith.mulf %add3A_6, %select_n3A : vector<2000x1xf32>
    %mul3A_10 = vector.broadcast %select_n3A : vector<2000x1xf32> to vector<2000x3xf32>
    %mul3A_11 = arith.mulf %get3A_1, %mul3A_10 : vector<2000x3xf32>
    %slice3A_12 = vector.extract_strided_slice %mul3A_11 {offsets = [0, 1], sizes = [2000, 2], strides = [1, 1]} : vector<2000x3xf32> to vector<2000x2xf32>
    %slice3A_13 = vector.extract_strided_slice %mul3A_11 {offsets = [0, 0], sizes = [2000, 1], strides = [1, 1]} : vector<2000x3xf32> to vector<2000x1xf32>
    %concatenate3A = tpu.concatenate %slice3A_12, %slice3A_13 in 1 : vector<2000x2xf32>, vector<2000x1xf32> -> vector<2000x3xf32>
    %mul3A_14 = arith.mulf %mul3A_11, %mul3A_11 : vector<2000x3xf32>
    %mul3A_15 = arith.mulf %mul3A_11, %concatenate3A : vector<2000x3xf32>
    %concatenate3A_16 = tpu.concatenate %mul3A_11, %mul3A_14, %mul3A_15 in 1 : vector<2000x3xf32>, vector<2000x3xf32>, vector<2000x3xf32> -> vector<2000x9xf32>
    %get3A_17 = arith.constant 0 : index
    %get3A_18 = arith.constant 0 : index
    %get3A_19 = vector.load %arg9[%get3A_17, %get3A_18] : memref<9x256xf32, #tpu.memory_space<vmem>>, vector<9x256xf32>
    %dot_general3A = arith.constant dense<0.000000e+00> : vector<2000x256xf32>
    %dot_general3A_20 = tpu.matmul %concatenate3A_16, %get3A_19, %dot_general3A {dimension_numbers = #tpu.dot_dimension_numbers<[1], [0], [0], [1], [0, 0, 1, 1], [], []>, transpose_lhs_hint = false} : vector<2000x9xf32>, vector<9x256xf32>, vector<2000x256xf32> -> vector<2000x256xf32>
    %get3A_21 = arith.constant 0 : index
    %get3A_22 = arith.constant 0 : index
    %get3A_23 = vector.load %arg10[%get3A_21, %get3A_22] : memref<1x256xf32, #tpu.memory_space<vmem>>, vector<1x256xf32>
    %add3A_24 = vector.broadcast %get3A_23 : vector<1x256xf32> to vector<2000x256xf32>
    %add3A_25 = arith.addf %dot_general3A_20, %add3A_24 : vector<2000x256xf32>
    %iota3A = tpu.iota {dimensions = array<i32: 1>} : vector<2000x8xi32>
    %convert_element_type3A = arith.sitofp %iota3A : vector<2000x8xi32> to vector<2000x8xf32>
    %add3A_26 = arith.constant 1.000000e+00 : f32
    %add3A_27 = vector.broadcast %add3A_26 : f32 to vector<2000x8xf32>
    %add3A_28 = arith.addf %convert_element_type3A, %add3A_27 : vector<2000x8xf32>
    %mul3A_29 = vector.broadcast %mul3A_9 : vector<2000x1xf32> to vector<2000x8xf32>
    %mul3A_30 = arith.mulf %add3A_28, %mul3A_29 : vector<2000x8xf32>
    %add3A_31 = arith.constant 5.000000e-01 : f32
    %add3A_32 = vector.broadcast %add3A_31 : f32 to vector<2000x8xf32>
    %add3A_33 = arith.addf %mul3A_30, %add3A_32 : vector<2000x8xf32>
    %convert_element_type3A_34 = arith.fptosi %add3A_33 : vector<2000x8xf32> to vector<2000x8xi32>
    %convert_element_type3A_35 = arith.sitofp %convert_element_type3A_34 : vector<2000x8xi32> to vector<2000x8xf32>
    %sub3A = arith.subf %mul3A_30, %convert_element_type3A_35 : vector<2000x8xf32>
    %mul3A_36 = arith.constant 3.14159274 : f32
    %mul3A_37 = vector.broadcast %mul3A_36 : f32 to vector<2000x8xf32>
    %mul3A_38 = arith.mulf %sub3A, %mul3A_37 : vector<2000x8xf32>
    %mul3A_39 = arith.mulf %mul3A_38, %mul3A_38 : vector<2000x8xf32>
    %mul3A_40 = arith.constant 2.75573188E-6 : f32
    %mul3A_41 = vector.broadcast %mul3A_40 : f32 to vector<2000x8xf32>
    %mul3A_42 = arith.mulf %mul3A_39, %mul3A_41 : vector<2000x8xf32>
    %add3A_43 = arith.constant -1.98412701E-4 : f32
    %add3A_44 = vector.broadcast %add3A_43 : f32 to vector<2000x8xf32>
    %add3A_45 = arith.addf %add3A_44, %mul3A_42 : vector<2000x8xf32>
    %mul3A_46 = arith.mulf %mul3A_39, %add3A_45 : vector<2000x8xf32>
    %add3A_47 = arith.constant 0.00833333284 : f32
    %add3A_48 = vector.broadcast %add3A_47 : f32 to vector<2000x8xf32>
    %add3A_49 = arith.addf %add3A_48, %mul3A_46 : vector<2000x8xf32>
    %mul3A_50 = arith.mulf %mul3A_39, %add3A_49 : vector<2000x8xf32>
    %add3A_51 = arith.constant -0.166666672 : f32
    %add3A_52 = vector.broadcast %add3A_51 : f32 to vector<2000x8xf32>
    %add3A_53 = arith.addf %add3A_52, %mul3A_50 : vector<2000x8xf32>
    %mul3A_54 = arith.mulf %mul3A_39, %add3A_53 : vector<2000x8xf32>
    %add3A_55 = arith.constant 1.000000e+00 : f32
    %add3A_56 = vector.broadcast %add3A_55 : f32 to vector<2000x8xf32>
    %add3A_57 = arith.addf %add3A_56, %mul3A_54 : vector<2000x8xf32>
    %mul3A_58 = arith.mulf %mul3A_38, %add3A_57 : vector<2000x8xf32>
    %and3A = arith.constant 1 : i32
    %and3A_59 = vector.broadcast %and3A : i32 to vector<2000x8xi32>
    %and3A_60 = arith.andi %convert_element_type3A_34, %and3A_59 : vector<2000x8xi32>
    %eq3A_61 = arith.constant 0 : i32
    %eq3A_62 = vector.broadcast %eq3A_61 : i32 to vector<2000x8xi32>
    %eq3A_63 = arith.cmpi eq, %and3A_60, %eq3A_62 : vector<2000x8xi32>
    %jit3A_64 = arith.constant 1.000000e+00 : f32
    %jit3A_65 = arith.constant -1.000000e+00 : f32
    %broadcast_in_dim3A_66 = vector.broadcast %jit3A_64 : f32 to vector<2000x8xf32>
    %broadcast_in_dim3A_67 = vector.broadcast %jit3A_65 : f32 to vector<2000x8xf32>
    %select_n3A_68 = arith.select %eq3A_63, %broadcast_in_dim3A_66, %broadcast_in_dim3A_67 : vector<2000x8xi1>, vector<2000x8xf32>
    %mul3A_69 = arith.constant 1.41421354 : f32
    %mul3A_70 = vector.broadcast %mul3A_69 : f32 to vector<2000x8xf32>
    %mul3A_71 = arith.mulf %mul3A_70, %select_n3A_68 : vector<2000x8xf32>
    %mul3A_72 = arith.mulf %mul3A_71, %mul3A_58 : vector<2000x8xf32>
    %mul3A_73 = vector.broadcast %select_n3A : vector<2000x1xf32> to vector<2000x8xf32>
    %mul3A_74 = arith.mulf %mul3A_72, %mul3A_73 : vector<2000x8xf32>
    %mul3A_75 = arith.mulf %add3A_6, %add3A_6 : vector<2000x1xf32>
    %mul3A_76 = arith.mulf %mul3A_75, %add3A_6 : vector<2000x1xf32>
    %mul3A_77 = arith.mulf %mul3A_76, %mul3A_9 : vector<2000x1xf32>
    %mul3A_78 = arith.mulf %mul3A_77, %mul3A_9 : vector<2000x1xf32>
    %mul3A_79 = arith.constant 2.800000e+01 : f32
    %mul3A_80 = vector.broadcast %mul3A_79 : f32 to vector<2000x1xf32>
    %mul3A_81 = arith.mulf %mul3A_80, %mul3A_76 : vector<2000x1xf32>
    %sub3A_82 = arith.constant 1.000000e+00 : f32
    %sub3A_83 = vector.broadcast %sub3A_82 : f32 to vector<2000x1xf32>
    %sub3A_84 = arith.subf %sub3A_83, %mul3A_81 : vector<2000x1xf32>
    %mul3A_85 = arith.constant 4.800000e+01 : f32
    %mul3A_86 = vector.broadcast %mul3A_85 : f32 to vector<2000x1xf32>
    %mul3A_87 = arith.mulf %mul3A_86, %mul3A_77 : vector<2000x1xf32>
    %add3A_88 = arith.addf %sub3A_84, %mul3A_87 : vector<2000x1xf32>
    %mul3A_89 = arith.constant 2.100000e+01 : f32
    %mul3A_90 = vector.broadcast %mul3A_89 : f32 to vector<2000x1xf32>
    %mul3A_91 = arith.mulf %mul3A_90, %mul3A_78 : vector<2000x1xf32>
    %sub3A_92 = arith.subf %add3A_88, %mul3A_91 : vector<2000x1xf32>
    %lt3A = arith.constant 1.000000e+00 : f32
    %lt3A_93 = vector.broadcast %lt3A : f32 to vector<2000x1xf32>
    %lt3A_94 = arith.cmpf olt, %mul3A_9, %lt3A_93 : vector<2000x1xf32>
    %jit3A_95 = arith.constant 0.000000e+00 : f32
    %broadcast_in_dim3A_96 = vector.broadcast %jit3A_95 : f32 to vector<2000x1xf32>
    %select_n3A_97 = arith.select %lt3A_94, %sub3A_92, %broadcast_in_dim3A_96 : vector<2000x1xi1>, vector<2000x1xf32>
    %mul3A_98 = vector.broadcast %select_n3A_97 : vector<2000x1xf32> to vector<2000x8xf32>
    %mul3A_99 = arith.mulf %mul3A_74, %mul3A_98 : vector<2000x8xf32>
    %jit3A_100 = arith.constant 0.000000e+00 : f32
    %broadcast_in_dim3A_101 = vector.shape_cast %eq3A_8 : vector<2000x1xi1> to vector<2000x1xi1>
    %broadcast_in_dim3A_102 = vector.broadcast %broadcast_in_dim3A_101 : vector<2000x1xi1> to vector<2000x8xi1>
    %broadcast_in_dim3A_103 = vector.broadcast %jit3A_100 : f32 to vector<2000x8xf32>
    %select_n3A_104 = arith.select %broadcast_in_dim3A_102, %broadcast_in_dim3A_103, %mul3A_99 : vector<2000x8xi1>, vector<2000x8xf32>
    %get3A_105 = arith.constant 0 : index
    %get3A_106 = arith.constant 0 : index
    %get3A_107 = vector.load %arg3[%get3A_105, %get3A_106] : memref<8x64xf32, #tpu.memory_space<vmem>>, vector<8x64xf32>
    %dot_general3A_108 = arith.constant dense<0.000000e+00> : vector<2000x64xf32>
    %dot_general3A_109 = tpu.matmul %select_n3A_104, %get3A_107, %dot_general3A_108 {dimension_numbers = #tpu.dot_dimension_numbers<[1], [0], [0], [1], [0, 0, 1, 1], [], []>, transpose_lhs_hint = false} : vector<2000x8xf32>, vector<8x64xf32>, vector<2000x64xf32> -> vector<2000x64xf32>
    %neg3A = arith.constant 0.000000e+00 : f32
    %neg3A_110 = vector.broadcast %neg3A : f32 to vector<2000x64xf32>
    %neg3A_111 = arith.subf %neg3A_110, %dot_general3A_109 : vector<2000x64xf32>
    %exp3A = math.exp %neg3A_111 : vector<2000x64xf32>
    %add3A_112 = arith.constant 1.000000e+00 : f32
    %add3A_113 = vector.broadcast %add3A_112 : f32 to vector<2000x64xf32>
    %add3A_114 = arith.addf %add3A_113, %exp3A : vector<2000x64xf32>
    %div3A = arith.constant 1.000000e+00 : f32
    %div3A_115 = vector.broadcast %div3A : f32 to vector<2000x64xf32>
    %div3A_116 = arith.divf %div3A_115, %add3A_114 : vector<2000x64xf32>
    %mul3A_117 = arith.mulf %dot_general3A_109, %div3A_116 : vector<2000x64xf32>
    %get3A_118 = arith.constant 0 : index
    %get3A_119 = arith.constant 0 : index
    %get3A_120 = vector.load %arg4[%get3A_118, %get3A_119] : memref<64x64xf32, #tpu.memory_space<vmem>>, vector<64x64xf32>
    %dot_general3A_121 = arith.constant dense<0.000000e+00> : vector<2000x64xf32>
    %dot_general3A_122 = tpu.matmul %mul3A_117, %get3A_120, %dot_general3A_121 {dimension_numbers = #tpu.dot_dimension_numbers<[1], [0], [0], [1], [0, 0, 1, 1], [], []>, transpose_lhs_hint = false} : vector<2000x64xf32>, vector<64x64xf32>, vector<2000x64xf32> -> vector<2000x64xf32>
    %neg3A_123 = arith.constant 0.000000e+00 : f32
    %neg3A_124 = vector.broadcast %neg3A_123 : f32 to vector<2000x64xf32>
    %neg3A_125 = arith.subf %neg3A_124, %dot_general3A_122 : vector<2000x64xf32>
    %exp3A_126 = math.exp %neg3A_125 : vector<2000x64xf32>
    %add3A_127 = arith.constant 1.000000e+00 : f32
    %add3A_128 = vector.broadcast %add3A_127 : f32 to vector<2000x64xf32>
    %add3A_129 = arith.addf %add3A_128, %exp3A_126 : vector<2000x64xf32>
    %div3A_130 = arith.constant 1.000000e+00 : f32
    %div3A_131 = vector.broadcast %div3A_130 : f32 to vector<2000x64xf32>
    %div3A_132 = arith.divf %div3A_131, %add3A_129 : vector<2000x64xf32>
    %mul3A_133 = arith.mulf %dot_general3A_122, %div3A_132 : vector<2000x64xf32>
    %get3A_134 = arith.constant 0 : index
    %get3A_135 = arith.constant 0 : index
    %get3A_136 = vector.load %arg5[%get3A_134, %get3A_135] : memref<64x384xf32, #tpu.memory_space<vmem>>, vector<64x384xf32>
    %dot_general3A_137 = arith.constant dense<0.000000e+00> : vector<2000x384xf32>
    %dot_general3A_138 = tpu.matmul %mul3A_133, %get3A_136, %dot_general3A_137 {dimension_numbers = #tpu.dot_dimension_numbers<[1], [0], [0], [1], [0, 0, 1, 1], [], []>, transpose_lhs_hint = false} : vector<2000x64xf32>, vector<64x384xf32>, vector<2000x384xf32> -> vector<2000x384xf32>
    %get3A_139 = arith.constant 0 : index
    %get3A_140 = arith.constant 0 : index
    %get3A_141 = vector.load %arg2[%get3A_139, %get3A_140] : memref<2000x128xf32, #tpu.memory_space<vmem>>, vector<2000x128xf32>
    %slice3A_142 = vector.extract_strided_slice %dot_general3A_138 {offsets = [0, 0], sizes = [2000, 128], strides = [1, 1]} : vector<2000x384xf32> to vector<2000x128xf32>
    %mul3A_143 = arith.mulf %get3A_141, %slice3A_142 : vector<2000x128xf32>
    %get3A_144 = arith.constant 0 : index
    %get3A_145 = arith.constant 0 : index
    %get3A_146 = vector.load %arg6[%get3A_144, %get3A_145] : memref<128x96xf32, #tpu.memory_space<vmem>>, vector<128x96xf32>
    %dot_general3A_147 = arith.constant dense<0.000000e+00> : vector<2000x96xf32>
    %dot_general3A_148 = tpu.matmul %mul3A_143, %get3A_146, %dot_general3A_147 {dimension_numbers = #tpu.dot_dimension_numbers<[1], [0], [0], [1], [0, 0, 1, 1], [], []>, transpose_lhs_hint = false} : vector<2000x128xf32>, vector<128x96xf32>, vector<2000x96xf32> -> vector<2000x96xf32>
    %slice3A_149 = vector.extract_strided_slice %dot_general3A_138 {offsets = [0, 128], sizes = [2000, 128], strides = [1, 1]} : vector<2000x384xf32> to vector<2000x128xf32>
    %mul3A_150 = arith.mulf %get3A_141, %slice3A_149 : vector<2000x128xf32>
    %slice3A_151 = vector.extract_strided_slice %dot_general3A_138 {offsets = [0, 256], sizes = [2000, 128], strides = [1, 1]} : vector<2000x384xf32> to vector<2000x128xf32>
    %mul3A_152 = arith.mulf %get3A_141, %slice3A_151 : vector<2000x128xf32>
    %concatenate3A_153 = tpu.concatenate %mul3A_150, %mul3A_152 in 1 : vector<2000x128xf32>, vector<2000x128xf32> -> vector<2000x256xf32>
    %get3A_154 = arith.constant 0 : index
    %get3A_155 = arith.constant 0 : index
    %get3A_156 = vector.load %arg7[%get3A_154, %get3A_155] : memref<256x64xf32, #tpu.memory_space<vmem>>, vector<256x64xf32>
    %dot_general3A_157 = arith.constant dense<0.000000e+00> : vector<2000x64xf32>
    %dot_general3A_158 = tpu.matmul %concatenate3A_153, %get3A_156, %dot_general3A_157 {dimension_numbers = #tpu.dot_dimension_numbers<[1], [0], [0], [1], [0, 0, 1, 1], [], []>, transpose_lhs_hint = false} : vector<2000x256xf32>, vector<256x64xf32>, vector<2000x64xf32> -> vector<2000x64xf32>
    %get3A_159 = arith.constant 0 : index
    %get3A_160 = arith.constant 0 : index
    %get3A_161 = vector.load %arg8[%get3A_159, %get3A_160] : memref<64x256xf32, #tpu.memory_space<vmem>>, vector<64x256xf32>
    %dot_general3A_162 = arith.constant dense<0.000000e+00> : vector<2000x256xf32>
    %dot_general3A_163 = tpu.matmul %dot_general3A_158, %get3A_161, %dot_general3A_162 {dimension_numbers = #tpu.dot_dimension_numbers<[1], [0], [0], [1], [0, 0, 1, 1], [], []>, transpose_lhs_hint = false} : vector<2000x64xf32>, vector<64x256xf32>, vector<2000x256xf32> -> vector<2000x256xf32>
    %mul3A_164 = arith.mulf %dot_general3A_163, %add3A_25 : vector<2000x256xf32>
    %concatenate3A_165 = tpu.concatenate %dot_general3A_148, %mul3A_164 in 1 : vector<2000x96xf32>, vector<2000x256xf32> -> vector<2000x352xf32>
    %slice3A_166 = vector.extract_strided_slice %concatenate3A_165 {offsets = [0, 0], sizes = [2000, 176], strides = [1, 1]} : vector<2000x352xf32> to vector<2000x176xf32>
    %swap3A = arith.constant 0 : index
    %swap3A_167 = arith.constant 0 : index
    %swap3A_168 = vector.load %arg11[%swap3A, %swap3A_167] : memref<2000x176xf32, #tpu.memory_space<vmem>>, vector<2000x176xf32>
    tpu.vector_store %arg11[%swap3A, %swap3A_167], %slice3A_166 {strides = array<i32>} : memref<2000x176xf32, #tpu.memory_space<vmem>>, vector<2000x176xf32>,
    %slice3A_169 = vector.extract_strided_slice %concatenate3A_165 {offsets = [0, 176], sizes = [2000, 176], strides = [1, 1]} : vector<2000x352xf32> to vector<2000x176xf32>
    %swap3A_170 = arith.constant 0 : index
    %swap3A_171 = arith.constant 0 : index
    %swap3A_172 = vector.load %arg12[%swap3A_170, %swap3A_171] : memref<2000x176xf32, #tpu.memory_space<vmem>>, vector<2000x176xf32>
    tpu.vector_store %arg12[%swap3A_170, %swap3A_171], %slice3A_169 {strides = array<i32>} : memref<2000x176xf32, #tpu.memory_space<vmem>>, vector<2000x176xf32>,
    return
  }
  func.func @transform_0(%arg0: i32) -> (i32, i32) {
    %c0_i32 = arith.constant 0 : i32
    %c0_i32_0 = arith.constant 0 : i32
    return %arg0, %c0_i32 : i32, i32
  }
  func.func @transform_1(%arg0: i32) -> (i32, i32) {
    %c0_i32 = arith.constant 0 : i32
    %c0_i32_0 = arith.constant 0 : i32
    return %arg0, %c0_i32 : i32, i32
  }
  func.func @transform_2(%arg0: i32) -> (i32, i32) {
    %c0_i32 = arith.constant 0 : i32
    %c0_i32_0 = arith.constant 0 : i32
    %c0_i32_1 = arith.constant 0 : i32
    return %c0_i32, %c0_i32_0 : i32, i32
  }
  func.func @transform_3(%arg0: i32) -> (i32, i32) {
    %c0_i32 = arith.constant 0 : i32
    %c0_i32_0 = arith.constant 0 : i32
    %c0_i32_1 = arith.constant 0 : i32
    return %c0_i32, %c0_i32_0 : i32, i32
  }
  func.func @transform_4(%arg0: i32) -> (i32, i32) {
    %c0_i32 = arith.constant 0 : i32
    %c0_i32_0 = arith.constant 0 : i32
    %c0_i32_1 = arith.constant 0 : i32
    return %c0_i32, %c0_i32_0 : i32, i32
  }
  func.func @transform_5(%arg0: i32) -> (i32, i32) {
    %c0_i32 = arith.constant 0 : i32
    %c0_i32_0 = arith.constant 0 : i32
    %c0_i32_1 = arith.constant 0 : i32
    return %c0_i32, %c0_i32_0 : i32, i32
  }
  func.func @transform_6(%arg0: i32) -> (i32, i32) {
    %c0_i32 = arith.constant 0 : i32
    %c0_i32_0 = arith.constant 0 : i32
    %c0_i32_1 = arith.constant 0 : i32
    return %c0_i32, %c0_i32_0 : i32, i32
  }
  func.func @transform_7(%arg0: i32) -> (i32, i32) {
    %c0_i32 = arith.constant 0 : i32
    %c0_i32_0 = arith.constant 0 : i32
    %c0_i32_1 = arith.constant 0 : i32
    return %c0_i32, %c0_i32_0 : i32, i32
  }
  func.func @transform_8(%arg0: i32) -> (i32, i32) {
    %c0_i32 = arith.constant 0 : i32
    %c0_i32_0 = arith.constant 0 : i32
    %c0_i32_1 = arith.constant 0 : i32
    return %c0_i32, %c0_i32_0 : i32, i32
  }
  func.func @transform_9(%arg0: i32) -> (i32, i32) {
    %c0_i32 = arith.constant 0 : i32
    %c0_i32_0 = arith.constant 0 : i32
    %c0_i32_1 = arith.constant 0 : i32
    return %c0_i32, %c0_i32_0 : i32, i32
  }
  func.func @transform_10(%arg0: i32) -> (i32, i32) {
    %c0_i32 = arith.constant 0 : i32
    %c0_i32_0 = arith.constant 0 : i32
    return %arg0, %c0_i32 : i32, i32
  }
  func.func @transform_11(%arg0: i32) -> (i32, i32) {
    %c0_i32 = arith.constant 0 : i32
    %c0_i32_0 = arith.constant 0 : i32
    return %arg0, %c0_i32 : i32, i32
  }
}

module attributes {stable_mosaic.version = 14 : i64} {
  func.func @_out_kernel(%arg0: i32, %arg1: memref<1000x176xf32, #tpu.memory_space<vmem>>, %arg2: memref<1000x176xf32, #tpu.memory_space<vmem>>, %arg3: memref<1000x96xf32, #tpu.memory_space<vmem>>, %arg4: memref<1000x288xf32, #tpu.memory_space<vmem>>) attributes {dimension_semantics = [#tpu.dimension_semantics<arbitrary>], iteration_bounds = array<i64: 10>, scalar_prefetch = 0 : i64, scratch_operands = 0 : i64, tpu.core_type = #tpu.core_type<tc>, window_params = [{transform_indices = @transform_0, window_bounds = array<i64: 1000, 176>}, {transform_indices = @transform_1, window_bounds = array<i64: 1000, 176>}, {transform_indices = @transform_2, window_bounds = array<i64: 1000, 96>}, {transform_indices = @transform_3, window_bounds = array<i64: 1000, 288>}]} {
    %sqrt3A = arith.constant 3.200000e+01 : f32
    %sqrt3A_0 = math.sqrt %sqrt3A : f32
    %div3A = arith.constant 1.000000e+00 : f32
    %div3A_1 = arith.divf %div3A, %sqrt3A_0 : f32
    %get3A = arith.constant 0 : index
    %get3A_2 = arith.constant 0 : index
    %get3A_3 = vector.load %arg1[%get3A, %get3A_2] : memref<1000x176xf32, #tpu.memory_space<vmem>>, vector<1000x176xf32>
    %get3A_4 = arith.constant 0 : index
    %get3A_5 = arith.constant 0 : index
    %get3A_6 = vector.load %arg2[%get3A_4, %get3A_5] : memref<1000x176xf32, #tpu.memory_space<vmem>>, vector<1000x176xf32>
    %slice3A = vector.extract_strided_slice %get3A_3 {offsets = [0, 0], sizes = [1000, 96], strides = [1, 1]} : vector<1000x176xf32> to vector<1000x96xf32>
    %mul3A = vector.broadcast %div3A_1 : f32 to vector<1000x96xf32>
    %mul3A_7 = arith.mulf %slice3A, %mul3A : vector<1000x96xf32>
    %get3A_8 = arith.constant 0 : index
    %get3A_9 = arith.constant 0 : index
    %get3A_10 = vector.load %arg3[%get3A_8, %get3A_9] : memref<1000x96xf32, #tpu.memory_space<vmem>>, vector<1000x96xf32>
    %add3A = arith.addf %mul3A_7, %get3A_10 : vector<1000x96xf32>
    %slice3A_11 = vector.extract_strided_slice %add3A {offsets = [0, 0], sizes = [1000, 32], strides = [1, 1]} : vector<1000x96xf32> to vector<1000x32xf32>
    %slice3A_12 = vector.extract_strided_slice %add3A {offsets = [0, 32], sizes = [1000, 32], strides = [1, 1]} : vector<1000x96xf32> to vector<1000x32xf32>
    %neg3A = arith.constant 0.000000e+00 : f32
    %neg3A_13 = vector.broadcast %neg3A : f32 to vector<1000x32xf32>
    %neg3A_14 = arith.subf %neg3A_13, %slice3A_12 : vector<1000x32xf32>
    %exp3A = math.exp %neg3A_14 : vector<1000x32xf32>
    %add3A_15 = arith.constant 1.000000e+00 : f32
    %add3A_16 = vector.broadcast %add3A_15 : f32 to vector<1000x32xf32>
    %add3A_17 = arith.addf %add3A_16, %exp3A : vector<1000x32xf32>
    %div3A_18 = arith.constant 1.000000e+00 : f32
    %div3A_19 = vector.broadcast %div3A_18 : f32 to vector<1000x32xf32>
    %div3A_20 = arith.divf %div3A_19, %add3A_17 : vector<1000x32xf32>
    %mul3A_21 = arith.mulf %slice3A_12, %div3A_20 : vector<1000x32xf32>
    %slice3A_22 = vector.extract_strided_slice %add3A {offsets = [0, 64], sizes = [1000, 32], strides = [1, 1]} : vector<1000x96xf32> to vector<1000x32xf32>
    %neg3A_23 = arith.constant 0.000000e+00 : f32
    %neg3A_24 = vector.broadcast %neg3A_23 : f32 to vector<1000x32xf32>
    %neg3A_25 = arith.subf %neg3A_24, %slice3A_22 : vector<1000x32xf32>
    %exp3A_26 = math.exp %neg3A_25 : vector<1000x32xf32>
    %add3A_27 = arith.constant 1.000000e+00 : f32
    %add3A_28 = vector.broadcast %add3A_27 : f32 to vector<1000x32xf32>
    %add3A_29 = arith.addf %add3A_28, %exp3A_26 : vector<1000x32xf32>
    %div3A_30 = arith.constant 1.000000e+00 : f32
    %div3A_31 = vector.broadcast %div3A_30 : f32 to vector<1000x32xf32>
    %div3A_32 = arith.divf %div3A_31, %add3A_29 : vector<1000x32xf32>
    %mul3A_33 = arith.mulf %slice3A_22, %div3A_32 : vector<1000x32xf32>
    %slice3A_34 = vector.extract_strided_slice %get3A_3 {offsets = [0, 96], sizes = [1000, 80], strides = [1, 1]} : vector<1000x176xf32> to vector<1000x80xf32>
    %concatenate3A = tpu.concatenate %slice3A_34, %get3A_6 in 1 : vector<1000x80xf32>, vector<1000x176xf32> -> vector<1000x256xf32>
    %mul3A_35 = vector.broadcast %div3A_1 : f32 to vector<1000x256xf32>
    %mul3A_36 = arith.mulf %concatenate3A, %mul3A_35 : vector<1000x256xf32>
    %slice3A_37 = vector.extract_strided_slice %mul3A_36 {offsets = [0, 0], sizes = [1000, 96], strides = [1, 1]} : vector<1000x256xf32> to vector<1000x96xf32>
    %concatenate3A_38 = tpu.concatenate %mul3A_21, %mul3A_21, %mul3A_21 in 1 : vector<1000x32xf32>, vector<1000x32xf32>, vector<1000x32xf32> -> vector<1000x96xf32>
    %mul3A_39 = arith.mulf %slice3A_37, %concatenate3A_38 : vector<1000x96xf32>
    %slice3A_40 = vector.extract_strided_slice %mul3A_36 {offsets = [0, 96], sizes = [1000, 160], strides = [1, 1]} : vector<1000x256xf32> to vector<1000x160xf32>
    %concatenate3A_41 = tpu.concatenate %mul3A_33, %mul3A_33, %mul3A_33, %mul3A_33, %mul3A_33 in 1 : vector<1000x32xf32>, vector<1000x32xf32>, vector<1000x32xf32>, vector<1000x32xf32>, vector<1000x32xf32> -> vector<1000x160xf32>
    %mul3A_42 = arith.mulf %slice3A_40, %concatenate3A_41 : vector<1000x160xf32>
    %neg3A_43 = arith.constant 0.000000e+00 : f32
    %neg3A_44 = vector.broadcast %neg3A_43 : f32 to vector<1000x32xf32>
    %neg3A_45 = arith.subf %neg3A_44, %slice3A_11 : vector<1000x32xf32>
    %exp3A_46 = math.exp %neg3A_45 : vector<1000x32xf32>
    %add3A_47 = arith.constant 1.000000e+00 : f32
    %add3A_48 = vector.broadcast %add3A_47 : f32 to vector<1000x32xf32>
    %add3A_49 = arith.addf %add3A_48, %exp3A_46 : vector<1000x32xf32>
    %div3A_50 = arith.constant 1.000000e+00 : f32
    %div3A_51 = vector.broadcast %div3A_50 : f32 to vector<1000x32xf32>
    %div3A_52 = arith.divf %div3A_51, %add3A_49 : vector<1000x32xf32>
    %mul3A_53 = arith.mulf %slice3A_11, %div3A_52 : vector<1000x32xf32>
    %concatenate3A_54 = tpu.concatenate %mul3A_53, %mul3A_39, %mul3A_42 in 1 : vector<1000x32xf32>, vector<1000x96xf32>, vector<1000x160xf32> -> vector<1000x288xf32>
    %swap3A = arith.constant 0 : index
    %swap3A_55 = arith.constant 0 : index
    %swap3A_56 = vector.load %arg4[%swap3A, %swap3A_55] : memref<1000x288xf32, #tpu.memory_space<vmem>>, vector<1000x288xf32>
    tpu.vector_store %arg4[%swap3A, %swap3A_55], %concatenate3A_54 {strides = array<i32>} : memref<1000x288xf32, #tpu.memory_space<vmem>>, vector<1000x288xf32>,
    return
  }
  func.func @transform_0(%arg0: i32) -> (i32, i32) {
    %c0_i32 = arith.constant 0 : i32
    %c0_i32_0 = arith.constant 0 : i32
    return %arg0, %c0_i32 : i32, i32
  }
  func.func @transform_1(%arg0: i32) -> (i32, i32) {
    %c0_i32 = arith.constant 0 : i32
    %c0_i32_0 = arith.constant 0 : i32
    return %arg0, %c0_i32 : i32, i32
  }
  func.func @transform_2(%arg0: i32) -> (i32, i32) {
    %c0_i32 = arith.constant 0 : i32
    %c0_i32_0 = arith.constant 0 : i32
    return %arg0, %c0_i32 : i32, i32
  }
  func.func @transform_3(%arg0: i32) -> (i32, i32) {
    %c0_i32 = arith.constant 0 : i32
    %c0_i32_0 = arith.constant 0 : i32
    return %arg0, %c0_i32 : i32, i32
  }
}

</mosaic_0001>

<sc_bundles>
// kernel: kernel.10.cloned.1.call-start
scs
__scs_entry_jumppad:
0x0: {  	(pc) =	sbr.rel $0x88, $3  }
0x1: {  	(tag) =	ssettag $0x0;
	lr =	simm.s32 $0x1  }
0x2: {  	[smem:$0x3F94] =	sst lr;
	_ =	strace $0xD0000000  }
0x3: {  	_ = 	snop  }
0x4: {  	_ = 	snop  }
0x5: {  	_ = 	snop  }
0x6: {  	_ = 	snop  }
0x7: {  	_ = 	snop  }
__scs_overlays_trampoline_lowered:
0x8: {  	[smem:$0x3FA3] =	sst s0  }
0x9: {  	[smem:$0x3FA4] =	sst s1  }
0xa: {  	[smem:$0x3FA5] =	sst s2  }
0xb: {  	[smem:$0x3FA6] =	sst s3  }
0xc: {  	[smem:$0x3FA7] =	sst s4  }
0xd: {  	[smem:$0x3FA8] =	sst s5  }
0xe: {  	[smem:$0x3FA9] =	sst s6  }
0xf: {  	[smem:$0x3FAA] =	sst s7  }
0x10: {  	[smem:$0x3FAB] =	sst s8  }
0x11: {  	[smem:$0x3FAC] =	sst s9;
	s0 =	simm.s32 @!p0 $0x0  }
0x12: {  	s1 =	sld [smem:$0x3F92];
	s0 =	simm.s32 @p0 $0x1  }
0x13: {  	[smem:$0x3FAD] =	sst s0;
	s0 =	simm.s32 @!p1 $0x0  }
0x14: {  	s2 =	sld [smem:$0x3F91];
	s0 =	simm.s32 @p1 $0x1  }
0x15: {  	[smem:$0x3FAE] =	sst s0;
	s0 =	simm.s32 @!p2 $0x0  }
0x16: {  	s3 =	sld [smem:$0x3FDB];
	s0 =	simm.s32 @p2 $0x1  }
0x17: {  	s4 =	simm.s32 $0x1BF5;
	[smem:$0x3FB0] =	sst s0  }
0x18: {  	s0 =	sld [smem:$0x3F93];
	_ =	swait.ge [sflag:s4], $0x0  }
0x19: {  	s7 =	sld [smem:$0x3F94]  }
0x1a: {  	s8 =	sadd.s32 $0xFFFFE003, lr  }
0x1b: {  	s9 =	sadd.s32 $0xFFFFFEF7, lr;
	s5 =	simm.s32 $0xFFFFFFFF;
	p2 =	slt.u32 s8, $0xFFFFF086  }
0x1c: {  	p1 =	slt.u32 s9, $0xF7A;
	s5 =	simm.s32 @!p2 $0x0  }
0x1d: {  	s5 =	simm.s32 @p1 $0x1;
	p0 =	seq.s32 s7, s2  }
0x1e: {  	s7 =	smul.u32 @!p0 $0xF7A, s2;
	p2 =	seq.s32 @!p0 s5, $0x0  }
0x1f: {  	s9 =	smul.u32 $0xF7A, s1;
	s8 =	simm.s32 @!p0 $0x1BF5;
	p2 =	por !p2, p0  }
0x20: {  	[sflag:s8] =	ssyncset.s32 @!p0 $0xFFFFF086;
	s6 =	sadd.s32 @!p0 s3, s7;
	s7 =	simm.s32 @!p0 $0x108  }
0x21: {  	s3 =	sadd.s32 s3, s9;
	s6 =	sadd.s32 @!p0 $0x88, s6;
	s7 =	simm.s32 @p2 $0x1082  }
0x22: {  	[simem:s7], [sflag:s8] =	dma.local @!p0 [hbm:s6], $0xF7A  }
0x23: {  	s9 =	sor.u32 $0xD0000000, s2;
	s6 =	simm.s32 $0x108;
	_ =	swait.ge @!p0 [sflag:s8], $0x0  }
0x24: {  	s3 =	sadd.s32 $0x88, s3;
	s6 =	simm.s32 @!p1 $0x1082;
	[sflag:s4] =	ssyncset.s32 $0xFFFFF086  }
0x25: {  	[simem:s6], [sflag:s4] =	dma.local [hbm:s3], $0xF7A  }
0x26: {  	[smem:$0x3F94] =	sst s1;
	(tag) =	ssettag s2;
	_ =	strace s9  }
0x27: {  	s1 =	sld [smem:$0x3FA4]  }
0x28: {  	s2 =	sld [smem:$0x3FA5]  }
0x29: {  	s4 =	sld [smem:$0x3FA7]  }
0x2a: {  	p0 =	seq.s32 s5, $0x0;
	s5 =	sld [smem:$0x3FA8]  }
0x2b: {  	s6 =	sld [smem:$0x3FA9]  }
0x2c: {  	s7 =	sld [smem:$0x3FAA]  }
0x2d: {  	s3 =	simm.s32 $0x108;
	s8 =	sld [smem:$0x3FAB]  }
0x2e: {  	s3 =	simm.s32 @!p0 $0x1082;
	s9 =	sld [smem:$0x3FAC]  }
0x2f: {  	lr =	sadd.s32 s0, s3;
	s0 =	sld [smem:$0x3FA3]  }
0x30: {  	s3 =	sld [smem:$0x3FA6]  }
0x31: {  	[smem:$0x3FAF] =	sst s10  }
0x32: {  	s10 =	sld [smem:$0x3FAD];
	_ =	sdelay $0x3  }
0x33: {  	p0 =	seq.s32 s10, $0x1;
	s10 =	sld [smem:$0x3FAF];
	_ =	sdelay $0x3  }
0x34: {  	[smem:$0x3FAF] =	sst s10  }
0x35: {  	s10 =	sld [smem:$0x3FAE];
	_ =	sdelay $0x3  }
0x36: {  	p1 =	seq.s32 s10, $0x1;
	s10 =	sld [smem:$0x3FAF];
	_ =	sdelay $0x3  }
0x37: {  	[smem:$0x3FAF] =	sst s10  }
0x38: {  	s10 =	sld [smem:$0x3FB0]  }
0x39: {  	_ = 	snop;
	(pc) =	sbr.ind lr, $3  }
0x3a: {  	_ = 	snop  }
0x3b: {  	_ = 	snop  }
0x3c: {  	p2 =	seq.s32 s10, $0x1;
	s10 =	sld [smem:$0x3FAF]  }
0x3d: {  	_ =	shalt  }
0x3e: {  	_ =	shalt  }
0x3f: {  	_ =	shalt  }
0x40: {  	_ =	shalt  }
0x41: {  	_ =	shalt  }
0x42: {  	_ =	shalt  }
0x43: {  	_ =	shalt  }
0x44: {  	_ =	shalt  }
0x45: {  	_ =	shalt  }
0x46: {  	_ =	shalt  }
0x47: {  	_ =	shalt  }
0x48: {  	_ =	shalt  }
0x49: {  	_ =	shalt  }
0x4a: {  	_ =	shalt  }
0x4b: {  	_ =	shalt  }
0x4c: {  	_ =	shalt  }
0x4d: {  	_ =	shalt  }
0x4e: {  	_ =	shalt  }
0x4f: {  	_ =	shalt  }
0x50: {  	_ =	shalt  }
0x51: {  	_ =	shalt  }
0x52: {  	_ =	shalt  }
0x53: {  	_ =	shalt  }
0x54: {  	_ =	shalt  }
0x55: {  	_ =	shalt  }
0x56: {  	_ =	shalt  }
0x57: {  	_ =	shalt  }
0x58: {  	_ =	shalt  }
0x59: {  	_ =	shalt  }
0x5a: {  	_ =	shalt  }
0x5b: {  	_ =	shalt  }
0x5c: {  	_ =	shalt  }
0x5d: {  	_ =	shalt  }
0x5e: {  	_ =	shalt  }
0x5f: {  	_ =	shalt  }
0x60: {  	_ =	shalt  }
0x61: {  	_ =	shalt  }
0x62: {  	_ =	shalt  }
0x63: {  	_ =	shalt  }
0x64: {  	_ =	shalt  }
0x65: {  	_ =	shalt  }
0x66: {  	_ =	shalt  }
0x67: {  	_ =	shalt  }
0x68: {  	_ =	shalt  }
0x69: {  	_ =	shalt  }
0x6a: {  	_ =	shalt  }
0x6b: {  	_ =	shalt  }
0x6c: {  	_ =	shalt  }
0x6d: {  	_ =	shalt  }
0x6e: {  	_ =	shalt  }
0x6f: {  	_ =	shalt  }
0x70: {  	_ =	shalt  }
0x71: {  	_ =	shalt  }
0x72: {  	_ =	shalt  }
0x73: {  	_ =	shalt  }
0x74: {  	_ =	shalt  }
0x75: {  	_ =	shalt  }
0x76: {  	_ =	shalt  }
0x77: {  	_ =	shalt  }
0x78: {  	_ =	shalt  }
0x79: {  	_ =	shalt  }
0x7a: {  	_ =	shalt  }
0x7b: {  	_ =	shalt  }
0x7c: {  	_ =	shalt  }
0x7d: {  	_ =	shalt  }
0x7e: {  	_ =	shalt  }
0x7f: {  	_ =	shalt  }
0x80: {  	_ =	shalt  }
0x81: {  	_ =	shalt  }
0x82: {  	_ =	shalt  }
0x83: {  	_ =	shalt  }
0x84: {  	_ =	shalt  }
0x85: {  	_ =	shalt  }
0x86: {  	_ =	shalt  }
0x87: {  	_ =	shalt  }
.Lfunc_end0:
.L_simem_size_0:
called_computation.1_lowered:
.L_overlay_start_0:
0x88: {  	s2 =	sld [smem:$0x3FD9]  }
0x89: {  	s3 =	sld [smem:$0x3FFE];
	_ =	sdelay $0x1  }
0x8a: {  	s1 =	srdreg.scid  }
0x8b: {  	s0 =	sand.u32 $0x1, s1  }
0x8c: {  	s17 =	sshll.u32 s0, $0xA;
	s2 =	sadd.s32 s3, s2  }
0x8d: {  	s2 =	sadd.s32 s2, s17  }
0x8e: {  	[smem:$0x3FBB] =	sst s2  }
0x8f: {  	_ = 	snop  }
0x90: {  	s2 =	sld [smem:$0x3FC5]  }
0x91: {  	s18 =	sld [smem:$0x3FD0];
	(tm) =	ssettm $0x1  }
0x92: {  	s4 =	sld [smem:$0x3FFB];
	_ =	sdelay $0x3  }
0x93: {  	_ =	strace s4  }
0x94: {  	s4 =	sld [smem:$0x3FFC];
	_ =	sdelay $0x3  }
0x95: {  	_ =	strace s4  }
0x96: {  	s4 =	sld [smem:$0x3FFD];
	_ =	sdelay $0x3  }
0x97: {  	_ =	strace s4  }
0x98: {  	_ =	strace $0x8FFFFFFF  }
0x99: {  	s19 =	sld [smem:$0x3FDB];
	_ =	sdelay $0x1  }
0x9a: {  	s5 =	simm.s32 $_scs_section_size  }
0x9b: {  	s6 =	simm.s32 $_size__tile_overlayer_lowered;
	s7 =	simm.s32 $_tile_overlayer_lowered  }
0x9c: {  	s22 =	simm.s32 $0x1BFF;
	s21 =	sshll.u32 s7, $0x1;
	s4 =	sadd.s32 s5, s19  }
0x9d: {  	s8 =	simm.s32 $0x0;
	s20 =	sshll.u32 s6, $0x1;
	s6 =	sadd.s32 s21, s4  }
0x9e: {  	[timem:s8], [sflag:s22] =	dma.local [hbm:s6], s20  }
0x9f: {  	_ =	swait.ge [sflag:s22], s20  }
0xa0: {  	s5 =	ssub.s32 $0x0, s20;
	[sflag:s22] =	ssyncset.done $0x0  }
0xa1: {  	[sflag:s22] =	ssyncadd.s32 s5;
	_ =	sdelay $0x1  }
0xa2: {  	s23 =	simm.s32 $0x1B8B  }
0xa3: {  	_ =	swait.ge [sflag:s23], $0x1  }
0xa4: {  	[sflag:s23] =	ssyncset.done $0x0  }
0xa5: {  	s25 =	simm.s32 $0x1B8E;
	s24 =	sld [smem:$0x3FFE];
	[sflag:s23] =	ssyncadd.s32 $0xFFFFFFFF  }
0xa6: {  	s26 =	simm.s32 $execute0_lowered;
	[smem:$0x3FD2] =	sst s25  }
0xa7: {  	s6 =	sshll.u32 s26, $0x1;
	_ =	strace $0x80000049;
	[dreg:$0x1] =	wrdreg $0xFFFFFFFF  }
0xa8: {  	s28 =	simm.s32 $_size_execute0_lowered;
	s4 =	sadd.s32 s4, s6;
	[dreg:$0x0] =	wrdreg $0x0  }
0xa9: {  	s6 =	sshll.u32 s28, $0x1;
	[dreg:$0x2] =	wrdreg s4  }
0xaa: {  	[dreg:$0x3] =	wrdreg s6  }
0xab: {  	[dreg:$0x4] =	wrdreg $0xC0  }
0xac: {  	_ =	task [dreg:s8], $0x5FFFF  }
0xad: {  	[dreg:$0x1] =	wrdreg $0xFFFFFFFF  }
0xae: {  	[dreg:$0x0] =	wrdreg $0x60  }
0xaf: {  	[dreg:$0x2] =	wrdreg s24  }
0xb0: {  	[dreg:$0x3] =	wrdreg s2  }
0xb1: {  	[dreg:$0x4] =	wrdreg s18  }
0xb2: {  	[dreg:$0x5] =	wrdreg $0x37500  }
0xb3: {  	[dreg:$0x6] =	wrdreg $0x9  }
0xb4: {  	_ =	task.clear_ibuf [dreg:s8], $0x7FFFF;
	_ =	strace $0x90000049  }
0xb5: {  	s29 =	simm.s32 $0x9;
	_ =	strace $0x8000004B  }
0xb6: {  	_ =	swait.ge [sflag:s29], $0x1  }
0xb7: {  	[sflag:s29] =	ssyncadd.s32 $0xFFFFFFFF  }
0xb8: {  	_ =	strace $0x9000004B  }
0xb9: {  	_ =	sfence  }
0xba: {  	s30 =	sld [smem:$0x0];
	_ =	sdelay $0x2  }
0xbb: {  	s31 =	sshll.u32 s1, $0xD;
	s1 =	sshrl.u32 s1, $0x2  }
0xbc: {  	s3 =	sand.u32 $0x4000, s31;
	s1 =	sadd.s32 s1, s30  }
0xbd: {  	s0 =	sor.u32 s3, s0;
	s1 =	sshll.u32 s1, $0x11  }
0xbe: {  	s0 =	sor.u32 s1, s0  }
0xbf: {  	s0 =	sadd.s32 $0x8F2B, s0  }
0xc0: {  	[sflag:s0] =	ssyncadd.remote.s32 $0x1  }
0xc1: {  	_ =	sfence.sel $0xFFFF  }
0xc2: {  	[dreg:$0x0] =	wrdreg $0xFFFFFFFF;
	(pc) =	sbr.abs _section_cstart, $3  }
0xc3: {  	[dreg:$0x1] =	wrdreg $0xFFFFFFFF  }
0xc4: {  	_ =	task.clear_ibuf [dreg:s8], $0x2FFFF;
	_ =	strace $0x9FFFFFFF  }
0xc5: {  	(tm) =	ssettm $0x7FFFFFFF  }
tec
execute0_lowered:
.L_overlay_start_1:
0x0: {  	(tag) =	ssettag $0x1  }
0x1: {  	s9 =	rddreg [dreg:$0x0]  }
0x2: {  	s1 =	rddreg [dreg:$0x1]  }
0x3: {  	s2 =	rddreg [dreg:$0x2]  }
0x4: {  	s3 =	rddreg [dreg:$0x3];
	s4 =	simm.s32 $0x0;
	s7 =	srdreg.scid  }
0x5: {  	s5 =	stileid.u32;
	s20 =	simm.s32 $0x3;
	s21 =	simm.s32 $0x50  }
0x6: {  	s22 =	simm.s32 $0x28;
	s23 =	simm.s32 $0x1BD0;
	s24 =	simm.s32 $0x1  }
0x7: {  	s25 =	simm.s32 $0x2;
	s26 =	simm.s32 $0x0;
	s12 =	smul.u32 $0x1B800, s5  }
0x8: {  	[smem:$0x7FF] =	sst s4;
	s6 =	sadd.s32 $0x6FB400, s9;
	s14 =	smul.u32 $0x9C4, s5  }
0x9: {  	s10 =	sand.u32 $0x1, s7;
	s7 =	sadd.s32 $0x44800, s9;
	s31 =	smul.u32 $0x6B6C0, s5  }
0xa: {  	s8 =	sadd.s32 $0xDE9000, s9;
	s9 =	sadd.s32 $0xDB2000, s9;
	s16 =	smul.u32 $0x1F4, s5  }
0xb: {  	s17 =	sshll.u32 s5, $0x6;
	_ =	strace $0x8000004A;
	s11 =	ssub.s32 $0x2, s10  }
.Ltmp0:
0xc: {  	p0 =	seq.s32 s10, $0x1;
	s17 =	sor.u32 $0x1C03, s17;
	(pc) =	sbr.rel .LBB2_1-.Ltmp0, $4  }
0xd: {  	s13 =	sshrl.u32 s11, $0x1;
	s19 =	sadd.s32 s12, s3;
	s10 =	sadd.s32 s1, s14  }
0xe: {  	s12 =	sshrl.u32 s12, $0x3;
	s14 =	sadd.s32 $0x1F3, s16;
	s15 =	ssub.s32 s11, s13  }
0xf: {  	s11 =	sadd.s32 s6, s31;
	s13 =	sadd.s32 s7, s31;
	s16 =	smul.u32 $0x370, s14  }
0x10: {  	s18 =	sadd.s32 $0xA, s10;
	s19 =	sshrl.u32 s19, $0x3;
	s15 =	smax.u32 s15, $0x1  }
.LBB2_7:
0x11: {  	s0 =	sadd.s32 $0xFFFFFFFB, s28;
	s29 =	sadd.s32 s29, s13;
	[sflag:s20] =	ssyncadd.s32 $0xFFFFE480  }
0x12: {  	[tilespmem:s22], [sflag:$0x2] =	stream.linear.gather [hbm4b:s0+s4], $0x28, $0x38;
	[tilespmem:$0x1EF50] =	vst v63  }
0x13: {  	s30 =	sadd.s32 $0x370, s29  }
0x14: {  	[tilespmem:s23], [sflag:$0x2] =	stream.linear.gather [hbm4b:s30+s4], $0x1B80, $0x38;
	[tilespmem:$0x1EF50] =	vst v63  }
0x15: {  	_ =	swait.ge [sflag:s24], $0x28  }
0x16: {  	[sflag:s24] =	ssyncset.done $0x0  }
0x17: {  	[sflag:s24] =	ssyncadd.s32 $0xFFFFFFD8  }
0x18: {  	_ =	swait.ge [sflag:s24], $0x1B80  }
0x19: {  	[sflag:s24] =	ssyncset.done $0x0  }
0x1a: {  	[sflag:s24] =	ssyncadd.s32 $0xFFFFE480  }
0x1b: {  	[spmem:s3] =	stream.indirect.scatter.add.f32 [tilespmem:s21], [sflag:$0x3], $0xB0, s4, s22, $0xb8;
	[tilespmem:$0x1EF50] =	vst v63  }
0x1c: {  	_ =	swait.ge [sflag:s20], $0x1B80  }
0x1d: {  	[sflag:s20] =	ssyncset.done $0x0  }
0x1e: {  	[sflag:s20] =	ssyncadd.s32 $0xFFFFE480  }
0x1f: {  	[tilespmem:s4], [sflag:$0x1] =	stream.linear.gather [hbm4b:s28+s4], $0x28, $0x38;
	[tilespmem:$0x1EF50] =	vst v63  }
0x20: {  	s31 =	sadd.s32 $0x6E0, s29  }
0x21: {  	[tilespmem:s21], [sflag:$0x1] =	stream.linear.gather [hbm4b:s31+s4], $0x1B80, $0x38;
	[tilespmem:$0x1EF50] =	vst v63  }
0x22: {  	_ =	swait.ge [sflag:s25], $0x28  }
0x23: {  	[sflag:s25] =	ssyncset.done $0x0  }
0x24: {  	[sflag:s25] =	ssyncadd.s32 $0xFFFFFFD8  }
0x25: {  	_ =	swait.ge [sflag:s25], $0x1B80  }
0x26: {  	[sflag:s25] =	ssyncset.done $0x0  }
0x27: {  	[sflag:s25] =	ssyncadd.s32 $0xFFFFE480  }
0x28: {  	[spmem:s3] =	stream.indirect.scatter.add.f32 [tilespmem:s23], [sflag:$0x3], $0xB0, s22, s22, $0xb8;
	[tilespmem:$0x1EF50] =	vst v63  }
0x29: {  	_ =	swait.ge [sflag:s20], $0x1B80  }
0x2a: {  	[sflag:s20] =	ssyncset.done $0x0  }
0x2b: {  	s29 =	smov.u32 s7;
	s28 =	smov.u32 s9;
	[sflag:s20] =	ssyncadd.s32 $0xFFFFE480  }
.LBB2_8:
0x2c: {  	s0 =	smul.u32 $0x5, s14;
	_ =	sdelay $0x1  }
0x2d: {  	s0 =	sadd.s32 s1, s0  }
0x2e: {  	[tilespmem:s22], [sflag:$0x2] =	stream.linear.gather [hbm4b:s0+s4], $0x28, $0x38;
	[tilespmem:$0x1EF50] =	vst v63  }
0x2f: {  	s30 =	sadd.s32 s29, s16  }
0x30: {  	[tilespmem:s23], [sflag:$0x2] =	stream.linear.gather [hbm4b:s30+s4], $0x1B80, $0x38;
	[tilespmem:$0x1EF50] =	vst v63  }
0x31: {  	_ =	swait.ge [sflag:s24], $0x28  }
0x32: {  	[sflag:s24] =	ssyncset.done $0x0  }
0x33: {  	[sflag:s24] =	ssyncadd.s32 $0xFFFFFFD8  }
0x34: {  	_ =	swait.ge [sflag:s24], $0x1B80  }
0x35: {  	[sflag:s24] =	ssyncset.done $0x0  }
0x36: {  	[sflag:s24] =	ssyncadd.s32 $0xFFFFE480  }
0x37: {  	[spmem:s3] =	stream.indirect.scatter.add.f32 [tilespmem:s21], [sflag:$0x3], $0xB0, s4, s22, $0xb8;
	[tilespmem:$0x1EF50] =	vst v63  }
0x38: {  	_ =	swait.ge [sflag:s20], $0x1B80  }
0x39: {  	[sflag:s20] =	ssyncset.done $0x0  }
0x3a: {  	[sflag:s20] =	ssyncadd.s32 $0xFFFFE480  }
0x3b: {  	_ =	swait.ge [sflag:s25], $0x28  }
0x3c: {  	[sflag:s25] =	ssyncset.done $0x0  }
0x3d: {  	[sflag:s25] =	ssyncadd.s32 $0xFFFFFFD8  }
0x3e: {  	_ =	swait.ge [sflag:s25], $0x1B80  }
0x3f: {  	[sflag:s25] =	ssyncset.done $0x0  }
0x40: {  	[sflag:s25] =	ssyncadd.s32 $0xFFFFE480  }
0x41: {  	[spmem:s3] =	stream.indirect.scatter.add.f32 [tilespmem:s23], [sflag:$0x3], $0xB0, s22, s22, $0xb8;
	[tilespmem:$0x1EF50] =	vst v63  }
0x42: {  	_ =	swait.ge [sflag:s20], $0x1B80  }
0x43: {  	s26 =	sadd.s32 $0x1, s26;
	[sflag:s20] =	ssyncset.done $0x0  }
0x44: {  	p1 =	sne.s32 s26, s15;
	[sflag:s20] =	ssyncadd.s32 $0xFFFFE480  }
.Ltmp1:
0x45: {  	s31 =	sadd.s32 s28, s12;
	[bflag:$0x0] =	sbarrier.arrive $0xFFFF;
	(pc) =	sbr.rel @!p1 .LBB2_9-.Ltmp1, $4  }
0x46: {  	[hbm:s31], [sflag:s17] =	dma.local [spmem:s19], $0x3700  }
0x47: {  	_ =	swait.ge [sflag:s20], $0x3700  }
0x48: {  	[sflag:s20] =	ssyncset.done $0x0  }
0x49: {  	[sflag:s20] =	ssyncadd.s32 $0xFFFFC900  }
.LBB2_1:
0x4a: {  	[spmem:s19], [sflag:s17] =	dma.local [hbm:s2], $0x3700  }
.Ltmp2:
0x4b: {  	_ =	swait.ge [sflag:s20], $0x3700;
	(pc) =	sbr.rel @!p0 .LBB2_2-.Ltmp2, $4  }
0x4c: {  	[sflag:s20] =	ssyncset.done $0x0  }
0x4d: {  	[sflag:s20] =	ssyncadd.s32 $0xFFFFC900  }
0x4e: {  	[bflag:$0x0] =	sbarrier.arrive $0xFFFF  }
0x4f: {  	[tilespmem:s4], [sflag:$0x1] =	stream.linear.gather [hbm4b:s10+s4], $0x28, $0x38;
	[tilespmem:$0x1EF50] =	vst v63  }
0x50: {  	s0 =	simm.s32 $0x0  }
0x51: {  	[tilespmem:s21], [sflag:$0x1] =	stream.linear.gather [hbm4b:s13+s0], $0x1B80, $0x38;
	[tilespmem:$0x1EF50] =	vst v63  }
0x52: {  	s31 =	sadd.s32 $0xFFFFFFFB, s18;
	s28 =	sadd.s32 $0x0, s13  }
0x53: {  	[tilespmem:s22], [sflag:$0x2] =	stream.linear.gather [hbm4b:s31+s4], $0x28, $0x38;
	[tilespmem:$0x1EF50] =	vst v63  }
0x54: {  	s31 =	sadd.s32 $0x370, s28  }
0x55: {  	[tilespmem:s23], [sflag:$0x2] =	stream.linear.gather [hbm4b:s31+s4], $0x1B80, $0x38;
	[tilespmem:$0x1EF50] =	vst v63  }
0x56: {  	_ =	swait.ge [sflag:s24], $0x28  }
0x57: {  	[sflag:s24] =	ssyncset.done $0x0  }
0x58: {  	[sflag:s24] =	ssyncadd.s32 $0xFFFFFFD8  }
0x59: {  	_ =	swait.ge [sflag:s24], $0x1B80  }
0x5a: {  	[sflag:s24] =	ssyncset.done $0x0  }
0x5b: {  	[sflag:s24] =	ssyncadd.s32 $0xFFFFE480  }
0x5c: {  	[spmem:s3] =	stream.indirect.scatter.add.f32 [tilespmem:s21], [sflag:$0x3], $0xB0, s4, s22, $0xb8;
	[tilespmem:$0x1EF50] =	vst v63  }
0x5d: {  	_ =	swait.ge [sflag:s20], $0x1B80  }
0x5e: {  	[sflag:s20] =	ssyncset.done $0x0  }
0x5f: {  	[sflag:s20] =	ssyncadd.s32 $0xFFFFE480  }
0x60: {  	[tilespmem:s4], [sflag:$0x1] =	stream.linear.gather [hbm4b:s18+s4], $0x28, $0x38;
	[tilespmem:$0x1EF50] =	vst v63  }
0x61: {  	s31 =	sadd.s32 $0x6E0, s28  }
0x62: {  	[tilespmem:s21], [sflag:$0x1] =	stream.linear.gather [hbm4b:s31+s4], $0x1B80, $0x38;
	[tilespmem:$0x1EF50] =	vst v63  }
0x63: {  	_ =	swait.ge [sflag:s25], $0x28  }
0x64: {  	[sflag:s25] =	ssyncset.done $0x0  }
0x65: {  	[sflag:s25] =	ssyncadd.s32 $0xFFFFFFD8  }
0x66: {  	_ =	swait.ge [sflag:s25], $0x1B80  }
0x67: {  	[sflag:s25] =	ssyncset.done $0x0  }
0x68: {  	[sflag:s25] =	ssyncadd.s32 $0xFFFFE480  }
0x69: {  	[spmem:s3] =	stream.indirect.scatter.add.f32 [tilespmem:s23], [sflag:$0x3], $0xB0, s22, s22, $0xb8;
	[tilespmem:$0x1EF50] =	vst v63  }
0x6a: {  	s29 =	simm.s32 $0x6E0;
	_ =	swait.ge [sflag:s20], $0x1B80  }
0x6b: {  	s30 =	simm.s32 $0xDC0;
	s28 =	sadd.s32 $0xA, s18;
	[sflag:s20] =	ssyncset.done $0x0  }
.LBB2_6:
0x6c: {  	s0 =	sadd.s32 $0xFFFFFFFB, s28  }
0x6d: {  	s31 =	sadd.s32 s29, s13;
	[sflag:s20] =	ssyncadd.s32 $0xFFFFE480;
	s29 =	smov.u32 s30  }
0x6e: {  	[tilespmem:s22], [sflag:$0x2] =	stream.linear.gather [hbm4b:s0+s4], $0x28, $0x38;
	[tilespmem:$0x1EF50] =	vst v63  }
0x6f: {  	p1 =	sne.s32 s30, $0x6A900;
	s30 =	sadd.s32 $0x6E0, s30;
	s0 =	sadd.s32 $0x370, s31  }
0x70: {  	[tilespmem:s23], [sflag:$0x2] =	stream.linear.gather [hbm4b:s0+s4], $0x1B80, $0x38;
	[tilespmem:$0x1EF50] =	vst v63  }
0x71: {  	_ =	swait.ge [sflag:s24], $0x28  }
0x72: {  	[sflag:s24] =	ssyncset.done $0x0  }
0x73: {  	[sflag:s24] =	ssyncadd.s32 $0xFFFFFFD8  }
0x74: {  	_ =	swait.ge [sflag:s24], $0x1B80  }
0x75: {  	[sflag:s24] =	ssyncset.done $0x0  }
0x76: {  	[sflag:s24] =	ssyncadd.s32 $0xFFFFE480  }
0x77: {  	[spmem:s3] =	stream.indirect.scatter.add.f32 [tilespmem:s21], [sflag:$0x3], $0xB0, s4, s22, $0xb8;
	[tilespmem:$0x1EF50] =	vst v63  }
0x78: {  	_ =	swait.ge [sflag:s20], $0x1B80  }
0x79: {  	[sflag:s20] =	ssyncset.done $0x0  }
0x7a: {  	[sflag:s20] =	ssyncadd.s32 $0xFFFFE480  }
0x7b: {  	[tilespmem:s4], [sflag:$0x1] =	stream.linear.gather [hbm4b:s28+s4], $0x28, $0x38;
	[tilespmem:$0x1EF50] =	vst v63  }
0x7c: {  	s0 =	sadd.s32 $0x6E0, s31  }
0x7d: {  	[tilespmem:s21], [sflag:$0x1] =	stream.linear.gather [hbm4b:s0+s4], $0x1B80, $0x38;
	[tilespmem:$0x1EF50] =	vst v63  }
0x7e: {  	_ =	swait.ge [sflag:s25], $0x28  }
0x7f: {  	[sflag:s25] =	ssyncset.done $0x0  }
0x80: {  	[sflag:s25] =	ssyncadd.s32 $0xFFFFFFD8  }
0x81: {  	_ =	swait.ge [sflag:s25], $0x1B80  }
.Ltmp3:
0x82: {  	[sflag:s25] =	ssyncset.done $0x0;
	(pc) =	sbr.rel @p1 .LBB2_6-.Ltmp3, $4  }
0x83: {  	[sflag:s25] =	ssyncadd.s32 $0xFFFFE480  }
0x84: {  	[spmem:s3] =	stream.indirect.scatter.add.f32 [tilespmem:s23], [sflag:$0x3], $0xB0, s22, s22, $0xb8;
	[tilespmem:$0x1EF50] =	vst v63  }
0x85: {  	_ =	swait.ge [sflag:s20], $0x1B80  }
0x86: {  	s28 =	sadd.s32 $0xA, s28;
	[sflag:s20] =	ssyncset.done $0x0  }
.Ltmp4:
0x87: {  	_ = 	snop;
	(pc) =	sbr.rel .LBB2_7-.Ltmp4, $1  }
0x88: {  	_ =	sdelay $0x3  }
.LBB2_2:
0x89: {  	s28 =	simm.s32 $0x0  }
0x8a: {  	[tilespmem:s21], [sflag:$0x1] =	stream.linear.gather [hbm4b:s11+s28], $0x1B80, $0x38;
	[tilespmem:$0x1EF50] =	vst v63  }
0x8b: {  	s29 =	sadd.s32 $0x0, s11;
	s28 =	sadd.s32 $0xFFFFFFFB, s18  }
0x8c: {  	[tilespmem:s22], [sflag:$0x2] =	stream.linear.gather [hbm4b:s28+s4], $0x28, $0x38;
	[tilespmem:$0x1EF50] =	vst v63  }
0x8d: {  	s28 =	sadd.s32 $0x370, s29  }
0x8e: {  	[tilespmem:s23], [sflag:$0x2] =	stream.linear.gather [hbm4b:s28+s4], $0x1B80, $0x38;
	[tilespmem:$0x1EF50] =	vst v63  }
0x8f: {  	_ =	swait.ge [sflag:s24], $0x28  }
0x90: {  	[sflag:s24] =	ssyncset.done $0x0  }
0x91: {  	[sflag:s24] =	ssyncadd.s32 $0xFFFFFFD8  }
0x92: {  	_ =	swait.ge [sflag:s24], $0x1B80  }
0x93: {  	[sflag:s24] =	ssyncset.done $0x0  }
0x94: {  	[sflag:s24] =	ssyncadd.s32 $0xFFFFE480  }
0x95: {  	[spmem:s3] =	stream.indirect.scatter.add.f32 [tilespmem:s21], [sflag:$0x3], $0xB0, s4, s22, $0xb8;
	[tilespmem:$0x1EF50] =	vst v63  }
0x96: {  	_ =	swait.ge [sflag:s20], $0x1B80  }
0x97: {  	[sflag:s20] =	ssyncset.done $0x0  }
0x98: {  	[sflag:s20] =	ssyncadd.s32 $0xFFFFE480  }
0x99: {  	[tilespmem:s4], [sflag:$0x1] =	stream.linear.gather [hbm4b:s18+s4], $0x28, $0x38;
	[tilespmem:$0x1EF50] =	vst v63  }
0x9a: {  	s28 =	sadd.s32 $0x6E0, s29  }
0x9b: {  	[tilespmem:s21], [sflag:$0x1] =	stream.linear.gather [hbm4b:s28+s4], $0x1B80, $0x38;
	[tilespmem:$0x1EF50] =	vst v63  }
0x9c: {  	_ =	swait.ge [sflag:s25], $0x28  }
0x9d: {  	[sflag:s25] =	ssyncset.done $0x0  }
0x9e: {  	[sflag:s25] =	ssyncadd.s32 $0xFFFFFFD8  }
0x9f: {  	_ =	swait.ge [sflag:s25], $0x1B80  }
0xa0: {  	[sflag:s25] =	ssyncset.done $0x0  }
0xa1: {  	[sflag:s25] =	ssyncadd.s32 $0xFFFFE480  }
0xa2: {  	[spmem:s3] =	stream.indirect.scatter.add.f32 [tilespmem:s23], [sflag:$0x3], $0xB0, s22, s22, $0xb8;
	[tilespmem:$0x1EF50] =	vst v63  }
0xa3: {  	s30 =	simm.s32 $0xDC0;
	_ =	swait.ge [sflag:s20], $0x1B80  }
0xa4: {  	s29 =	simm.s32 $0x6E0;
	s28 =	sadd.s32 $0xA, s18;
	[sflag:s20] =	ssyncset.done $0x0  }
.LBB2_3:
0xa5: {  	s31 =	sadd.s32 $0xFFFFFFFB, s28  }
0xa6: {  	s0 =	sadd.s32 s29, s11;
	[sflag:s20] =	ssyncadd.s32 $0xFFFFE480;
	s29 =	smov.u32 s30  }
0xa7: {  	[tilespmem:s22], [sflag:$0x2] =	stream.linear.gather [hbm4b:s31+s4], $0x28, $0x38;
	[tilespmem:$0x1EF50] =	vst v63  }
0xa8: {  	p1 =	seq.s32 s30, $0x6A900;
	s30 =	sadd.s32 $0x6E0, s30;
	s31 =	sadd.s32 $0x370, s0  }
0xa9: {  	[tilespmem:s23], [sflag:$0x2] =	stream.linear.gather [hbm4b:s31+s4], $0x1B80, $0x38;
	[tilespmem:$0x1EF50] =	vst v63  }
0xaa: {  	_ =	swait.ge [sflag:s24], $0x28  }
0xab: {  	[sflag:s24] =	ssyncset.done $0x0  }
0xac: {  	[sflag:s24] =	ssyncadd.s32 $0xFFFFFFD8  }
0xad: {  	_ =	swait.ge [sflag:s24], $0x1B80  }
0xae: {  	[sflag:s24] =	ssyncset.done $0x0  }
0xaf: {  	[sflag:s24] =	ssyncadd.s32 $0xFFFFE480  }
0xb0: {  	[spmem:s3] =	stream.indirect.scatter.add.f32 [tilespmem:s21], [sflag:$0x3], $0xB0, s4, s22, $0xb8;
	[tilespmem:$0x1EF50] =	vst v63  }
0xb1: {  	_ =	swait.ge [sflag:s20], $0x1B80  }
0xb2: {  	[sflag:s20] =	ssyncset.done $0x0  }
0xb3: {  	[sflag:s20] =	ssyncadd.s32 $0xFFFFE480  }
0xb4: {  	[tilespmem:s4], [sflag:$0x1] =	stream.linear.gather [hbm4b:s28+s4], $0x28, $0x38;
	[tilespmem:$0x1EF50] =	vst v63  }
0xb5: {  	s0 =	sadd.s32 $0x6E0, s0  }
0xb6: {  	[tilespmem:s21], [sflag:$0x1] =	stream.linear.gather [hbm4b:s0+s4], $0x1B80, $0x38;
	[tilespmem:$0x1EF50] =	vst v63  }
0xb7: {  	_ =	swait.ge [sflag:s25], $0x28  }
0xb8: {  	[sflag:s25] =	ssyncset.done $0x0  }
0xb9: {  	[sflag:s25] =	ssyncadd.s32 $0xFFFFFFD8  }
0xba: {  	_ =	swait.ge [sflag:s25], $0x1B80  }
.Ltmp5:
0xbb: {  	[sflag:s25] =	ssyncset.done $0x0;
	(pc) =	sbr.rel @!p1 .LBB2_3-.Ltmp5, $4  }
0xbc: {  	[sflag:s25] =	ssyncadd.s32 $0xFFFFE480  }
0xbd: {  	[spmem:s3] =	stream.indirect.scatter.add.f32 [tilespmem:s23], [sflag:$0x3], $0xB0, s22, s22, $0xb8;
	[tilespmem:$0x1EF50] =	vst v63  }
0xbe: {  	_ =	swait.ge [sflag:s20], $0x1B80  }
0xbf: {  	s28 =	sadd.s32 $0xA, s28;
	[sflag:s20] =	ssyncset.done $0x0  }
0xc0: {  	s0 =	sadd.s32 $0xFFFFFFFB, s28;
	s29 =	sadd.s32 s29, s11;
	[sflag:s20] =	ssyncadd.s32 $0xFFFFE480  }
0xc1: {  	[tilespmem:s22], [sflag:$0x2] =	stream.linear.gather [hbm4b:s0+s4], $0x28, $0x38;
	[tilespmem:$0x1EF50] =	vst v63  }
0xc2: {  	s30 =	sadd.s32 $0x370, s29  }
0xc3: {  	[tilespmem:s23], [sflag:$0x2] =	stream.linear.gather [hbm4b:s30+s4], $0x1B80, $0x38;
	[tilespmem:$0x1EF50] =	vst v63  }
0xc4: {  	_ =	swait.ge [sflag:s24], $0x28  }
0xc5: {  	[sflag:s24] =	ssyncset.done $0x0  }
0xc6: {  	[sflag:s24] =	ssyncadd.s32 $0xFFFFFFD8  }
0xc7: {  	_ =	swait.ge [sflag:s24], $0x1B80  }
0xc8: {  	[sflag:s24] =	ssyncset.done $0x0  }
0xc9: {  	[sflag:s24] =	ssyncadd.s32 $0xFFFFE480  }
0xca: {  	[spmem:s3] =	stream.indirect.scatter.add.f32 [tilespmem:s21], [sflag:$0x3], $0xB0, s4, s22, $0xb8;
	[tilespmem:$0x1EF50] =	vst v63  }
0xcb: {  	_ =	swait.ge [sflag:s20], $0x1B80  }
0xcc: {  	[sflag:s20] =	ssyncset.done $0x0  }
0xcd: {  	[sflag:s20] =	ssyncadd.s32 $0xFFFFE480  }
0xce: {  	[tilespmem:s4], [sflag:$0x1] =	stream.linear.gather [hbm4b:s28+s4], $0x28, $0x38;
	[tilespmem:$0x1EF50] =	vst v63  }
0xcf: {  	s31 =	sadd.s32 $0x6E0, s29  }
0xd0: {  	[tilespmem:s21], [sflag:$0x1] =	stream.linear.gather [hbm4b:s31+s4], $0x1B80, $0x38;
	[tilespmem:$0x1EF50] =	vst v63  }
0xd1: {  	_ =	swait.ge [sflag:s25], $0x28  }
0xd2: {  	[sflag:s25] =	ssyncset.done $0x0  }
0xd3: {  	[sflag:s25] =	ssyncadd.s32 $0xFFFFFFD8  }
0xd4: {  	_ =	swait.ge [sflag:s25], $0x1B80  }
0xd5: {  	[sflag:s25] =	ssyncset.done $0x0  }
.Ltmp6:
0xd6: {  	[sflag:s25] =	ssyncadd.s32 $0xFFFFE480;
	(pc) =	sbr.rel .LBB2_8-.Ltmp6, $4  }
0xd7: {  	[spmem:s3] =	stream.indirect.scatter.add.f32 [tilespmem:s23], [sflag:$0x3], $0xB0, s22, s22, $0xb8;
	[tilespmem:$0x1EF50] =	vst v63  }
0xd8: {  	_ =	swait.ge [sflag:s20], $0x1B80  }
0xd9: {  	[sflag:s20] =	ssyncset.done $0x0  }
0xda: {  	s29 =	smov.u32 s6;
	s28 =	smov.u32 s8;
	[sflag:s20] =	ssyncadd.s32 $0xFFFFE480  }
.LBB2_9:
0xdb: {  	_ =	sfence.sel $0x180000  }
0xdc: {  	[bflag:$0x0] =	sbarrier.arrive $0xFFFF  }
0xdd: {  	_ =	strace $0x9000004A  }
0xde: {  	[bflag:$0x2] =	sbarrier.arrive $0xFFFF  }
0xdf: {  	p0 =	sne.s32 s5, $0x0;
	s0 =	rddreg [dreg:$0x4]  }
0xe0: {  	s0 =	sadd.s32 @!p0 $0x100000, s0  }
0xe1: {  	[sflag:s0] =	ssyncadd.tile.s32 @!p0 $0x1;
	_ =	shalt  }
.Lfunc_end2:
_tile_overlayer_lowered:
.L_overlay_start_2:
0xe2: {  	(tag) =	ssettag $0x2  }
0xe3: {  	s0 =	rddreg [dreg:$0x0];
	s2 =	stileid.u32  }
0xe4: {  	s1 =	rddreg [dreg:$0x1];
	p0 =	sne.s32 s2, $0x0  }
0xe5: {  	s3 =	rddreg [dreg:$0x2];
	[bflag:$0x3] =	sbarrier.arrive $0xFFFF;
	s2 =	simm.s32 @!p0 $0x1C03  }
0xe6: {  	[timem:s3], [sflag:s2] =	dma.local @!p0 [hbm:s0], s1  }
0xe7: {  	s0 =	simm.s32 @!p0 $0x3  }
0xe8: {  	_ =	swait.ge @!p0 [sflag:s0], s1  }
0xe9: {  	s1 =	ssub.s32 @!p0 $0x0, s1;
	[sflag:s0] =	ssyncset.done @!p0 $0x0  }
0xea: {  	[sflag:s0] =	ssyncadd.s32 @!p0 s1  }
0xeb: {  	[bflag:$0x3] =	sbarrier.arrive $0xFFFF  }
0xec: {  	_ =	shalt  }

// kernel: kernel.7.cloned.1.call-start
scs
__scs_entry_jumppad:
0x0: {  	(pc) =	sbr.rel $0x88, $3  }
0x1: {  	(tag) =	ssettag $0x0;
	lr =	simm.s32 $0x1  }
0x2: {  	[smem:$0x3F94] =	sst lr;
	_ =	strace $0xD0000000  }
0x3: {  	_ = 	snop  }
0x4: {  	_ = 	snop  }
0x5: {  	_ = 	snop  }
0x6: {  	_ = 	snop  }
0x7: {  	_ = 	snop  }
__scs_overlays_trampoline_lowered:
0x8: {  	[smem:$0x3FA3] =	sst s0  }
0x9: {  	[smem:$0x3FA4] =	sst s1  }
0xa: {  	[smem:$0x3FA5] =	sst s2  }
0xb: {  	[smem:$0x3FA6] =	sst s3  }
0xc: {  	[smem:$0x3FA7] =	sst s4  }
0xd: {  	[smem:$0x3FA8] =	sst s5  }
0xe: {  	[smem:$0x3FA9] =	sst s6  }
0xf: {  	[smem:$0x3FAA] =	sst s7  }
0x10: {  	[smem:$0x3FAB] =	sst s8  }
0x11: {  	[smem:$0x3FAC] =	sst s9;
	s0 =	simm.s32 @!p0 $0x0  }
0x12: {  	s1 =	sld [smem:$0x3F92];
	s0 =	simm.s32 @p0 $0x1  }
0x13: {  	[smem:$0x3FAD] =	sst s0;
	s0 =	simm.s32 @!p1 $0x0  }
0x14: {  	s2 =	sld [smem:$0x3F91];
	s0 =	simm.s32 @p1 $0x1  }
0x15: {  	[smem:$0x3FAE] =	sst s0;
	s0 =	simm.s32 @!p2 $0x0  }
0x16: {  	s3 =	sld [smem:$0x3FDB];
	s0 =	simm.s32 @p2 $0x1  }
0x17: {  	s4 =	simm.s32 $0x1BF5;
	[smem:$0x3FB0] =	sst s0  }
0x18: {  	s0 =	sld [smem:$0x3F93];
	_ =	swait.ge [sflag:s4], $0x0  }
0x19: {  	s7 =	sld [smem:$0x3F94]  }
0x1a: {  	s8 =	sadd.s32 $0xFFFFE003, lr  }
0x1b: {  	s9 =	sadd.s32 $0xFFFFFEF7, lr;
	s5 =	simm.s32 $0xFFFFFFFF;
	p2 =	slt.u32 s8, $0xFFFFF086  }
0x1c: {  	p1 =	slt.u32 s9, $0xF7A;
	s5 =	simm.s32 @!p2 $0x0  }
0x1d: {  	s5 =	simm.s32 @p1 $0x1;
	p0 =	seq.s32 s7, s2  }
0x1e: {  	s7 =	smul.u32 @!p0 $0xF7A, s2;
	p2 =	seq.s32 @!p0 s5, $0x0  }
0x1f: {  	s9 =	smul.u32 $0xF7A, s1;
	s8 =	simm.s32 @!p0 $0x1BF5;
	p2 =	por !p2, p0  }
0x20: {  	[sflag:s8] =	ssyncset.s32 @!p0 $0xFFFFF086;
	s6 =	sadd.s32 @!p0 s3, s7;
	s7 =	simm.s32 @!p0 $0x108  }
0x21: {  	s3 =	sadd.s32 s3, s9;
	s6 =	sadd.s32 @!p0 $0x88, s6;
	s7 =	simm.s32 @p2 $0x1082  }
0x22: {  	[simem:s7], [sflag:s8] =	dma.local @!p0 [hbm:s6], $0xF7A  }
0x23: {  	s9 =	sor.u32 $0xD0000000, s2;
	s6 =	simm.s32 $0x108;
	_ =	swait.ge @!p0 [sflag:s8], $0x0  }
0x24: {  	s3 =	sadd.s32 $0x88, s3;
	s6 =	simm.s32 @!p1 $0x1082;
	[sflag:s4] =	ssyncset.s32 $0xFFFFF086  }
0x25: {  	[simem:s6], [sflag:s4] =	dma.local [hbm:s3], $0xF7A  }
0x26: {  	[smem:$0x3F94] =	sst s1;
	(tag) =	ssettag s2;
	_ =	strace s9  }
0x27: {  	s1 =	sld [smem:$0x3FA4]  }
0x28: {  	s2 =	sld [smem:$0x3FA5]  }
0x29: {  	s4 =	sld [smem:$0x3FA7]  }
0x2a: {  	p0 =	seq.s32 s5, $0x0;
	s5 =	sld [smem:$0x3FA8]  }
0x2b: {  	s6 =	sld [smem:$0x3FA9]  }
0x2c: {  	s7 =	sld [smem:$0x3FAA]  }
0x2d: {  	s3 =	simm.s32 $0x108;
	s8 =	sld [smem:$0x3FAB]  }
0x2e: {  	s3 =	simm.s32 @!p0 $0x1082;
	s9 =	sld [smem:$0x3FAC]  }
0x2f: {  	lr =	sadd.s32 s0, s3;
	s0 =	sld [smem:$0x3FA3]  }
0x30: {  	s3 =	sld [smem:$0x3FA6]  }
0x31: {  	[smem:$0x3FAF] =	sst s10  }
0x32: {  	s10 =	sld [smem:$0x3FAD];
	_ =	sdelay $0x3  }
0x33: {  	p0 =	seq.s32 s10, $0x1;
	s10 =	sld [smem:$0x3FAF];
	_ =	sdelay $0x3  }
0x34: {  	[smem:$0x3FAF] =	sst s10  }
0x35: {  	s10 =	sld [smem:$0x3FAE];
	_ =	sdelay $0x3  }
0x36: {  	p1 =	seq.s32 s10, $0x1;
	s10 =	sld [smem:$0x3FAF];
	_ =	sdelay $0x3  }
0x37: {  	[smem:$0x3FAF] =	sst s10  }
0x38: {  	s10 =	sld [smem:$0x3FB0]  }
0x39: {  	_ = 	snop;
	(pc) =	sbr.ind lr, $3  }
0x3a: {  	_ = 	snop  }
0x3b: {  	_ = 	snop  }
0x3c: {  	p2 =	seq.s32 s10, $0x1;
	s10 =	sld [smem:$0x3FAF]  }
0x3d: {  	_ =	shalt  }
0x3e: {  	_ =	shalt  }
0x3f: {  	_ =	shalt  }
0x40: {  	_ =	shalt  }
0x41: {  	_ =	shalt  }
0x42: {  	_ =	shalt  }
0x43: {  	_ =	shalt  }
0x44: {  	_ =	shalt  }
0x45: {  	_ =	shalt  }
0x46: {  	_ =	shalt  }
0x47: {  	_ =	shalt  }
0x48: {  	_ =	shalt  }
0x49: {  	_ =	shalt  }
0x4a: {  	_ =	shalt  }
0x4b: {  	_ =	shalt  }
0x4c: {  	_ =	shalt  }
0x4d: {  	_ =	shalt  }
0x4e: {  	_ =	shalt  }
0x4f: {  	_ =	shalt  }
0x50: {  	_ =	shalt  }
0x51: {  	_ =	shalt  }
0x52: {  	_ =	shalt  }
0x53: {  	_ =	shalt  }
0x54: {  	_ =	shalt  }
0x55: {  	_ =	shalt  }
0x56: {  	_ =	shalt  }
0x57: {  	_ =	shalt  }
0x58: {  	_ =	shalt  }
0x59: {  	_ =	shalt  }
0x5a: {  	_ =	shalt  }
0x5b: {  	_ =	shalt  }
0x5c: {  	_ =	shalt  }
0x5d: {  	_ =	shalt  }
0x5e: {  	_ =	shalt  }
0x5f: {  	_ =	shalt  }
0x60: {  	_ =	shalt  }
0x61: {  	_ =	shalt  }
0x62: {  	_ =	shalt  }
0x63: {  	_ =	shalt  }
0x64: {  	_ =	shalt  }
0x65: {  	_ =	shalt  }
0x66: {  	_ =	shalt  }
0x67: {  	_ =	shalt  }
0x68: {  	_ =	shalt  }
0x69: {  	_ =	shalt  }
0x6a: {  	_ =	shalt  }
0x6b: {  	_ =	shalt  }
0x6c: {  	_ =	shalt  }
0x6d: {  	_ =	shalt  }
0x6e: {  	_ =	shalt  }
0x6f: {  	_ =	shalt  }
0x70: {  	_ =	shalt  }
0x71: {  	_ =	shalt  }
0x72: {  	_ =	shalt  }
0x73: {  	_ =	shalt  }
0x74: {  	_ =	shalt  }
0x75: {  	_ =	shalt  }
0x76: {  	_ =	shalt  }
0x77: {  	_ =	shalt  }
0x78: {  	_ =	shalt  }
0x79: {  	_ =	shalt  }
0x7a: {  	_ =	shalt  }
0x7b: {  	_ =	shalt  }
0x7c: {  	_ =	shalt  }
0x7d: {  	_ =	shalt  }
0x7e: {  	_ =	shalt  }
0x7f: {  	_ =	shalt  }
0x80: {  	_ =	shalt  }
0x81: {  	_ =	shalt  }
0x82: {  	_ =	shalt  }
0x83: {  	_ =	shalt  }
0x84: {  	_ =	shalt  }
0x85: {  	_ =	shalt  }
0x86: {  	_ =	shalt  }
0x87: {  	_ =	shalt  }
.Lfunc_end0:
.L_simem_size_0:
called_computation_lowered:
.L_overlay_start_0:
0x88: {  	s2 =	sld [smem:$0x3FD9]  }
0x89: {  	s3 =	sld [smem:$0x3FFE];
	_ =	sdelay $0x1  }
0x8a: {  	s1 =	srdreg.scid  }
0x8b: {  	s0 =	sand.u32 $0x1, s1  }
0x8c: {  	s17 =	sshll.u32 s0, $0xA;
	s2 =	sadd.s32 s3, s2  }
0x8d: {  	s2 =	sadd.s32 s2, s17  }
0x8e: {  	[smem:$0x3FBB] =	sst s2  }
0x8f: {  	_ = 	snop  }
0x90: {  	s2 =	sld [smem:$0x3FD0];
	(tm) =	ssettm $0x1  }
0x91: {  	s18 =	sld [smem:$0x3FFB];
	_ =	sdelay $0x3  }
0x92: {  	_ =	strace s18  }
0x93: {  	s3 =	sld [smem:$0x3FFC];
	_ =	sdelay $0x3  }
0x94: {  	_ =	strace s3  }
0x95: {  	s3 =	sld [smem:$0x3FFD];
	_ =	sdelay $0x3  }
0x96: {  	_ =	strace s3  }
0x97: {  	_ =	strace $0x8FFFFFFF  }
0x98: {  	s19 =	sld [smem:$0x3FDB];
	_ =	sdelay $0x1  }
0x99: {  	s4 =	simm.s32 $_scs_section_size  }
0x9a: {  	s5 =	simm.s32 $_size__tile_overlayer_lowered;
	s6 =	simm.s32 $_tile_overlayer_lowered  }
0x9b: {  	s22 =	simm.s32 $0x1BFF;
	s21 =	sshll.u32 s6, $0x1;
	s3 =	sadd.s32 s4, s19  }
0x9c: {  	s7 =	simm.s32 $0x0;
	s20 =	sshll.u32 s5, $0x1;
	s5 =	sadd.s32 s21, s3  }
0x9d: {  	[timem:s7], [sflag:s22] =	dma.local [hbm:s5], s20  }
0x9e: {  	_ =	swait.ge [sflag:s22], s20  }
0x9f: {  	s4 =	ssub.s32 $0x0, s20;
	[sflag:s22] =	ssyncset.done $0x0  }
0xa0: {  	[sflag:s22] =	ssyncadd.s32 s4;
	_ =	sdelay $0x1  }
0xa1: {  	s23 =	simm.s32 $0x1B8B  }
0xa2: {  	_ =	swait.ge [sflag:s23], $0x1  }
0xa3: {  	[sflag:s23] =	ssyncset.done $0x0  }
0xa4: {  	s25 =	simm.s32 $0x1B8E;
	s24 =	sld [smem:$0x3FFE];
	[sflag:s23] =	ssyncadd.s32 $0xFFFFFFFF  }
0xa5: {  	s26 =	simm.s32 $execute0_lowered;
	[smem:$0x3FD2] =	sst s25  }
0xa6: {  	s5 =	sshll.u32 s26, $0x1;
	_ =	strace $0x80000046;
	[dreg:$0x1] =	wrdreg $0xFFFFFFFF  }
0xa7: {  	s28 =	simm.s32 $_size_execute0_lowered;
	s3 =	sadd.s32 s3, s5;
	[dreg:$0x0] =	wrdreg $0x0  }
0xa8: {  	s5 =	sshll.u32 s28, $0x1;
	[dreg:$0x2] =	wrdreg s3  }
0xa9: {  	[dreg:$0x3] =	wrdreg s5  }
0xaa: {  	[dreg:$0x4] =	wrdreg $0xC0  }
0xab: {  	_ =	task [dreg:s7], $0x5FFFF  }
0xac: {  	[dreg:$0x1] =	wrdreg $0xFFFFFFFF  }
0xad: {  	[dreg:$0x0] =	wrdreg $0x60  }
0xae: {  	[dreg:$0x2] =	wrdreg s2  }
0xaf: {  	[dreg:$0x3] =	wrdreg s24  }
0xb0: {  	[dreg:$0x4] =	wrdreg $0x9  }
0xb1: {  	_ =	task.clear_ibuf [dreg:s7], $0x5FFFF;
	_ =	strace $0x90000046  }
0xb2: {  	s29 =	simm.s32 $0x9;
	_ =	strace $0x80000048  }
0xb3: {  	_ =	swait.ge [sflag:s29], $0x1  }
0xb4: {  	[sflag:s29] =	ssyncadd.s32 $0xFFFFFFFF  }
0xb5: {  	_ =	strace $0x90000048  }
0xb6: {  	_ =	sfence  }
0xb7: {  	s30 =	sld [smem:$0x0];
	_ =	sdelay $0x2  }
0xb8: {  	s31 =	sshll.u32 s1, $0xD;
	s1 =	sshrl.u32 s1, $0x2  }
0xb9: {  	s3 =	sand.u32 $0x4000, s31;
	s1 =	sadd.s32 s1, s30  }
0xba: {  	s0 =	sor.u32 s3, s0;
	s1 =	sshll.u32 s1, $0x11  }
0xbb: {  	s0 =	sor.u32 s1, s0  }
0xbc: {  	s0 =	sadd.s32 $0x8F2B, s0  }
0xbd: {  	[sflag:s0] =	ssyncadd.remote.s32 $0x1  }
0xbe: {  	_ =	sfence.sel $0xFFFF  }
0xbf: {  	[dreg:$0x0] =	wrdreg $0xFFFFFFFF;
	(pc) =	sbr.abs _section_cstart, $3  }
0xc0: {  	[dreg:$0x1] =	wrdreg $0xFFFFFFFF  }
0xc1: {  	_ =	task.clear_ibuf [dreg:s7], $0x2FFFF;
	_ =	strace $0x9FFFFFFF  }
0xc2: {  	(tm) =	ssettm $0x7FFFFFFF  }
0xc3: {  	_ =	shalt  }
tec
execute0_lowered:
.L_overlay_start_1:
0x0: {  	(tag) =	ssettag $0x1  }
0x1: {  	s2 =	rddreg [dreg:$0x0];
	s0 =	srdreg.scid  }
0x2: {  	s12 =	stileid.u32;
	s1 =	rddreg [dreg:$0x1]  }
0x3: {  	s3 =	simm.s32 $0x0;
	s13 =	simm.s32 $0x80;
	s14 =	simm.s32 $0x3000  }
0x4: {  	s15 =	simm.s32 $0x100;
	s16 =	simm.s32 $0x5800;
	s17 =	simm.s32 $0x180  }
0x5: {  	s18 =	simm.s32 $0x8000;
	s25 =	simm.s32 $0x480;
	s26 =	simm.s32 $0xF800  }
0x6: {  	s29 =	simm.s32 $0x500;
	s30 =	simm.s32 $0x12000;
	s28 =	simm.s32 $0x17000  }
0x7: {  	s31 =	simm.s32 $0x0;
	s0 =	sand.u32 $0x1, s0;
	s4 =	sshll.u32 s12, $0x1  }
0x8: {  	[smem:$0x7FF] =	sst s3;
	s6 =	sadd.s32 $0x4600, s1;
	s9 =	smul.u32 $0x32, s12  }
0x9: {  	s1 =	sadd.s32 $0x44800, s1;
	s21 =	smul.u32 $0x4E200, s12;
	s4 =	sor.u32 s0, s4  }
0xa: {  	_ =	strace $0x80000047;
	s11 =	smul.u32 $0x19, s0;
	[dreg:$0x5] =	wrdreg s25  }
0xb: {  	s8 =	ssub.s32 $0x2, s0;
	s0 =	smul.u32 $0x27100, s0;
	[dreg:$0x6] =	wrdreg s26  }
0xc: {  	s12 =	simm.s32 $0x800;
	[dreg:$0x7] =	wrdreg s29;
	s5 =	smul.u32 $0xC80, s4  }
0xd: {  	[dreg:$0x8] =	wrdreg s30;
	s25 =	simm.s32 $0x14800;
	s7 =	smul.u32 $0x6400, s4  }
0xe: {  	s26 =	simm.s32 $0x600;
	s10 =	sshrl.u32 s8, $0x1;
	s4 =	smul.u32 $0x138800, s4  }
0xf: {  	s8 =	ssub.s32 s8, s10;
	s20 =	sadd.s32 s11, s9;
	s9 =	simm.s32 $0x400  }
0x10: {  	s10 =	simm.s32 $0x1;
	s11 =	simm.s32 $0x50;
	s7 =	sshrl.u32 s7, $0x3  }
0x11: {  	s5 =	sadd.s32 s6, s5;
	s4 =	sshrl.u32 s4, $0x3;
	s24 =	smax.u32 s8, $0x1  }
0x12: {  	s7 =	sadd.s32 s6, s7;
	[dreg:$0x9] =	wrdreg s5;
	s5 =	sshll.u32 s20, $0x7  }
0x13: {  	s4 =	sadd.s32 s1, s4;
	s1 =	sadd.s32 s21, s1;
	[dreg:$0xc] =	wrdreg s24  }
0x14: {  	s20 =	simm.s32 $0xA800;
	s21 =	simm.s32 $0x3;
	s19 =	sadd.s32 $0x80, s7  }
0x15: {  	s5 =	sadd.s32 s5, s6;
	s4 =	sadd.s32 $0x25800, s4;
	[dreg:$0xa] =	wrdreg s19  }
0x16: {  	s0 =	sadd.s32 s0, s1;
	[dreg:$0xb] =	wrdreg s4;
	s22 =	sadd.s32 $0x180, s5  }
0x17: {  	s24 =	simm.s32 $0x580;
	s0 =	sadd.s32 $0x1900, s0;
	[dreg:$0x3] =	wrdreg s22  }
0x18: {  	s23 =	sadd.s32 $0x100, s5;
	s19 =	simm.s32 $0x200;
	[dreg:$0xd] =	wrdreg s0  }
0x19: {  	[dreg:$0x4] =	wrdreg s23;
	s22 =	simm.s32 $0x2;
	s23 =	simm.s32 $0xD000  }
.LBB2_1:
0x1a: {  	s0 =	rddreg [dreg:$0x9];
	p0 =	por $0x1, $0x1  }
0x1b: {  	[tilespmem:s3], [sflag:$0x1] =	stream.linear.gather [hbm4b:s0+s3], $0x280, $0x38;
	[tilespmem:$0x19800] =	vst v63  }
0x1c: {  	p0 =	por p0, p0  }
0x1d: {  	s5 =	rddreg [dreg:$0xa];
	s0 =	simm.s32 @!p0 $0x4  }
0x1e: {  	[tilespmem:s9], [sflag:$0x2] =	stream.linear.gather [hbm4b:s5+s3], $0x280, $0x38;
	[tilespmem:$0x19800] =	vst v63  }
0x1f: {  	_ =	swait.ge @!p0 [sflag:s0], $0xC800  }
0x20: {  	[sflag:s0] =	ssyncset.done @!p0 $0x0  }
0x21: {  	[sflag:s0] =	ssyncadd.s32 @!p0 $0xFFFF3800  }
0x22: {  	_ =	swait.ge [sflag:s10], $0x280  }
0x23: {  	[sflag:s10] =	ssyncset.done $0x0  }
0x24: {  	[sflag:s10] =	ssyncadd.s32 $0xFFFFFD80  }
0x25: {  	[tilespmem:s12], [sflag:$0x3] =	stream.indirect.gather [hbm4b:s2+s11], $0x80, s3, s11, $0xb8;
	[tilespmem:$0x19800] =	vst v63  }
0x26: {  	_ = 	snop  }
0x27: {  	[tilespmem:s14], [sflag:$0x3] =	stream.indirect.gather [hbm4b:s2+s11], $0x80, s13, s11, $0xb8;
	[tilespmem:$0x19800] =	vst v63  }
0x28: {  	_ = 	snop  }
0x29: {  	[tilespmem:s16], [sflag:$0x3] =	stream.indirect.gather [hbm4b:s2+s11], $0x80, s15, s11, $0xb8;
	[tilespmem:$0x19800] =	vst v63  }
0x2a: {  	_ = 	snop  }
0x2b: {  	[tilespmem:s18], [sflag:$0x3] =	stream.indirect.gather [hbm4b:s2+s11], $0x80, s17, s11, $0xb8;
	[tilespmem:$0x19800] =	vst v63  }
0x2c: {  	_ = 	snop  }
0x2d: {  	[tilespmem:s20], [sflag:$0x3] =	stream.indirect.gather [hbm4b:s2+s11], $0x80, s19, s11, $0xb8;
	[tilespmem:$0x19800] =	vst v63  }
0x2e: {  	_ =	swait.ge [sflag:s21], $0x2800  }
0x2f: {  	[sflag:s21] =	ssyncset.done $0x0  }
0x30: {  	[sflag:s21] =	ssyncadd.s32 $0xFFFFD800  }
0x31: {  	_ =	swait.ge [sflag:s21], $0x2800  }
0x32: {  	[sflag:s21] =	ssyncset.done $0x0  }
0x33: {  	[sflag:s21] =	ssyncadd.s32 $0xFFFFD800  }
0x34: {  	_ =	swait.ge [sflag:s21], $0x2800  }
0x35: {  	[sflag:s21] =	ssyncset.done $0x0  }
0x36: {  	[sflag:s21] =	ssyncadd.s32 $0xFFFFD800  }
0x37: {  	_ =	swait.ge [sflag:s21], $0x2800  }
0x38: {  	[sflag:s21] =	ssyncset.done $0x0  }
0x39: {  	[sflag:s21] =	ssyncadd.s32 $0xFFFFD800  }
0x3a: {  	_ =	swait.ge [sflag:s21], $0x2800  }
0x3b: {  	s6 =	rddreg [dreg:$0x4];
	[sflag:s21] =	ssyncset.done $0x0  }
0x3c: {  	s8 =	rddreg [dreg:$0xd];
	[sflag:s21] =	ssyncadd.s32 $0xFFFFD800;
	s0 =	sadd.s32 $0x0, s6  }
0x3d: {  	[tilespmem:s3], [sflag:$0x1] =	stream.linear.gather [hbm4b:s0+s3], $0x280, $0x38;
	[tilespmem:$0x19800] =	vst v63  }
0x3e: {  	s1 =	simm.s32 @!p0 $0x5;
	s7 =	sadd.s32 $0xFFFFE700, s8  }
0x3f: {  	[hbm4b:s7+s3] =	stream.linear.scatter [tilespmem:s12], [sflag:$0x4], $0xC800, $0x38;
	[tilespmem:$0x19800] =	vst v63  }
0x40: {  	_ =	swait.ge @!p0 [sflag:s1], $0xC800  }
0x41: {  	[sflag:s1] =	ssyncset.done @!p0 $0x0  }
0x42: {  	[sflag:s1] =	ssyncadd.s32 @!p0 $0xFFFF3800  }
0x43: {  	_ =	swait.ge [sflag:s22], $0x280  }
0x44: {  	s29 =	rddreg [dreg:$0x7];
	[sflag:s22] =	ssyncset.done $0x0  }
0x45: {  	s30 =	rddreg [dreg:$0x5];
	[sflag:s22] =	ssyncadd.s32 $0xFFFFFD80  }
0x46: {  	[tilespmem:s23], [sflag:$0x3] =	stream.indirect.gather [hbm4b:s2+s11], $0x80, s9, s11, $0xb8;
	[tilespmem:$0x19800] =	vst v63  }
0x47: {  	s4 =	rddreg [dreg:$0x6]  }
0x48: {  	[tilespmem:s4], [sflag:$0x3] =	stream.indirect.gather [hbm4b:s2+s11], $0x80, s30, s11, $0xb8;
	[tilespmem:$0x19800] =	vst v63  }
0x49: {  	s6 =	rddreg [dreg:$0x8]  }
0x4a: {  	[tilespmem:s6], [sflag:$0x3] =	stream.indirect.gather [hbm4b:s2+s11], $0x80, s29, s11, $0xb8;
	[tilespmem:$0x19800] =	vst v63  }
0x4b: {  	_ = 	snop  }
0x4c: {  	[tilespmem:s25], [sflag:$0x3] =	stream.indirect.gather [hbm4b:s2+s11], $0x80, s24, s11, $0xb8;
	[tilespmem:$0x19800] =	vst v63  }
0x4d: {  	_ = 	snop  }
0x4e: {  	[tilespmem:s28], [sflag:$0x3] =	stream.indirect.gather [hbm4b:s2+s11], $0x80, s26, s11, $0xb8;
	[tilespmem:$0x19800] =	vst v63  }
0x4f: {  	_ =	swait.ge [sflag:s21], $0x2800  }
0x50: {  	[sflag:s21] =	ssyncset.done $0x0  }
0x51: {  	[sflag:s21] =	ssyncadd.s32 $0xFFFFD800  }
0x52: {  	_ =	swait.ge [sflag:s21], $0x2800  }
0x53: {  	[sflag:s21] =	ssyncset.done $0x0  }
0x54: {  	[sflag:s21] =	ssyncadd.s32 $0xFFFFD800  }
0x55: {  	_ =	swait.ge [sflag:s21], $0x2800  }
0x56: {  	[sflag:s21] =	ssyncset.done $0x0  }
0x57: {  	[sflag:s21] =	ssyncadd.s32 $0xFFFFD800  }
0x58: {  	_ =	swait.ge [sflag:s21], $0x2800  }
0x59: {  	[sflag:s21] =	ssyncset.done $0x0  }
0x5a: {  	[sflag:s21] =	ssyncadd.s32 $0xFFFFD800  }
0x5b: {  	p0 =	por $0x0, $0x0;
	_ =	swait.ge [sflag:s21], $0x2800  }
0x5c: {  	s1 =	simm.s32 @!p0 $0x0;
	s0 =	rddreg [dreg:$0x3];
	[sflag:s21] =	ssyncset.done $0x0  }
0x5d: {  	s4 =	simm.s32 @!p0 $0x400;
	[sflag:s21] =	ssyncadd.s32 $0xFFFFD800;
	s0 =	sadd.s32 @!p0 $0x0, s0  }
0x5e: {  	[tilespmem:s4], [sflag:$0x2] =	stream.linear.gather @!p0 [hbm4b:s0+s1], $0x280, $0x38;
	[tilespmem:$0x19800] =	vst v63  }
0x5f: {  	p6 =	por $0x0, $0x0;
	s0 =	simm.s32 $0x100  }
0x60: {  	s4 =	simm.s32 $0x200;
	p0 =	por p6, p6;
	s1 =	sadd.s32 $0x3200, s8  }
.LBB2_2:
0x61: {  	s7 =	simm.s32 @!p0 $0x4  }
0x62: {  	[hbm4b:s8+s3] =	stream.linear.scatter [tilespmem:s23], [sflag:$0x5], $0xC800, $0x38;
	[tilespmem:$0x19800] =	vst v63  }
0x63: {  	_ =	swait.ge @!p0 [sflag:s7], $0xC800  }
0x64: {  	[sflag:s7] =	ssyncset.done @!p0 $0x0  }
0x65: {  	[sflag:s7] =	ssyncadd.s32 @!p0 $0xFFFF3800  }
0x66: {  	_ =	swait.ge [sflag:s10], $0x280  }
0x67: {  	[sflag:s10] =	ssyncset.done $0x0  }
0x68: {  	[sflag:s10] =	ssyncadd.s32 $0xFFFFFD80  }
0x69: {  	[tilespmem:s12], [sflag:$0x3] =	stream.indirect.gather [hbm4b:s2+s11], $0x80, s3, s11, $0xb8;
	[tilespmem:$0x19800] =	vst v63  }
0x6a: {  	_ = 	snop  }
0x6b: {  	[tilespmem:s14], [sflag:$0x3] =	stream.indirect.gather [hbm4b:s2+s11], $0x80, s13, s11, $0xb8;
	[tilespmem:$0x19800] =	vst v63  }
0x6c: {  	_ = 	snop  }
0x6d: {  	[tilespmem:s16], [sflag:$0x3] =	stream.indirect.gather [hbm4b:s2+s11], $0x80, s15, s11, $0xb8;
	[tilespmem:$0x19800] =	vst v63  }
0x6e: {  	_ = 	snop  }
0x6f: {  	[tilespmem:s18], [sflag:$0x3] =	stream.indirect.gather [hbm4b:s2+s11], $0x80, s17, s11, $0xb8;
	[tilespmem:$0x19800] =	vst v63  }
0x70: {  	_ = 	snop  }
0x71: {  	[tilespmem:s20], [sflag:$0x3] =	stream.indirect.gather [hbm4b:s2+s11], $0x80, s19, s11, $0xb8;
	[tilespmem:$0x19800] =	vst v63  }
0x72: {  	_ =	swait.ge [sflag:s21], $0x2800  }
0x73: {  	[sflag:s21] =	ssyncset.done $0x0  }
0x74: {  	[sflag:s21] =	ssyncadd.s32 $0xFFFFD800  }
0x75: {  	_ =	swait.ge [sflag:s21], $0x2800  }
0x76: {  	[sflag:s21] =	ssyncset.done $0x0  }
0x77: {  	[sflag:s21] =	ssyncadd.s32 $0xFFFFD800  }
0x78: {  	_ =	swait.ge [sflag:s21], $0x2800  }
0x79: {  	[sflag:s21] =	ssyncset.done $0x0  }
0x7a: {  	[sflag:s21] =	ssyncadd.s32 $0xFFFFD800  }
0x7b: {  	_ =	swait.ge [sflag:s21], $0x2800  }
0x7c: {  	[sflag:s21] =	ssyncset.done $0x0  }
0x7d: {  	[sflag:s21] =	ssyncadd.s32 $0xFFFFD800  }
0x7e: {  	_ =	swait.ge [sflag:s21], $0x2800  }
0x7f: {  	s5 =	rddreg [dreg:$0x4];
	[sflag:s21] =	ssyncset.done $0x0  }
0x80: {  	[sflag:s21] =	ssyncadd.s32 $0xFFFFD800;
	s7 =	sadd.s32 s0, s5  }
0x81: {  	[tilespmem:s3], [sflag:$0x1] =	stream.linear.gather [hbm4b:s7+s3], $0x280, $0x38;
	[tilespmem:$0x19800] =	vst v63  }
0x82: {  	s29 =	sadd.s32 $0xFFFFE700, s1;
	s30 =	simm.s32 @!p0 $0x5  }
0x83: {  	[hbm4b:s29+s3] =	stream.linear.scatter [tilespmem:s12], [sflag:$0x4], $0xC800, $0x38;
	[tilespmem:$0x19800] =	vst v63  }
0x84: {  	_ =	swait.ge @!p0 [sflag:s30], $0xC800  }
0x85: {  	[sflag:s30] =	ssyncset.done @!p0 $0x0  }
0x86: {  	[sflag:s30] =	ssyncadd.s32 @!p0 $0xFFFF3800  }
0x87: {  	_ =	swait.ge [sflag:s22], $0x280  }
0x88: {  	[sflag:s22] =	ssyncset.done $0x0;
	s7 =	rddreg [dreg:$0x7]  }
0x89: {  	s30 =	rddreg [dreg:$0x5];
	[sflag:s22] =	ssyncadd.s32 $0xFFFFFD80  }
0x8a: {  	[tilespmem:s23], [sflag:$0x3] =	stream.indirect.gather [hbm4b:s2+s11], $0x80, s9, s11, $0xb8;
	[tilespmem:$0x19800] =	vst v63  }
0x8b: {  	s5 =	rddreg [dreg:$0x6]  }
0x8c: {  	[tilespmem:s5], [sflag:$0x3] =	stream.indirect.gather [hbm4b:s2+s11], $0x80, s30, s11, $0xb8;
	[tilespmem:$0x19800] =	vst v63  }
0x8d: {  	s29 =	rddreg [dreg:$0x8]  }
0x8e: {  	[tilespmem:s29], [sflag:$0x3] =	stream.indirect.gather [hbm4b:s2+s11], $0x80, s7, s11, $0xb8;
	[tilespmem:$0x19800] =	vst v63  }
0x8f: {  	_ = 	snop  }
0x90: {  	[tilespmem:s25], [sflag:$0x3] =	stream.indirect.gather [hbm4b:s2+s11], $0x80, s24, s11, $0xb8;
	[tilespmem:$0x19800] =	vst v63  }
0x91: {  	_ = 	snop  }
0x92: {  	[tilespmem:s28], [sflag:$0x3] =	stream.indirect.gather [hbm4b:s2+s11], $0x80, s26, s11, $0xb8;
	[tilespmem:$0x19800] =	vst v63  }
0x93: {  	_ =	swait.ge [sflag:s21], $0x2800  }
0x94: {  	[sflag:s21] =	ssyncset.done $0x0  }
0x95: {  	[sflag:s21] =	ssyncadd.s32 $0xFFFFD800  }
0x96: {  	_ =	swait.ge [sflag:s21], $0x2800  }
0x97: {  	[sflag:s21] =	ssyncset.done $0x0  }
0x98: {  	[sflag:s21] =	ssyncadd.s32 $0xFFFFD800  }
0x99: {  	_ =	swait.ge [sflag:s21], $0x2800  }
0x9a: {  	[sflag:s21] =	ssyncset.done $0x0  }
0x9b: {  	p2 =	seq.s32 s4, $0x0;
	s6 =	smov.u32 s4;
	[sflag:s21] =	ssyncadd.s32 $0xFFFFD800  }
0x9c: {  	s4 =	sadd.s32 $0x100, s4;
	s8 =	smov.u32 s1;
	_ =	swait.ge [sflag:s21], $0x2800  }
0x9d: {  	p1 =	sne.s32 s4, $0xC00;
	p0 =	por p2, p2;
	[sflag:s21] =	ssyncset.done $0x0  }
.Ltmp0:
0x9e: {  	p2 =	seq.s32 s0, $0xB00;
	[sflag:s21] =	ssyncadd.s32 $0xFFFFD800;
	(pc) =	sbr.rel @p1 .LBB2_2-.Ltmp0, $4  }
0x9f: {  	s1 =	sadd.s32 $0x3200, s1;
	s7 =	simm.s32 @!p2 $0x0;
	_ =	swait.ge [sflag:s21], $0x2800  }
0xa0: {  	s29 =	simm.s32 @!p2 $0x400;
	s5 =	rddreg [dreg:$0x3];
	[sflag:s21] =	ssyncset.done $0x0  }
0xa1: {  	[sflag:s21] =	ssyncadd.s32 $0xFFFFD800;
	s5 =	sadd.s32 @!p2 s0, s5;
	s0 =	smov.u32 s6  }
0xa2: {  	[tilespmem:s29], [sflag:$0x2] =	stream.linear.gather @!p2 [hbm4b:s5+s7], $0x280, $0x38;
	[tilespmem:$0x19800] =	vst v63  }
0xa3: {  	s4 =	simm.s32 @!p0 $0x4  }
0xa4: {  	[hbm4b:s8+s3] =	stream.linear.scatter [tilespmem:s23], [sflag:$0x5], $0xC800, $0x38;
	[tilespmem:$0x19800] =	vst v63  }
0xa5: {  	_ =	swait.ge @!p0 [sflag:s4], $0xC800  }
0xa6: {  	[sflag:s4] =	ssyncset.done @!p0 $0x0  }
0xa7: {  	[sflag:s4] =	ssyncadd.s32 @!p0 $0xFFFF3800  }
0xa8: {  	_ =	swait.ge [sflag:s10], $0x280  }
0xa9: {  	[sflag:s10] =	ssyncset.done $0x0  }
0xaa: {  	[sflag:s10] =	ssyncadd.s32 $0xFFFFFD80  }
0xab: {  	[tilespmem:s12], [sflag:$0x3] =	stream.indirect.gather [hbm4b:s2+s11], $0x80, s3, s11, $0xb8;
	[tilespmem:$0x19800] =	vst v63  }
0xac: {  	_ = 	snop  }
0xad: {  	[tilespmem:s14], [sflag:$0x3] =	stream.indirect.gather [hbm4b:s2+s11], $0x80, s13, s11, $0xb8;
	[tilespmem:$0x19800] =	vst v63  }
0xae: {  	_ = 	snop  }
0xaf: {  	[tilespmem:s16], [sflag:$0x3] =	stream.indirect.gather [hbm4b:s2+s11], $0x80, s15, s11, $0xb8;
	[tilespmem:$0x19800] =	vst v63  }
0xb0: {  	_ = 	snop  }
0xb1: {  	[tilespmem:s18], [sflag:$0x3] =	stream.indirect.gather [hbm4b:s2+s11], $0x80, s17, s11, $0xb8;
	[tilespmem:$0x19800] =	vst v63  }
0xb2: {  	_ = 	snop  }
0xb3: {  	[tilespmem:s20], [sflag:$0x3] =	stream.indirect.gather [hbm4b:s2+s11], $0x80, s19, s11, $0xb8;
	[tilespmem:$0x19800] =	vst v63  }
0xb4: {  	_ =	swait.ge [sflag:s21], $0x2800  }
0xb5: {  	[sflag:s21] =	ssyncset.done $0x0  }
0xb6: {  	[sflag:s21] =	ssyncadd.s32 $0xFFFFD800  }
0xb7: {  	_ =	swait.ge [sflag:s21], $0x2800  }
0xb8: {  	[sflag:s21] =	ssyncset.done $0x0  }
0xb9: {  	[sflag:s21] =	ssyncadd.s32 $0xFFFFD800  }
0xba: {  	_ =	swait.ge [sflag:s21], $0x2800  }
0xbb: {  	[sflag:s21] =	ssyncset.done $0x0  }
0xbc: {  	[sflag:s21] =	ssyncadd.s32 $0xFFFFD800  }
0xbd: {  	_ =	swait.ge [sflag:s21], $0x2800  }
0xbe: {  	[sflag:s21] =	ssyncset.done $0x0  }
0xbf: {  	[sflag:s21] =	ssyncadd.s32 $0xFFFFD800  }
0xc0: {  	_ =	swait.ge [sflag:s21], $0x2800  }
0xc1: {  	s7 =	rddreg [dreg:$0x4];
	[sflag:s21] =	ssyncset.done $0x0  }
0xc2: {  	[sflag:s21] =	ssyncadd.s32 $0xFFFFD800;
	s4 =	sadd.s32 s0, s7  }
0xc3: {  	[tilespmem:s3], [sflag:$0x1] =	stream.linear.gather [hbm4b:s4+s3], $0x280, $0x38;
	[tilespmem:$0x19800] =	vst v63  }
0xc4: {  	s8 =	sadd.s32 $0xFFFFE700, s1;
	s5 =	simm.s32 @!p0 $0x5  }
0xc5: {  	[hbm4b:s8+s3] =	stream.linear.scatter [tilespmem:s12], [sflag:$0x4], $0xC800, $0x38;
	[tilespmem:$0x19800] =	vst v63  }
0xc6: {  	_ =	swait.ge @!p0 [sflag:s5], $0xC800  }
0xc7: {  	[sflag:s5] =	ssyncset.done @!p0 $0x0  }
0xc8: {  	[sflag:s5] =	ssyncadd.s32 @!p0 $0xFFFF3800  }
0xc9: {  	_ =	swait.ge [sflag:s22], $0x280  }
0xca: {  	s29 =	rddreg [dreg:$0x7];
	[sflag:s22] =	ssyncset.done $0x0  }
0xcb: {  	s30 =	rddreg [dreg:$0x5];
	[sflag:s22] =	ssyncadd.s32 $0xFFFFFD80  }
0xcc: {  	[tilespmem:s23], [sflag:$0x3] =	stream.indirect.gather [hbm4b:s2+s11], $0x80, s9, s11, $0xb8;
	[tilespmem:$0x19800] =	vst v63  }
0xcd: {  	s6 =	rddreg [dreg:$0x6]  }
0xce: {  	[tilespmem:s6], [sflag:$0x3] =	stream.indirect.gather [hbm4b:s2+s11], $0x80, s30, s11, $0xb8;
	[tilespmem:$0x19800] =	vst v63  }
0xcf: {  	s7 =	rddreg [dreg:$0x8]  }
0xd0: {  	[tilespmem:s7], [sflag:$0x3] =	stream.indirect.gather [hbm4b:s2+s11], $0x80, s29, s11, $0xb8;
	[tilespmem:$0x19800] =	vst v63  }
0xd1: {  	_ = 	snop  }
0xd2: {  	[tilespmem:s25], [sflag:$0x3] =	stream.indirect.gather [hbm4b:s2+s11], $0x80, s24, s11, $0xb8;
	[tilespmem:$0x19800] =	vst v63  }
0xd3: {  	_ = 	snop  }
0xd4: {  	[tilespmem:s28], [sflag:$0x3] =	stream.indirect.gather [hbm4b:s2+s11], $0x80, s26, s11, $0xb8;
	[tilespmem:$0x19800] =	vst v63  }
0xd5: {  	_ =	swait.ge [sflag:s21], $0x2800  }
0xd6: {  	[sflag:s21] =	ssyncset.done $0x0  }
0xd7: {  	[sflag:s21] =	ssyncadd.s32 $0xFFFFD800  }
0xd8: {  	_ =	swait.ge [sflag:s21], $0x2800  }
0xd9: {  	[sflag:s21] =	ssyncset.done $0x0  }
0xda: {  	[sflag:s21] =	ssyncadd.s32 $0xFFFFD800  }
0xdb: {  	_ =	swait.ge [sflag:s21], $0x2800  }
0xdc: {  	[sflag:s21] =	ssyncset.done $0x0  }
0xdd: {  	[sflag:s21] =	ssyncadd.s32 $0xFFFFD800  }
0xde: {  	_ =	swait.ge [sflag:s21], $0x2800  }
0xdf: {  	[sflag:s21] =	ssyncset.done $0x0  }
0xe0: {  	[sflag:s21] =	ssyncadd.s32 $0xFFFFD800  }
0xe1: {  	p0 =	seq.s32 s0, $0xB00;
	_ =	swait.ge [sflag:s21], $0x2800  }
0xe2: {  	s5 =	simm.s32 @!p0 $0x0;
	s4 =	rddreg [dreg:$0x3];
	[sflag:s21] =	ssyncset.done $0x0  }
0xe3: {  	[sflag:s21] =	ssyncadd.s32 $0xFFFFD800;
	s0 =	sadd.s32 @!p0 s0, s4;
	s4 =	simm.s32 @!p0 $0x400  }
0xe4: {  	[tilespmem:s4], [sflag:$0x2] =	stream.linear.gather @!p0 [hbm4b:s0+s5], $0x280, $0x38;
	[tilespmem:$0x19800] =	vst v63  }
0xe5: {  	s7 =	simm.s32 $0x4  }
0xe6: {  	[hbm4b:s1+s3] =	stream.linear.scatter [tilespmem:s23], [sflag:$0x5], $0xC800, $0x38;
	[tilespmem:$0x19800] =	vst v63  }
0xe7: {  	_ =	swait.ge [sflag:s7], $0xC800  }
0xe8: {  	[sflag:s7] =	ssyncset.done $0x0  }
0xe9: {  	[sflag:s7] =	ssyncadd.s32 $0xFFFF3800  }
0xea: {  	_ =	swait.ge [sflag:s10], $0x280  }
0xeb: {  	[sflag:s10] =	ssyncset.done $0x0  }
0xec: {  	[sflag:s10] =	ssyncadd.s32 $0xFFFFFD80  }
0xed: {  	[tilespmem:s12], [sflag:$0x3] =	stream.indirect.gather [hbm4b:s2+s11], $0x80, s3, s11, $0xb8;
	[tilespmem:$0x19800] =	vst v63  }
0xee: {  	_ = 	snop  }
0xef: {  	[tilespmem:s14], [sflag:$0x3] =	stream.indirect.gather [hbm4b:s2+s11], $0x80, s13, s11, $0xb8;
	[tilespmem:$0x19800] =	vst v63  }
0xf0: {  	_ = 	snop  }
0xf1: {  	[tilespmem:s16], [sflag:$0x3] =	stream.indirect.gather [hbm4b:s2+s11], $0x80, s15, s11, $0xb8;
	[tilespmem:$0x19800] =	vst v63  }
0xf2: {  	_ = 	snop  }
0xf3: {  	[tilespmem:s18], [sflag:$0x3] =	stream.indirect.gather [hbm4b:s2+s11], $0x80, s17, s11, $0xb8;
	[tilespmem:$0x19800] =	vst v63  }
0xf4: {  	_ = 	snop  }
0xf5: {  	[tilespmem:s20], [sflag:$0x3] =	stream.indirect.gather [hbm4b:s2+s11], $0x80, s19, s11, $0xb8;
	[tilespmem:$0x19800] =	vst v63  }
0xf6: {  	_ =	swait.ge [sflag:s21], $0x2800  }
0xf7: {  	[sflag:s21] =	ssyncset.done $0x0  }
0xf8: {  	[sflag:s21] =	ssyncadd.s32 $0xFFFFD800  }
0xf9: {  	_ =	swait.ge [sflag:s21], $0x2800  }
0xfa: {  	[sflag:s21] =	ssyncset.done $0x0  }
0xfb: {  	[sflag:s21] =	ssyncadd.s32 $0xFFFFD800  }
0xfc: {  	_ =	swait.ge [sflag:s21], $0x2800  }
0xfd: {  	[sflag:s21] =	ssyncset.done $0x0  }
0xfe: {  	[sflag:s21] =	ssyncadd.s32 $0xFFFFD800  }
0xff: {  	_ =	swait.ge [sflag:s21], $0x2800  }
0x100: {  	[sflag:s21] =	ssyncset.done $0x0  }
0x101: {  	[sflag:s21] =	ssyncadd.s32 $0xFFFFD800  }
0x102: {  	_ =	swait.ge [sflag:s21], $0x2800  }
0x103: {  	[sflag:s21] =	ssyncset.done $0x0  }
0x104: {  	s29 =	simm.s32 $0x5;
	s8 =	rddreg [dreg:$0xb];
	[sflag:s21] =	ssyncadd.s32 $0xFFFFD800  }
0x105: {  	[hbm4b:s8+s3] =	stream.linear.scatter [tilespmem:s12], [sflag:$0x4], $0xC800, $0x38;
	[tilespmem:$0x19800] =	vst v63  }
0x106: {  	_ =	swait.ge [sflag:s29], $0xC800  }
0x107: {  	[sflag:s29] =	ssyncset.done $0x0  }
0x108: {  	[sflag:s29] =	ssyncadd.s32 $0xFFFF3800  }
0x109: {  	_ =	swait.ge [sflag:s7], $0xC800  }
0x10a: {  	s31 =	sadd.s32 $0x1, s31;
	s30 =	rddreg [dreg:$0xc]  }
0x10b: {  	p0 =	sne.s32 s31, s30  }
.Ltmp1:
0x10c: {  	_ = 	snop;
	(pc) =	sbr.rel @p0 .LBB2_1-.Ltmp1, $3  }
0x10d: {  	_ =	sdelay $0x1  }
0x10e: {  	[sflag:s7] =	ssyncset.done $0x0  }
0x10f: {  	[sflag:s7] =	ssyncadd.s32 $0xFFFF3800  }
0x110: {  	_ =	sfence.sel $0x180000  }
0x111: {  	[bflag:$0x0] =	sbarrier.arrive $0xFFFF  }
0x112: {  	_ =	strace $0x90000047  }
0x113: {  	s0 =	stileid.u32;
	[bflag:$0x2] =	sbarrier.arrive $0xFFFF  }
0x114: {  	p0 =	sne.s32 s0, $0x0;
	s0 =	rddreg [dreg:$0x2]  }
0x115: {  	s0 =	sadd.s32 @!p0 $0x100000, s0  }
0x116: {  	[sflag:s0] =	ssyncadd.tile.s32 @!p0 $0x1;
	_ =	shalt  }
.Lfunc_end2:
_tile_overlayer_lowered:
.L_overlay_start_2:
0x117: {  	(tag) =	ssettag $0x2  }
0x118: {  	s0 =	rddreg [dreg:$0x0];
	s2 =	stileid.u32  }
0x119: {  	s1 =	rddreg [dreg:$0x1];
	p0 =	sne.s32 s2, $0x0  }
0x11a: {  	s3 =	rddreg [dreg:$0x2];
	[bflag:$0x3] =	sbarrier.arrive $0xFFFF;
	s2 =	simm.s32 @!p0 $0x1C06  }
0x11b: {  	[timem:s3], [sflag:s2] =	dma.local @!p0 [hbm:s0], s1  }
0x11c: {  	s0 =	simm.s32 @!p0 $0x6  }
0x11d: {  	_ =	swait.ge @!p0 [sflag:s0], s1  }
0x11e: {  	s1 =	ssub.s32 @!p0 $0x0, s1;
	[sflag:s0] =	ssyncset.done @!p0 $0x0  }
0x11f: {  	[sflag:s0] =	ssyncadd.s32 @!p0 s1  }
0x120: {  	[bflag:$0x3] =	sbarrier.arrive $0xFFFF  }
0x121: {  	_ =	shalt  }

</sc_bundles>
